<compile_context>
chip_gen: v7x
topology: tpu7x:2x2x1
jax: 0.10.2.dev20260603
libtpu: 0.0.44.dev20260713+nightly
codegen_flags: <defaults>
</compile_context>

<pallas_src>
import functools

import jax
import jax.numpy as jnp
from jax import lax
from jax.experimental import pallas as pl
from jax.experimental.pallas import tpu as pltpu
from jax.experimental.pallas import tpu_sc as plsc

N = 10000
E = 320000
D = 128
DE = 16
G = 64
S = 512
EPS = 1e-5

NC = 2
NS = 16
NW = NC * NS
EPW = E // NW
CW = 80
NCHUNK = EPW // CW
RPT = 624
REXT_START = NS * RPT
REXT = N - REXT_START
RZB = 104

@functools.cache
def _make_sc_spmm():
    mesh = plsc.VectorSubcoreMesh(
        core_axis_name="c", subcore_axis_name="s", num_cores=NC, num_subcores=NS
    )
    return functools.partial(
        pl.kernel,
        out_type=jax.ShapeDtypeStruct((NC, N, D), jnp.float32),
        mesh=mesh,
        scratch_types=[
            pltpu.VMEM((EPW,), jnp.int32),
            pltpu.VMEM((NCHUNK, CW), jnp.int32),
            pltpu.VMEM((CW, D), jnp.float32),
            pltpu.VMEM((CW, D), jnp.float32),
            pltpu.VMEM_SHARED((N, D), jnp.float32),
            pltpu.SemaphoreType.DMA,
        ],
    )(_sc_spmm_body)


def _sc_spmm_body(ei_flat, ei_hbm, h_hbm, out_hbm, src_v, dst_v, r0, r1, acc, sem):
    cid = lax.axis_index("c")
    sid = lax.axis_index("s")
    wid = cid * NS + sid
    pltpu.sync_copy(ei_flat.at[0, wid], src_v)
    pltpu.sync_copy(ei_hbm.at[1, wid], dst_v)

    @pl.loop(0, CW)
    def _zero_fill(i):
        for j in range(D // 16):
            r0[i, pl.ds(j * 16, 16)] = jnp.zeros((16,), jnp.float32)

    rs = pl.multiple_of(sid * RPT, 8)
    for m in range(RPT // CW):
        pltpu.sync_copy(r0, acc.at[pl.ds(rs + m * CW, CW)])
    pltpu.sync_copy(
        r0.at[pl.ds(0, RPT % CW)],
        acc.at[pl.ds(rs + (RPT // CW) * CW, RPT % CW)],
    )

    @pl.when(sid == NS - 1)
    def _zero_tail():
        pltpu.sync_copy(r0.at[pl.ds(0, REXT)], acc.at[pl.ds(REXT_START, REXT)])

    plsc.subcore_barrier()

    def _sidx(k):
        return src_v.at[pl.ds(pl.multiple_of(k * CW, 8), CW)]

    pltpu.async_copy(h_hbm.at[_sidx(0)], r0, sem)

    @pl.loop(0, (NCHUNK - 1) // 2)
    def _chunk(i):
        a = 2 * i
        pltpu.make_async_copy(h_hbm.at[_sidx(0)], r0, sem).wait()
        pltpu.async_copy(h_hbm.at[_sidx(a + 1)], r1, sem)
        pltpu.sync_copy(r0, acc.at[dst_v.at[a]], add=True)
        pltpu.async_copy(h_hbm.at[_sidx(a + 2)], r0, sem)
        pltpu.make_async_copy(h_hbm.at[_sidx(0)], r1, sem).wait()
        pltpu.sync_copy(r1, acc.at[dst_v.at[a + 1]], add=True)

    pltpu.make_async_copy(h_hbm.at[_sidx(0)], r0, sem).wait()
    pltpu.sync_copy(r0, acc.at[dst_v.at[NCHUNK - 1]], add=True)

    plsc.subcore_barrier()
    pltpu.sync_copy(acc.at[pl.ds(rs, RPT)], out_hbm.at[cid, pl.ds(rs, RPT)])

    @pl.when(sid == NS - 1)
    def _write_tail():
        pltpu.sync_copy(
            acc.at[pl.ds(REXT_START, REXT)],
            out_hbm.at[cid, pl.ds(REXT_START, REXT)],
        )


@functools.cache
def _make_sc_pre():
    mesh = plsc.VectorSubcoreMesh(
        core_axis_name="c", subcore_axis_name="s", num_cores=NC, num_subcores=NS
    )
    return functools.partial(
        pl.kernel,
        out_type=jax.ShapeDtypeStruct((NC, N, D), jnp.float32),
        mesh=mesh,
        scratch_types=[
            pltpu.VMEM((NCHUNK, CW), jnp.int32),
            pltpu.VMEM((CW, D), jnp.float32),
            pltpu.VMEM((CW, DE), jnp.float32),
            pltpu.VMEM_SHARED((N, D), jnp.float32),
            pltpu.SemaphoreType.DMA,
        ],
    )(_sc_pre_body)


def _sc_pre_body(ei_hbm, ea_hbm, out_hbm, dst_v, ud_v, ea_v, acc, sem):
    cid = lax.axis_index("c")
    sid = lax.axis_index("s")
    wid = cid * NS + sid
    pltpu.sync_copy(ei_hbm.at[1, wid], dst_v)

    @pl.loop(0, CW)
    def _zero_fill(i):
        for j in range(D // 16):
            ud_v[i, pl.ds(j * 16, 16)] = jnp.zeros((16,), jnp.float32)

    rs = pl.multiple_of(sid * RPT, 8)
    for m in range(RPT // CW):
        pltpu.sync_copy(ud_v, acc.at[pl.ds(rs + m * CW, CW)])
    pltpu.sync_copy(
        ud_v.at[pl.ds(0, RPT % CW)],
        acc.at[pl.ds(rs + (RPT // CW) * CW, RPT % CW)],
    )

    @pl.when(sid == NS - 1)
    def _zero_tail():
        pltpu.sync_copy(ud_v.at[pl.ds(0, REXT)], acc.at[pl.ds(REXT_START, REXT)])

    plsc.subcore_barrier()

    @pl.loop(0, CW)
    def _ones_fill(i):
        ud_v[i, pl.ds(DE, 16)] = jnp.ones((16,), jnp.float32)

    ebase = pl.multiple_of(wid * EPW, 8)

    @pl.loop(0, NCHUNK)
    def _chunk(k):
        pltpu.async_copy(
            ea_hbm.at[pl.ds(pl.multiple_of(ebase + k * CW, 8), CW)], ea_v, sem
        ).wait()

        @pl.loop(0, CW)
        def _fill(i):
            ud_v[i, pl.ds(0, DE)] = ea_v[i, :]

        pltpu.sync_copy(ud_v, acc.at[dst_v.at[k]], add=True)

    plsc.subcore_barrier()
    pltpu.sync_copy(acc.at[pl.ds(rs, RPT)], out_hbm.at[cid, pl.ds(rs, RPT)])

    @pl.when(sid == NS - 1)
    def _write_tail():
        pltpu.sync_copy(
            acc.at[pl.ds(REXT_START, REXT)], out_hbm.at[cid, pl.ds(REXT_START, REXT)]
        )


def _enc_body(x_ref, w_ref, b_ref, o_ref):
    o_ref[...] = (
        jnp.dot(x_ref[...], w_ref[...], preferred_element_type=jnp.float32)
        + b_ref[...]
    )


def _tc_encode(x, W_enc, b_enc):
    return pl.pallas_call(
        _enc_body, out_shape=jax.ShapeDtypeStruct((N, D), jnp.float32)
    )(x, W_enc, b_enc)


def _layer_body(h_ref, p_ref, pre_ref, we_ref, be_ref, wr_ref, wa_ref,
                bg_ref, ga_ref, bt_ref, o_ref):
    pre = pre_ref[0] + pre_ref[1]
    ea = pre[:, 0:DE]
    deg = pre[:, DE:DE + 1]
    agg = (
        p_ref[0]
        + p_ref[1]
        + jnp.dot(ea, we_ref[...], preferred_element_type=jnp.float32)
        + deg * be_ref[...]
    )
    z = (
        jnp.dot(h_ref[...], wr_ref[...], preferred_element_type=jnp.float32)
        + jnp.dot(agg, wa_ref[...], preferred_element_type=jnp.float32)
        + bg_ref[...]
    )
    mu = jnp.mean(z, axis=0, keepdims=True)
    zc = z - mu
    var = jnp.mean(zc * zc, axis=0, keepdims=True)
    zn = zc * lax.rsqrt(var + EPS) * ga_ref[...] + bt_ref[...]
    o_ref[...] = jnp.maximum(zn, 0.0)


def _tc_layer(h, P, pre_p, We, be, Wr, Wa, bg, ga, bt):
    return pl.pallas_call(
        _layer_body, out_shape=jax.ShapeDtypeStruct((N, D), jnp.float32)
    )(h, P, pre_p, We, be, Wr, Wa, bg, ga, bt)


def _pool_body(h_ref, b_ref, sb_ref, ns_ref, gi_ref, w1_ref, b1_ref, w2_ref,
               b2_ref, o_ref):
    ii = lax.broadcasted_iota(jnp.int32, (G, G), 0)
    jj = lax.broadcasted_iota(jnp.int32, (G, G), 1)
    tri = (jj < ii).astype(jnp.float32)
    offs_g = jnp.dot(tri, ns_ref[...].astype(jnp.float32),
                     preferred_element_type=jnp.float32)
    b_oh = (b_ref[...] == lax.broadcasted_iota(jnp.int32, (N, G), 1)).astype(
        jnp.float32
    )
    offs_n = jnp.dot(b_oh, offs_g, preferred_element_type=jnp.float32)
    sid = sb_ref[...].astype(jnp.float32) + offs_n
    oh = (
        sid == lax.broadcasted_iota(jnp.int32, (N, S), 1).astype(jnp.float32)
    ).astype(jnp.float32)
    dn = (((0,), (0,)), ((), ()))
    sums = lax.dot_general(oh, h_ref[...], dn,
                           preferred_element_type=jnp.float32)
    ones_n = jnp.zeros((N, 1), jnp.float32) + 1.0
    cnts = lax.dot_general(oh, ones_n, dn,
                           preferred_element_type=jnp.float32)
    hs = sums / jnp.maximum(cnts, 1.0)
    oh2 = (gi_ref[...] == lax.broadcasted_iota(jnp.int32, (S, G), 1)).astype(
        jnp.float32
    )
    gsum = lax.dot_general(oh2, hs, dn, preferred_element_type=jnp.float32)
    ones_s = jnp.zeros((S, 1), jnp.float32) + 1.0
    gcnt = lax.dot_general(oh2, ones_s, dn, preferred_element_type=jnp.float32)
    hg = gsum / jnp.maximum(gcnt, 1.0)
    t = jnp.maximum(
        jnp.dot(hg, w1_ref[...], preferred_element_type=jnp.float32)
        + b1_ref[...],
        0.0,
    )
    o_ref[...] = (
        jnp.dot(t, w2_ref[...], preferred_element_type=jnp.float32) + b2_ref[...]
    )


def _tc_pool(h, batch2, sb2, ns2, gi2, W1, b1, W2, b2):
    return pl.pallas_call(
        _pool_body, out_shape=jax.ShapeDtypeStruct((G, 1), jnp.float32)
    )(h, batch2, sb2, ns2, gi2, W1, b1, W2, b2)


def kernel(x, edge_index, edge_attr, batch, subgraph_batch, num_subgraphs,
           subgraph_id_batch, W_enc, b_enc, W_edge, b_edge, W_root, W_agg,
           b_gnn, gamma, beta, W1, b1, W2, b2):
    L = W_edge.shape[0]
    ei_r = edge_index.reshape(2, NW, NCHUNK, CW)
    ei_flat = edge_index.reshape(2, NW, EPW)

    h = _tc_encode(x, W_enc, b_enc.reshape(1, D))
    pre_p = _make_sc_pre()(ei_r, edge_attr)
    for l in range(L):
        P = _make_sc_spmm()(ei_flat, ei_r, h)
        h = _tc_layer(
            h, P, pre_p, W_edge[l], b_edge[l].reshape(1, D), W_root[l],
            W_agg[l], b_gnn[l].reshape(1, D), gamma[l].reshape(1, D),
            beta[l].reshape(1, D),
        )
    return _tc_pool(
        h, batch.reshape(N, 1), subgraph_batch.reshape(N, 1),
        num_subgraphs.reshape(G, 1), subgraph_id_batch.reshape(S, 1),
        W1, b1.reshape(1, 2 * D), W2, b2.reshape(1, 1),
    )

# --- scband reference (transcript-rebuilt; emitter-appended) ---
"""Pipeline reference for scband-dsnetwork-47802986004718 (READ-ONLY COPY).

The authoritative reference and input builder live on the scoring server;
editing this copy changes nothing except your own understanding.
"""

import jax, jax.numpy as jnp
import numpy as np

N = 10000
E = 320000
D = 128
DE = 16
L = 3
G = 64
SPG = 8
S = G * SPG
EPS = 1e-5


def setup_inputs(seed: int = 0) -> dict:
    key = jax.random.key(seed)
    ks = jax.random.split(key, 16)
    x = jax.random.normal(ks[0], (N, D), dtype=jnp.float32)
    edge_index = jax.random.randint(ks[1], (2, E), 0, N, dtype=jnp.int32)
    edge_attr = jax.random.normal(ks[2], (E, DE), dtype=jnp.float32)
    batch = jnp.sort(jax.random.randint(ks[3], (N,), 0, G, dtype=jnp.int32))
    subgraph_batch = jax.random.randint(ks[4], (N,), 0, SPG, dtype=jnp.int32)
    num_subgraphs = jnp.full((G,), SPG, dtype=jnp.int32)
    subgraph_id_batch = jnp.arange(S, dtype=jnp.int32) // SPG
    sc = 1.0 / np.sqrt(D)
    W_enc = jax.random.normal(ks[5], (D, D), dtype=jnp.float32) * sc
    b_enc = jnp.zeros((D,), dtype=jnp.float32)
    W_edge = jax.random.normal(ks[6], (L, DE, D), dtype=jnp.float32) * (1.0 / np.sqrt(DE))
    b_edge = jnp.zeros((L, D), dtype=jnp.float32)
    W_root = jax.random.normal(ks[7], (L, D, D), dtype=jnp.float32) * sc
    W_agg = jax.random.normal(ks[8], (L, D, D), dtype=jnp.float32) * sc
    b_gnn = jnp.zeros((L, D), dtype=jnp.float32)
    gamma = jnp.ones((L, D), dtype=jnp.float32)
    beta = jnp.zeros((L, D), dtype=jnp.float32)
    W1 = jax.random.normal(ks[9], (D, 2 * D), dtype=jnp.float32) * sc
    b1 = jnp.zeros((2 * D,), dtype=jnp.float32)
    W2 = jax.random.normal(ks[10], (2 * D, 1), dtype=jnp.float32) * (1.0 / np.sqrt(2 * D))
    b2 = jnp.zeros((1,), dtype=jnp.float32)
    return {"x": x, "edge_index": edge_index, "edge_attr": edge_attr, "batch": batch,
            "subgraph_batch": subgraph_batch, "num_subgraphs": num_subgraphs,
            "subgraph_id_batch": subgraph_id_batch, "W_enc": W_enc, "b_enc": b_enc,
            "W_edge": W_edge, "b_edge": b_edge, "W_root": W_root, "W_agg": W_agg,
            "b_gnn": b_gnn, "gamma": gamma, "beta": beta, "W1": W1, "b1": b1,
            "W2": W2, "b2": b2}


def reference(x, edge_index, edge_attr, batch, subgraph_batch, num_subgraphs,
              subgraph_id_batch, W_enc, b_enc, W_edge, b_edge, W_root, W_agg,
              b_gnn, gamma, beta, W1, b1, W2, b2):
    src = edge_index[0]
    dst = edge_index[1]
    # feature_encoder
    h = x @ W_enc + b_enc
    # GNN layers: conv -> batchnorm (training-mode stats) -> relu
    for l in range(L):
        msg = h[src] + edge_attr @ W_edge[l] + b_edge[l]
        agg = jax.ops.segment_sum(msg, dst, num_segments=N)
        z = h @ W_root[l] + agg @ W_agg[l] + b_gnn[l]
        mu = jnp.mean(z, axis=0)
        var = jnp.var(z, axis=0)
        z = (z - mu) / jnp.sqrt(var + EPS) * gamma[l] + beta[l]
        h = jax.nn.relu(z)
    # subgraph_pool with global_mean_pool
    tmp = jnp.concatenate([jnp.zeros((1,), dtype=num_subgraphs.dtype), jnp.cumsum(num_subgraphs)])
    graph_offset = tmp[batch]
    subgraph_id = subgraph_batch + graph_offset
    sums = jax.ops.segment_sum(h, subgraph_id, num_segments=S)
    cnts = jax.ops.segment_sum(jnp.ones((N,), jnp.float32), subgraph_id, num_segments=S)
    h_subgraph = sums / jnp.maximum(cnts, 1.0)[:, None]
    # scatter-mean of subgraphs into graphs
    gsum = jax.ops.segment_sum(h_subgraph, subgraph_id_batch, num_segments=G)
    gcnt = jax.ops.segment_sum(jnp.ones((S,), jnp.float32), subgraph_id_batch, num_segments=G)
    h_graph = gsum / jnp.maximum(gcnt, 1.0)[:, None]
    # final MLP head
    out = jax.nn.relu(h_graph @ W1 + b1) @ W2 + b2
    return out

if __name__ == "__main__":
    import jax
    _d = setup_inputs()
    print(jax.jit(kernel)(*tuple(_d.values())))

</pallas_src>

<mosaic_0001>
#map = affine_map<(d0, d1) -> (0, 0, 0)>
#map1 = affine_map<(d0, d1) -> (0, 0, 0, 0)>
#map2 = affine_map<(d0, d1) -> (0, 0)>
module attributes {stable_mosaic.version = 14 : i64} {
  func.func @_sc_spmm_body(%arg0: i32, %arg1: i32, %arg2: memref<2x32x10000xi32, #tpu.memory_space<hbm>>, %arg3: memref<2x32x125x80xi32, #tpu.memory_space<hbm>>, %arg4: memref<10000x128xf32, #tpu.memory_space<hbm>>, %arg5: memref<2x10000x128xf32, #tpu.memory_space<hbm>>, %arg6: memref<10000xi32, #tpu.memory_space<vmem>>, %arg7: memref<125x80xi32, #tpu.memory_space<vmem>>, %arg8: memref<80x128xf32, #tpu.memory_space<vmem>>, %arg9: memref<80x128xf32, #tpu.memory_space<vmem>>, %arg10: memref<10000x128xf32, #tpu.memory_space<vmem_shared>>, %arg11: memref<!tpu.dma_semaphore, #tpu.memory_space<semaphore_mem>>) attributes {dimension_semantics = [#tpu.dimension_semantics<core_parallel>, #tpu.dimension_semantics<subcore_parallel>], iteration_bounds = array<i64: 2, 16>, scalar_prefetch = 0 : i64, scratch_operands = 6 : i64, tpu.core_type = #tpu.core_type<sc_vector_subcore>, window_params = [{transform_indices = #map}, {transform_indices = #map1}, {transform_indices = #map2}, {transform_indices = #map}]} {
    %mul3A = arith.constant 16 : i32
    %mul3A_0 = arith.muli %arg0, %mul3A : i32
    %add3A = arith.addi %mul3A_0, %arg1 : i32
    %run_scoped3A = arith.constant 0 : i32
    "tpu.region"() ({
      %run_scoped3A_48 = tpu.sem_alloc : memref<!tpu.dma_semaphore, #tpu.memory_space<semaphore_mem>>
      %dma_start3A_49 = arith.constant 0 : i32
      %dma_start3A_50 = tpu.memref_slice %arg2[%run_scoped3A, %add3A, %dma_start3A_49] : memref<2x32x10000xi32, #tpu.memory_space<hbm>> -> memref<1x1x10000xi32, #tpu.memory_space<hbm>>
      %dma_start3A_51 = tpu.memref_squeeze %dma_start3A_50 : memref<1x1x10000xi32, #tpu.memory_space<hbm>> -> memref<10000xi32, #tpu.memory_space<hbm>>
      %dma_start3A_52 = arith.constant 0 : i32
      %dma_start3A_53 = tpu.memref_slice %arg2[%run_scoped3A, %add3A, %dma_start3A_52] : memref<2x32x10000xi32, #tpu.memory_space<hbm>> -> memref<1x1x10000xi32, #tpu.memory_space<hbm>>
      %dma_start3A_54 = tpu.memref_squeeze %dma_start3A_53 : memref<1x1x10000xi32, #tpu.memory_space<hbm>> -> memref<10000xi32, #tpu.memory_space<hbm>>
      tpu.enqueue_dma source(%dma_start3A_54 : memref<10000xi32, #tpu.memory_space<hbm>>) target(%arg6 : memref<10000xi32, #tpu.memory_space<vmem>>) target_semaphore(%run_scoped3A_48 : memref<!tpu.dma_semaphore, #tpu.memory_space<semaphore_mem>>)
      %dma_wait3A_55 = arith.constant 0 : i32
      %dma_wait3A_56 = tpu.memref_slice %arg2[%run_scoped3A, %add3A, %dma_wait3A_55] : memref<2x32x10000xi32, #tpu.memory_space<hbm>> -> memref<1x1x10000xi32, #tpu.memory_space<hbm>>
      %dma_wait3A_57 = tpu.memref_squeeze %dma_wait3A_56 : memref<1x1x10000xi32, #tpu.memory_space<hbm>> -> memref<10000xi32, #tpu.memory_space<hbm>>
      %dma_wait3A_58 = arith.constant 0 : i32
      %dma_wait3A_59 = tpu.memref_slice %arg2[%run_scoped3A, %add3A, %dma_wait3A_58] : memref<2x32x10000xi32, #tpu.memory_space<hbm>> -> memref<1x1x10000xi32, #tpu.memory_space<hbm>>
      %dma_wait3A_60 = tpu.memref_squeeze %dma_wait3A_59 : memref<1x1x10000xi32, #tpu.memory_space<hbm>> -> memref<10000xi32, #tpu.memory_space<hbm>>
      tpu.wait_dma2 semaphore(%run_scoped3A_48 : memref<!tpu.dma_semaphore, #tpu.memory_space<semaphore_mem>>) src(%dma_wait3A_60 : memref<10000xi32, #tpu.memory_space<hbm>>) dst(%arg6 : memref<10000xi32, #tpu.memory_space<vmem>>)
      tpu.yield
    }) : () -> ()
    %run_scoped3A_1 = arith.constant 1 : i32
    "tpu.region"() ({
      %run_scoped3A_48 = tpu.sem_alloc : memref<!tpu.dma_semaphore, #tpu.memory_space<semaphore_mem>>
      %dma_start3A_49 = arith.constant 0 : i32
      %dma_start3A_50 = arith.constant 0 : i32
      %dma_start3A_51 = tpu.memref_slice %arg3[%run_scoped3A_1, %add3A, %dma_start3A_49, %dma_start3A_50] : memref<2x32x125x80xi32, #tpu.memory_space<hbm>> -> memref<1x1x125x80xi32, #tpu.memory_space<hbm>>
      %dma_start3A_52 = tpu.memref_squeeze %dma_start3A_51 : memref<1x1x125x80xi32, #tpu.memory_space<hbm>> -> memref<125x80xi32, #tpu.memory_space<hbm>>
      %dma_start3A_53 = arith.constant 0 : i32
      %dma_start3A_54 = arith.constant 0 : i32
      %dma_start3A_55 = tpu.memref_slice %arg3[%run_scoped3A_1, %add3A, %dma_start3A_53, %dma_start3A_54] : memref<2x32x125x80xi32, #tpu.memory_space<hbm>> -> memref<1x1x125x80xi32, #tpu.memory_space<hbm>>
      %dma_start3A_56 = tpu.memref_squeeze %dma_start3A_55 : memref<1x1x125x80xi32, #tpu.memory_space<hbm>> -> memref<125x80xi32, #tpu.memory_space<hbm>>
      tpu.enqueue_dma source(%dma_start3A_56 : memref<125x80xi32, #tpu.memory_space<hbm>>) target(%arg7 : memref<125x80xi32, #tpu.memory_space<vmem>>) target_semaphore(%run_scoped3A_48 : memref<!tpu.dma_semaphore, #tpu.memory_space<semaphore_mem>>)
      %dma_wait3A_57 = arith.constant 0 : i32
      %dma_wait3A_58 = arith.constant 0 : i32
      %dma_wait3A_59 = tpu.memref_slice %arg3[%run_scoped3A_1, %add3A, %dma_wait3A_57, %dma_wait3A_58] : memref<2x32x125x80xi32, #tpu.memory_space<hbm>> -> memref<1x1x125x80xi32, #tpu.memory_space<hbm>>
      %dma_wait3A_60 = tpu.memref_squeeze %dma_wait3A_59 : memref<1x1x125x80xi32, #tpu.memory_space<hbm>> -> memref<125x80xi32, #tpu.memory_space<hbm>>
      %dma_wait3A_61 = arith.constant 0 : i32
      %dma_wait3A_62 = arith.constant 0 : i32
      %dma_wait3A_63 = tpu.memref_slice %arg3[%run_scoped3A_1, %add3A, %dma_wait3A_61, %dma_wait3A_62] : memref<2x32x125x80xi32, #tpu.memory_space<hbm>> -> memref<1x1x125x80xi32, #tpu.memory_space<hbm>>
      %dma_wait3A_64 = tpu.memref_squeeze %dma_wait3A_63 : memref<1x1x125x80xi32, #tpu.memory_space<hbm>> -> memref<125x80xi32, #tpu.memory_space<hbm>>
      tpu.wait_dma2 semaphore(%run_scoped3A_48 : memref<!tpu.dma_semaphore, #tpu.memory_space<semaphore_mem>>) src(%dma_wait3A_64 : memref<125x80xi32, #tpu.memory_space<hbm>>) dst(%arg7 : memref<125x80xi32, #tpu.memory_space<vmem>>)
      tpu.yield
    }) : () -> ()
    %scan3A = arith.constant 0 : i32
    %scan3A_2 = arith.constant 80 : i32
    %scan3A_3 = arith.addi %scan3A, %scan3A_2 : i32
    %scan3A_4 = arith.constant 1 : i32
    scf.for %scan3A_48 = %scan3A to %scan3A_3 step %scan3A_4  : i32 {
      %mul3A_49 = arith.constant 1 : i32
      %mul3A_50 = arith.muli %scan3A_48, %mul3A_49 : i32
      %add3A_51 = arith.constant 0 : i32
      %add3A_52 = arith.addi %add3A_51, %mul3A_50 : i32
      %broadcast_in_dim3A = arith.constant 0.000000e+00 : f32
      %broadcast_in_dim3A_53 = vector.broadcast %broadcast_in_dim3A : f32 to vector<16xf32>
      %swap3A = arith.index_cast %add3A_52 : i32 to index
      %swap3A_54 = arith.constant 0 : index
      %swap3A_55 = tpu.vector_load %arg8[%swap3A, %swap3A_54] {strides = array<i32>} : memref<80x128xf32, #tpu.memory_space<vmem>>, vector<1x16xf32>,
      %swap3A_56 = vector.shape_cast %swap3A_55 : vector<1x16xf32> to vector<16xf32>
      %swap3A_57 = vector.shape_cast %broadcast_in_dim3A_53 : vector<16xf32> to vector<1x16xf32>
      tpu.vector_store %arg8[%swap3A, %swap3A_54], %swap3A_57 {strides = array<i32>} : memref<80x128xf32, #tpu.memory_space<vmem>>, vector<1x16xf32>,
      %broadcast_in_dim3A_58 = arith.constant 0.000000e+00 : f32
      %broadcast_in_dim3A_59 = vector.broadcast %broadcast_in_dim3A_58 : f32 to vector<16xf32>
      %swap3A_60 = arith.index_cast %add3A_52 : i32 to index
      %swap3A_61 = arith.constant 16 : index
      %swap3A_62 = tpu.vector_load %arg8[%swap3A_60, %swap3A_61] {strides = array<i32>} : memref<80x128xf32, #tpu.memory_space<vmem>>, vector<1x16xf32>,
      %swap3A_63 = vector.shape_cast %swap3A_62 : vector<1x16xf32> to vector<16xf32>
      %swap3A_64 = vector.shape_cast %broadcast_in_dim3A_59 : vector<16xf32> to vector<1x16xf32>
      tpu.vector_store %arg8[%swap3A_60, %swap3A_61], %swap3A_64 {strides = array<i32>} : memref<80x128xf32, #tpu.memory_space<vmem>>, vector<1x16xf32>,
      %broadcast_in_dim3A_65 = arith.constant 0.000000e+00 : f32
      %broadcast_in_dim3A_66 = vector.broadcast %broadcast_in_dim3A_65 : f32 to vector<16xf32>
      %swap3A_67 = arith.index_cast %add3A_52 : i32 to index
      %swap3A_68 = arith.constant 32 : index
      %swap3A_69 = tpu.vector_load %arg8[%swap3A_67, %swap3A_68] {strides = array<i32>} : memref<80x128xf32, #tpu.memory_space<vmem>>, vector<1x16xf32>,
      %swap3A_70 = vector.shape_cast %swap3A_69 : vector<1x16xf32> to vector<16xf32>
      %swap3A_71 = vector.shape_cast %broadcast_in_dim3A_66 : vector<16xf32> to vector<1x16xf32>
      tpu.vector_store %arg8[%swap3A_67, %swap3A_68], %swap3A_71 {strides = array<i32>} : memref<80x128xf32, #tpu.memory_space<vmem>>, vector<1x16xf32>,
      %broadcast_in_dim3A_72 = arith.constant 0.000000e+00 : f32
      %broadcast_in_dim3A_73 = vector.broadcast %broadcast_in_dim3A_72 : f32 to vector<16xf32>
      %swap3A_74 = arith.index_cast %add3A_52 : i32 to index
      %swap3A_75 = arith.constant 48 : index
      %swap3A_76 = tpu.vector_load %arg8[%swap3A_74, %swap3A_75] {strides = array<i32>} : memref<80x128xf32, #tpu.memory_space<vmem>>, vector<1x16xf32>,
      %swap3A_77 = vector.shape_cast %swap3A_76 : vector<1x16xf32> to vector<16xf32>
      %swap3A_78 = vector.shape_cast %broadcast_in_dim3A_73 : vector<16xf32> to vector<1x16xf32>
      tpu.vector_store %arg8[%swap3A_74, %swap3A_75], %swap3A_78 {strides = array<i32>} : memref<80x128xf32, #tpu.memory_space<vmem>>, vector<1x16xf32>,
      %broadcast_in_dim3A_79 = arith.constant 0.000000e+00 : f32
      %broadcast_in_dim3A_80 = vector.broadcast %broadcast_in_dim3A_79 : f32 to vector<16xf32>
      %swap3A_81 = arith.index_cast %add3A_52 : i32 to index
      %swap3A_82 = arith.constant 64 : index
      %swap3A_83 = tpu.vector_load %arg8[%swap3A_81, %swap3A_82] {strides = array<i32>} : memref<80x128xf32, #tpu.memory_space<vmem>>, vector<1x16xf32>,
      %swap3A_84 = vector.shape_cast %swap3A_83 : vector<1x16xf32> to vector<16xf32>
      %swap3A_85 = vector.shape_cast %broadcast_in_dim3A_80 : vector<16xf32> to vector<1x16xf32>
      tpu.vector_store %arg8[%swap3A_81, %swap3A_82], %swap3A_85 {strides = array<i32>} : memref<80x128xf32, #tpu.memory_space<vmem>>, vector<1x16xf32>,
      %broadcast_in_dim3A_86 = arith.constant 0.000000e+00 : f32
      %broadcast_in_dim3A_87 = vector.broadcast %broadcast_in_dim3A_86 : f32 to vector<16xf32>
      %swap3A_88 = arith.index_cast %add3A_52 : i32 to index
      %swap3A_89 = arith.constant 80 : index
      %swap3A_90 = tpu.vector_load %arg8[%swap3A_88, %swap3A_89] {strides = array<i32>} : memref<80x128xf32, #tpu.memory_space<vmem>>, vector<1x16xf32>,
      %swap3A_91 = vector.shape_cast %swap3A_90 : vector<1x16xf32> to vector<16xf32>
      %swap3A_92 = vector.shape_cast %broadcast_in_dim3A_87 : vector<16xf32> to vector<1x16xf32>
      tpu.vector_store %arg8[%swap3A_88, %swap3A_89], %swap3A_92 {strides = array<i32>} : memref<80x128xf32, #tpu.memory_space<vmem>>, vector<1x16xf32>,
      %broadcast_in_dim3A_93 = arith.constant 0.000000e+00 : f32
      %broadcast_in_dim3A_94 = vector.broadcast %broadcast_in_dim3A_93 : f32 to vector<16xf32>
      %swap3A_95 = arith.index_cast %add3A_52 : i32 to index
      %swap3A_96 = arith.constant 96 : index
      %swap3A_97 = tpu.vector_load %arg8[%swap3A_95, %swap3A_96] {strides = array<i32>} : memref<80x128xf32, #tpu.memory_space<vmem>>, vector<1x16xf32>,
      %swap3A_98 = vector.shape_cast %swap3A_97 : vector<1x16xf32> to vector<16xf32>
      %swap3A_99 = vector.shape_cast %broadcast_in_dim3A_94 : vector<16xf32> to vector<1x16xf32>
      tpu.vector_store %arg8[%swap3A_95, %swap3A_96], %swap3A_99 {strides = array<i32>} : memref<80x128xf32, #tpu.memory_space<vmem>>, vector<1x16xf32>,
      %broadcast_in_dim3A_100 = arith.constant 0.000000e+00 : f32
      %broadcast_in_dim3A_101 = vector.broadcast %broadcast_in_dim3A_100 : f32 to vector<16xf32>
      %swap3A_102 = arith.index_cast %add3A_52 : i32 to index
      %swap3A_103 = arith.constant 112 : index
      %swap3A_104 = tpu.vector_load %arg8[%swap3A_102, %swap3A_103] {strides = array<i32>} : memref<80x128xf32, #tpu.memory_space<vmem>>, vector<1x16xf32>,
      %swap3A_105 = vector.shape_cast %swap3A_104 : vector<1x16xf32> to vector<16xf32>
      %swap3A_106 = vector.shape_cast %broadcast_in_dim3A_101 : vector<16xf32> to vector<1x16xf32>
      tpu.vector_store %arg8[%swap3A_102, %swap3A_103], %swap3A_106 {strides = array<i32>} : memref<80x128xf32, #tpu.memory_space<vmem>>, vector<1x16xf32>,
    }
    %scan3A_5 = arith.constant 80 : i32
    %mul3A_6 = arith.constant 624 : i32
    %mul3A_7 = arith.muli %arg1, %mul3A_6 : i32
    %multiple_of3A = tpu.assume_multiple %mul3A_7, 8 : i32
    %add3A_8 = arith.constant 0 : i32
    %add3A_9 = arith.addi %multiple_of3A, %add3A_8 : i32
    "tpu.region"() ({
      %run_scoped3A_48 = tpu.sem_alloc : memref<!tpu.dma_semaphore, #tpu.memory_space<semaphore_mem>>
      %dma_start3A_49 = arith.constant 0 : i32
      %dma_start3A_50 = tpu.memref_slice %arg10[%add3A_9, %dma_start3A_49] : memref<10000x128xf32, #tpu.memory_space<vmem_shared>> -> memref<80x128xf32, #tpu.memory_space<vmem_shared>>
      %dma_start3A_51 = arith.constant 0 : i32
      %dma_start3A_52 = tpu.memref_slice %arg10[%add3A_9, %dma_start3A_51] : memref<10000x128xf32, #tpu.memory_space<vmem_shared>> -> memref<80x128xf32, #tpu.memory_space<vmem_shared>>
      tpu.enqueue_dma source(%arg8 : memref<80x128xf32, #tpu.memory_space<vmem>>) target(%dma_start3A_52 : memref<80x128xf32, #tpu.memory_space<vmem_shared>>) target_semaphore(%run_scoped3A_48 : memref<!tpu.dma_semaphore, #tpu.memory_space<semaphore_mem>>)
      %dma_wait3A_53 = arith.constant 0 : i32
      %dma_wait3A_54 = tpu.memref_slice %arg10[%add3A_9, %dma_wait3A_53] : memref<10000x128xf32, #tpu.memory_space<vmem_shared>> -> memref<80x128xf32, #tpu.memory_space<vmem_shared>>
      %dma_wait3A_55 = arith.constant 0 : i32
      %dma_wait3A_56 = tpu.memref_slice %arg10[%add3A_9, %dma_wait3A_55] : memref<10000x128xf32, #tpu.memory_space<vmem_shared>> -> memref<80x128xf32, #tpu.memory_space<vmem_shared>>
      tpu.wait_dma2 semaphore(%run_scoped3A_48 : memref<!tpu.dma_semaphore, #tpu.memory_space<semaphore_mem>>) src(%arg8 : memref<80x128xf32, #tpu.memory_space<vmem>>) dst(%dma_wait3A_56 : memref<80x128xf32, #tpu.memory_space<vmem_shared>>)
      tpu.yield
    }) : () -> ()
    %add3A_10 = arith.constant 80 : i32
    %add3A_11 = arith.addi %multiple_of3A, %add3A_10 : i32
    "tpu.region"() ({
      %run_scoped3A_48 = tpu.sem_alloc : memref<!tpu.dma_semaphore, #tpu.memory_space<semaphore_mem>>
      %dma_start3A_49 = arith.constant 0 : i32
      %dma_start3A_50 = tpu.memref_slice %arg10[%add3A_11, %dma_start3A_49] : memref<10000x128xf32, #tpu.memory_space<vmem_shared>> -> memref<80x128xf32, #tpu.memory_space<vmem_shared>>
      %dma_start3A_51 = arith.constant 0 : i32
      %dma_start3A_52 = tpu.memref_slice %arg10[%add3A_11, %dma_start3A_51] : memref<10000x128xf32, #tpu.memory_space<vmem_shared>> -> memref<80x128xf32, #tpu.memory_space<vmem_shared>>
      tpu.enqueue_dma source(%arg8 : memref<80x128xf32, #tpu.memory_space<vmem>>) target(%dma_start3A_52 : memref<80x128xf32, #tpu.memory_space<vmem_shared>>) target_semaphore(%run_scoped3A_48 : memref<!tpu.dma_semaphore, #tpu.memory_space<semaphore_mem>>)
      %dma_wait3A_53 = arith.constant 0 : i32
      %dma_wait3A_54 = tpu.memref_slice %arg10[%add3A_11, %dma_wait3A_53] : memref<10000x128xf32, #tpu.memory_space<vmem_shared>> -> memref<80x128xf32, #tpu.memory_space<vmem_shared>>
      %dma_wait3A_55 = arith.constant 0 : i32
      %dma_wait3A_56 = tpu.memref_slice %arg10[%add3A_11, %dma_wait3A_55] : memref<10000x128xf32, #tpu.memory_space<vmem_shared>> -> memref<80x128xf32, #tpu.memory_space<vmem_shared>>
      tpu.wait_dma2 semaphore(%run_scoped3A_48 : memref<!tpu.dma_semaphore, #tpu.memory_space<semaphore_mem>>) src(%arg8 : memref<80x128xf32, #tpu.memory_space<vmem>>) dst(%dma_wait3A_56 : memref<80x128xf32, #tpu.memory_space<vmem_shared>>)
      tpu.yield
    }) : () -> ()
    %add3A_12 = arith.constant 160 : i32
    %add3A_13 = arith.addi %multiple_of3A, %add3A_12 : i32
    "tpu.region"() ({
      %run_scoped3A_48 = tpu.sem_alloc : memref<!tpu.dma_semaphore, #tpu.memory_space<semaphore_mem>>
      %dma_start3A_49 = arith.constant 0 : i32
      %dma_start3A_50 = tpu.memref_slice %arg10[%add3A_13, %dma_start3A_49] : memref<10000x128xf32, #tpu.memory_space<vmem_shared>> -> memref<80x128xf32, #tpu.memory_space<vmem_shared>>
      %dma_start3A_51 = arith.constant 0 : i32
      %dma_start3A_52 = tpu.memref_slice %arg10[%add3A_13, %dma_start3A_51] : memref<10000x128xf32, #tpu.memory_space<vmem_shared>> -> memref<80x128xf32, #tpu.memory_space<vmem_shared>>
      tpu.enqueue_dma source(%arg8 : memref<80x128xf32, #tpu.memory_space<vmem>>) target(%dma_start3A_52 : memref<80x128xf32, #tpu.memory_space<vmem_shared>>) target_semaphore(%run_scoped3A_48 : memref<!tpu.dma_semaphore, #tpu.memory_space<semaphore_mem>>)
      %dma_wait3A_53 = arith.constant 0 : i32
      %dma_wait3A_54 = tpu.memref_slice %arg10[%add3A_13, %dma_wait3A_53] : memref<10000x128xf32, #tpu.memory_space<vmem_shared>> -> memref<80x128xf32, #tpu.memory_space<vmem_shared>>
      %dma_wait3A_55 = arith.constant 0 : i32
      %dma_wait3A_56 = tpu.memref_slice %arg10[%add3A_13, %dma_wait3A_55] : memref<10000x128xf32, #tpu.memory_space<vmem_shared>> -> memref<80x128xf32, #tpu.memory_space<vmem_shared>>
      tpu.wait_dma2 semaphore(%run_scoped3A_48 : memref<!tpu.dma_semaphore, #tpu.memory_space<semaphore_mem>>) src(%arg8 : memref<80x128xf32, #tpu.memory_space<vmem>>) dst(%dma_wait3A_56 : memref<80x128xf32, #tpu.memory_space<vmem_shared>>)
      tpu.yield
    }) : () -> ()
    %add3A_14 = arith.constant 240 : i32
    %add3A_15 = arith.addi %multiple_of3A, %add3A_14 : i32
    "tpu.region"() ({
      %run_scoped3A_48 = tpu.sem_alloc : memref<!tpu.dma_semaphore, #tpu.memory_space<semaphore_mem>>
      %dma_start3A_49 = arith.constant 0 : i32
      %dma_start3A_50 = tpu.memref_slice %arg10[%add3A_15, %dma_start3A_49] : memref<10000x128xf32, #tpu.memory_space<vmem_shared>> -> memref<80x128xf32, #tpu.memory_space<vmem_shared>>
      %dma_start3A_51 = arith.constant 0 : i32
      %dma_start3A_52 = tpu.memref_slice %arg10[%add3A_15, %dma_start3A_51] : memref<10000x128xf32, #tpu.memory_space<vmem_shared>> -> memref<80x128xf32, #tpu.memory_space<vmem_shared>>
      tpu.enqueue_dma source(%arg8 : memref<80x128xf32, #tpu.memory_space<vmem>>) target(%dma_start3A_52 : memref<80x128xf32, #tpu.memory_space<vmem_shared>>) target_semaphore(%run_scoped3A_48 : memref<!tpu.dma_semaphore, #tpu.memory_space<semaphore_mem>>)
      %dma_wait3A_53 = arith.constant 0 : i32
      %dma_wait3A_54 = tpu.memref_slice %arg10[%add3A_15, %dma_wait3A_53] : memref<10000x128xf32, #tpu.memory_space<vmem_shared>> -> memref<80x128xf32, #tpu.memory_space<vmem_shared>>
      %dma_wait3A_55 = arith.constant 0 : i32
      %dma_wait3A_56 = tpu.memref_slice %arg10[%add3A_15, %dma_wait3A_55] : memref<10000x128xf32, #tpu.memory_space<vmem_shared>> -> memref<80x128xf32, #tpu.memory_space<vmem_shared>>
      tpu.wait_dma2 semaphore(%run_scoped3A_48 : memref<!tpu.dma_semaphore, #tpu.memory_space<semaphore_mem>>) src(%arg8 : memref<80x128xf32, #tpu.memory_space<vmem>>) dst(%dma_wait3A_56 : memref<80x128xf32, #tpu.memory_space<vmem_shared>>)
      tpu.yield
    }) : () -> ()
    %add3A_16 = arith.constant 320 : i32
    %add3A_17 = arith.addi %multiple_of3A, %add3A_16 : i32
    "tpu.region"() ({
      %run_scoped3A_48 = tpu.sem_alloc : memref<!tpu.dma_semaphore, #tpu.memory_space<semaphore_mem>>
      %dma_start3A_49 = arith.constant 0 : i32
      %dma_start3A_50 = tpu.memref_slice %arg10[%add3A_17, %dma_start3A_49] : memref<10000x128xf32, #tpu.memory_space<vmem_shared>> -> memref<80x128xf32, #tpu.memory_space<vmem_shared>>
      %dma_start3A_51 = arith.constant 0 : i32
      %dma_start3A_52 = tpu.memref_slice %arg10[%add3A_17, %dma_start3A_51] : memref<10000x128xf32, #tpu.memory_space<vmem_shared>> -> memref<80x128xf32, #tpu.memory_space<vmem_shared>>
      tpu.enqueue_dma source(%arg8 : memref<80x128xf32, #tpu.memory_space<vmem>>) target(%dma_start3A_52 : memref<80x128xf32, #tpu.memory_space<vmem_shared>>) target_semaphore(%run_scoped3A_48 : memref<!tpu.dma_semaphore, #tpu.memory_space<semaphore_mem>>)
      %dma_wait3A_53 = arith.constant 0 : i32
      %dma_wait3A_54 = tpu.memref_slice %arg10[%add3A_17, %dma_wait3A_53] : memref<10000x128xf32, #tpu.memory_space<vmem_shared>> -> memref<80x128xf32, #tpu.memory_space<vmem_shared>>
      %dma_wait3A_55 = arith.constant 0 : i32
      %dma_wait3A_56 = tpu.memref_slice %arg10[%add3A_17, %dma_wait3A_55] : memref<10000x128xf32, #tpu.memory_space<vmem_shared>> -> memref<80x128xf32, #tpu.memory_space<vmem_shared>>
      tpu.wait_dma2 semaphore(%run_scoped3A_48 : memref<!tpu.dma_semaphore, #tpu.memory_space<semaphore_mem>>) src(%arg8 : memref<80x128xf32, #tpu.memory_space<vmem>>) dst(%dma_wait3A_56 : memref<80x128xf32, #tpu.memory_space<vmem_shared>>)
      tpu.yield
    }) : () -> ()
    %add3A_18 = arith.constant 400 : i32
    %add3A_19 = arith.addi %multiple_of3A, %add3A_18 : i32
    "tpu.region"() ({
      %run_scoped3A_48 = tpu.sem_alloc : memref<!tpu.dma_semaphore, #tpu.memory_space<semaphore_mem>>
      %dma_start3A_49 = arith.constant 0 : i32
      %dma_start3A_50 = tpu.memref_slice %arg10[%add3A_19, %dma_start3A_49] : memref<10000x128xf32, #tpu.memory_space<vmem_shared>> -> memref<80x128xf32, #tpu.memory_space<vmem_shared>>
      %dma_start3A_51 = arith.constant 0 : i32
      %dma_start3A_52 = tpu.memref_slice %arg10[%add3A_19, %dma_start3A_51] : memref<10000x128xf32, #tpu.memory_space<vmem_shared>> -> memref<80x128xf32, #tpu.memory_space<vmem_shared>>
      tpu.enqueue_dma source(%arg8 : memref<80x128xf32, #tpu.memory_space<vmem>>) target(%dma_start3A_52 : memref<80x128xf32, #tpu.memory_space<vmem_shared>>) target_semaphore(%run_scoped3A_48 : memref<!tpu.dma_semaphore, #tpu.memory_space<semaphore_mem>>)
      %dma_wait3A_53 = arith.constant 0 : i32
      %dma_wait3A_54 = tpu.memref_slice %arg10[%add3A_19, %dma_wait3A_53] : memref<10000x128xf32, #tpu.memory_space<vmem_shared>> -> memref<80x128xf32, #tpu.memory_space<vmem_shared>>
      %dma_wait3A_55 = arith.constant 0 : i32
      %dma_wait3A_56 = tpu.memref_slice %arg10[%add3A_19, %dma_wait3A_55] : memref<10000x128xf32, #tpu.memory_space<vmem_shared>> -> memref<80x128xf32, #tpu.memory_space<vmem_shared>>
      tpu.wait_dma2 semaphore(%run_scoped3A_48 : memref<!tpu.dma_semaphore, #tpu.memory_space<semaphore_mem>>) src(%arg8 : memref<80x128xf32, #tpu.memory_space<vmem>>) dst(%dma_wait3A_56 : memref<80x128xf32, #tpu.memory_space<vmem_shared>>)
      tpu.yield
    }) : () -> ()
    %add3A_20 = arith.constant 480 : i32
    %add3A_21 = arith.addi %multiple_of3A, %add3A_20 : i32
    "tpu.region"() ({
      %run_scoped3A_48 = tpu.sem_alloc : memref<!tpu.dma_semaphore, #tpu.memory_space<semaphore_mem>>
      %dma_start3A_49 = arith.constant 0 : i32
      %dma_start3A_50 = tpu.memref_slice %arg10[%add3A_21, %dma_start3A_49] : memref<10000x128xf32, #tpu.memory_space<vmem_shared>> -> memref<80x128xf32, #tpu.memory_space<vmem_shared>>
      %dma_start3A_51 = arith.constant 0 : i32
      %dma_start3A_52 = tpu.memref_slice %arg10[%add3A_21, %dma_start3A_51] : memref<10000x128xf32, #tpu.memory_space<vmem_shared>> -> memref<80x128xf32, #tpu.memory_space<vmem_shared>>
      tpu.enqueue_dma source(%arg8 : memref<80x128xf32, #tpu.memory_space<vmem>>) target(%dma_start3A_52 : memref<80x128xf32, #tpu.memory_space<vmem_shared>>) target_semaphore(%run_scoped3A_48 : memref<!tpu.dma_semaphore, #tpu.memory_space<semaphore_mem>>)
      %dma_wait3A_53 = arith.constant 0 : i32
      %dma_wait3A_54 = tpu.memref_slice %arg10[%add3A_21, %dma_wait3A_53] : memref<10000x128xf32, #tpu.memory_space<vmem_shared>> -> memref<80x128xf32, #tpu.memory_space<vmem_shared>>
      %dma_wait3A_55 = arith.constant 0 : i32
      %dma_wait3A_56 = tpu.memref_slice %arg10[%add3A_21, %dma_wait3A_55] : memref<10000x128xf32, #tpu.memory_space<vmem_shared>> -> memref<80x128xf32, #tpu.memory_space<vmem_shared>>
      tpu.wait_dma2 semaphore(%run_scoped3A_48 : memref<!tpu.dma_semaphore, #tpu.memory_space<semaphore_mem>>) src(%arg8 : memref<80x128xf32, #tpu.memory_space<vmem>>) dst(%dma_wait3A_56 : memref<80x128xf32, #tpu.memory_space<vmem_shared>>)
      tpu.yield
    }) : () -> ()
    %add3A_22 = arith.constant 560 : i32
    %add3A_23 = arith.addi %multiple_of3A, %add3A_22 : i32
    "tpu.region"() ({
      %run_scoped3A_48 = tpu.sem_alloc : memref<!tpu.dma_semaphore, #tpu.memory_space<semaphore_mem>>
      %dma_start3A_49 = arith.constant 0 : i32
      %dma_start3A_50 = arith.constant 0 : i32
      %dma_start3A_51 = tpu.memref_slice %arg8[%dma_start3A_49, %dma_start3A_50] : memref<80x128xf32, #tpu.memory_space<vmem>> -> memref<64x128xf32, #tpu.memory_space<vmem>>
      %dma_start3A_52 = arith.constant 0 : i32
      %dma_start3A_53 = tpu.memref_slice %arg10[%add3A_23, %dma_start3A_52] : memref<10000x128xf32, #tpu.memory_space<vmem_shared>> -> memref<64x128xf32, #tpu.memory_space<vmem_shared>>
      %dma_start3A_54 = arith.constant 0 : i32
      %dma_start3A_55 = tpu.memref_slice %arg10[%add3A_23, %dma_start3A_54] : memref<10000x128xf32, #tpu.memory_space<vmem_shared>> -> memref<64x128xf32, #tpu.memory_space<vmem_shared>>
      %dma_start3A_56 = arith.constant 0 : i32
      %dma_start3A_57 = arith.constant 0 : i32
      %dma_start3A_58 = tpu.memref_slice %arg8[%dma_start3A_56, %dma_start3A_57] : memref<80x128xf32, #tpu.memory_space<vmem>> -> memref<64x128xf32, #tpu.memory_space<vmem>>
      tpu.enqueue_dma source(%dma_start3A_58 : memref<64x128xf32, #tpu.memory_space<vmem>>) target(%dma_start3A_55 : memref<64x128xf32, #tpu.memory_space<vmem_shared>>) target_semaphore(%run_scoped3A_48 : memref<!tpu.dma_semaphore, #tpu.memory_space<semaphore_mem>>)
      %dma_wait3A_59 = arith.constant 0 : i32
      %dma_wait3A_60 = arith.constant 0 : i32
      %dma_wait3A_61 = tpu.memref_slice %arg8[%dma_wait3A_59, %dma_wait3A_60] : memref<80x128xf32, #tpu.memory_space<vmem>> -> memref<64x128xf32, #tpu.memory_space<vmem>>
      %dma_wait3A_62 = arith.constant 0 : i32
      %dma_wait3A_63 = tpu.memref_slice %arg10[%add3A_23, %dma_wait3A_62] : memref<10000x128xf32, #tpu.memory_space<vmem_shared>> -> memref<64x128xf32, #tpu.memory_space<vmem_shared>>
      %dma_wait3A_64 = arith.constant 0 : i32
      %dma_wait3A_65 = tpu.memref_slice %arg10[%add3A_23, %dma_wait3A_64] : memref<10000x128xf32, #tpu.memory_space<vmem_shared>> -> memref<64x128xf32, #tpu.memory_space<vmem_shared>>
      %dma_wait3A_66 = arith.constant 0 : i32
      %dma_wait3A_67 = arith.constant 0 : i32
      %dma_wait3A_68 = tpu.memref_slice %arg8[%dma_wait3A_66, %dma_wait3A_67] : memref<80x128xf32, #tpu.memory_space<vmem>> -> memref<64x128xf32, #tpu.memory_space<vmem>>
      tpu.wait_dma2 semaphore(%run_scoped3A_48 : memref<!tpu.dma_semaphore, #tpu.memory_space<semaphore_mem>>) src(%dma_wait3A_68 : memref<64x128xf32, #tpu.memory_space<vmem>>) dst(%dma_wait3A_65 : memref<64x128xf32, #tpu.memory_space<vmem_shared>>)
      tpu.yield
    }) : () -> ()
    %eq3A = arith.constant 15 : i32
    %eq3A_24 = arith.cmpi eq, %arg1, %eq3A : i32
    %convert_element_type3A = arith.extui %eq3A_24 : i1 to i32
    %cond3A = arith.constant 0 : i32
    %cond3A_25 = arith.cmpi ne, %convert_element_type3A, %cond3A : i32
    scf.if %cond3A_25 {
      "tpu.region"() ({
        %run_scoped3A_48 = tpu.sem_alloc : memref<!tpu.dma_semaphore, #tpu.memory_space<semaphore_mem>>
        %dma_start3A_49 = arith.constant 0 : i32
        %dma_start3A_50 = arith.constant 0 : i32
        %dma_start3A_51 = tpu.memref_slice %arg8[%dma_start3A_49, %dma_start3A_50] : memref<80x128xf32, #tpu.memory_space<vmem>> -> memref<16x128xf32, #tpu.memory_space<vmem>>
        %dma_start3A_52 = arith.constant 9984 : i32
        %dma_start3A_53 = arith.constant 0 : i32
        %dma_start3A_54 = tpu.memref_slice %arg10[%dma_start3A_52, %dma_start3A_53] : memref<10000x128xf32, #tpu.memory_space<vmem_shared>> -> memref<16x128xf32, #tpu.memory_space<vmem_shared>>
        %dma_start3A_55 = arith.constant 9984 : i32
        %dma_start3A_56 = arith.constant 0 : i32
        %dma_start3A_57 = tpu.memref_slice %arg10[%dma_start3A_55, %dma_start3A_56] : memref<10000x128xf32, #tpu.memory_space<vmem_shared>> -> memref<16x128xf32, #tpu.memory_space<vmem_shared>>
        %dma_start3A_58 = arith.constant 0 : i32
        %dma_start3A_59 = arith.constant 0 : i32
        %dma_start3A_60 = tpu.memref_slice %arg8[%dma_start3A_58, %dma_start3A_59] : memref<80x128xf32, #tpu.memory_space<vmem>> -> memref<16x128xf32, #tpu.memory_space<vmem>>
        tpu.enqueue_dma source(%dma_start3A_60 : memref<16x128xf32, #tpu.memory_space<vmem>>) target(%dma_start3A_57 : memref<16x128xf32, #tpu.memory_space<vmem_shared>>) target_semaphore(%run_scoped3A_48 : memref<!tpu.dma_semaphore, #tpu.memory_space<semaphore_mem>>)
        %dma_wait3A_61 = arith.constant 0 : i32
        %dma_wait3A_62 = arith.constant 0 : i32
        %dma_wait3A_63 = tpu.memref_slice %arg8[%dma_wait3A_61, %dma_wait3A_62] : memref<80x128xf32, #tpu.memory_space<vmem>> -> memref<16x128xf32, #tpu.memory_space<vmem>>
        %dma_wait3A_64 = arith.constant 9984 : i32
        %dma_wait3A_65 = arith.constant 0 : i32
        %dma_wait3A_66 = tpu.memref_slice %arg10[%dma_wait3A_64, %dma_wait3A_65] : memref<10000x128xf32, #tpu.memory_space<vmem_shared>> -> memref<16x128xf32, #tpu.memory_space<vmem_shared>>
        %dma_wait3A_67 = arith.constant 9984 : i32
        %dma_wait3A_68 = arith.constant 0 : i32
        %dma_wait3A_69 = tpu.memref_slice %arg10[%dma_wait3A_67, %dma_wait3A_68] : memref<10000x128xf32, #tpu.memory_space<vmem_shared>> -> memref<16x128xf32, #tpu.memory_space<vmem_shared>>
        %dma_wait3A_70 = arith.constant 0 : i32
        %dma_wait3A_71 = arith.constant 0 : i32
        %dma_wait3A_72 = tpu.memref_slice %arg8[%dma_wait3A_70, %dma_wait3A_71] : memref<80x128xf32, #tpu.memory_space<vmem>> -> memref<16x128xf32, #tpu.memory_space<vmem>>
        tpu.wait_dma2 semaphore(%run_scoped3A_48 : memref<!tpu.dma_semaphore, #tpu.memory_space<semaphore_mem>>) src(%dma_wait3A_72 : memref<16x128xf32, #tpu.memory_space<vmem>>) dst(%dma_wait3A_69 : memref<16x128xf32, #tpu.memory_space<vmem_shared>>)
        tpu.yield
      }) : () -> ()
    } else {
    }
    %barrier3A = arith.constant 0 : index
    tpu.barrier barrier_id(%barrier3A)
    %multiple_of3A_26 = arith.constant 0 : i32
    %multiple_of3A_27 = tpu.assume_multiple %multiple_of3A_26, 8 : i32
    %dma_start3A = tpu.memref_slice %arg6[%multiple_of3A_27] : memref<10000xi32, #tpu.memory_space<vmem>> -> memref<80xi32, #tpu.memory_space<vmem>>
    %dma_start3A_28 = arith.constant 0 : i32
    %dma_start3A_29 = arith.constant 0 : i32
    %dma_start3A_30 = tpu.memref_slice %arg4[%dma_start3A_28, %dma_start3A_29] : memref<10000x128xf32, #tpu.memory_space<hbm>> -> memref<10000x128xf32, #tpu.memory_space<hbm>>
    tpu.enqueue_indirect_dma source(%dma_start3A_30 : memref<10000x128xf32, #tpu.memory_space<hbm>>) target(%arg8 : memref<80x128xf32, #tpu.memory_space<vmem>>) offsets(%dma_start3A : memref<80xi32, #tpu.memory_space<vmem>>) semaphore(%arg11 : memref<!tpu.dma_semaphore, #tpu.memory_space<semaphore_mem>>)
    %scan3A_31 = arith.constant 0 : i32
    %scan3A_32 = arith.constant 62 : i32
    %scan3A_33 = arith.addi %scan3A_31, %scan3A_32 : i32
    %scan3A_34 = arith.constant 1 : i32
    scf.for %scan3A_48 = %scan3A_31 to %scan3A_33 step %scan3A_34  : i32 {
      %mul3A_49 = arith.constant 1 : i32
      %mul3A_50 = arith.muli %scan3A_48, %mul3A_49 : i32
      %add3A_51 = arith.constant 0 : i32
      %add3A_52 = arith.addi %add3A_51, %mul3A_50 : i32
      %mul3A_53 = arith.constant 2 : i32
      %mul3A_54 = arith.muli %mul3A_53, %add3A_52 : i32
      %multiple_of3A_55 = arith.constant 0 : i32
      %multiple_of3A_56 = tpu.assume_multiple %multiple_of3A_55, 8 : i32
      %dma_wait3A_57 = tpu.memref_slice %arg6[%multiple_of3A_56] : memref<10000xi32, #tpu.memory_space<vmem>> -> memref<80xi32, #tpu.memory_space<vmem>>
      %dma_wait3A_58 = arith.constant 0 : i32
      %dma_wait3A_59 = arith.constant 0 : i32
      %dma_wait3A_60 = tpu.memref_slice %arg4[%dma_wait3A_58, %dma_wait3A_59] : memref<10000x128xf32, #tpu.memory_space<hbm>> -> memref<10000x128xf32, #tpu.memory_space<hbm>>
      tpu.wait_indirect_dma semaphore(%arg11 : memref<!tpu.dma_semaphore, #tpu.memory_space<semaphore_mem>>) src(%dma_wait3A_60 : memref<10000x128xf32, #tpu.memory_space<hbm>>) dst(%arg8 : memref<80x128xf32, #tpu.memory_space<vmem>>)
      %add3A_61 = arith.constant 1 : i32
      %add3A_62 = arith.addi %mul3A_54, %add3A_61 : i32
      %mul3A_63 = arith.constant 80 : i32
      %mul3A_64 = arith.muli %add3A_62, %mul3A_63 : i32
      %multiple_of3A_65 = tpu.assume_multiple %mul3A_64, 8 : i32
      %dma_start3A_66 = tpu.memref_slice %arg6[%multiple_of3A_65] : memref<10000xi32, #tpu.memory_space<vmem>> -> memref<80xi32, #tpu.memory_space<vmem>>
      %dma_start3A_67 = arith.constant 0 : i32
      %dma_start3A_68 = arith.constant 0 : i32
      %dma_start3A_69 = tpu.memref_slice %arg4[%dma_start3A_67, %dma_start3A_68] : memref<10000x128xf32, #tpu.memory_space<hbm>> -> memref<10000x128xf32, #tpu.memory_space<hbm>>
      tpu.enqueue_indirect_dma source(%dma_start3A_69 : memref<10000x128xf32, #tpu.memory_space<hbm>>) target(%arg9 : memref<80x128xf32, #tpu.memory_space<vmem>>) offsets(%dma_start3A_66 : memref<80xi32, #tpu.memory_space<vmem>>) semaphore(%arg11 : memref<!tpu.dma_semaphore, #tpu.memory_space<semaphore_mem>>)
      "tpu.region"() ({
        %run_scoped3A_87 = tpu.sem_alloc : memref<!tpu.dma_semaphore, #tpu.memory_space<semaphore_mem>>
        %dma_start3A_88 = arith.constant 0 : i32
        %dma_start3A_89 = tpu.memref_slice %arg7[%mul3A_54, %dma_start3A_88] : memref<125x80xi32, #tpu.memory_space<vmem>> -> memref<1x80xi32, #tpu.memory_space<vmem>>
        %dma_start3A_90 = tpu.memref_squeeze %dma_start3A_89 : memref<1x80xi32, #tpu.memory_space<vmem>> -> memref<80xi32, #tpu.memory_space<vmem>>
        %dma_start3A_91 = arith.constant 0 : i32
        %dma_start3A_92 = arith.constant 0 : i32
        %dma_start3A_93 = tpu.memref_slice %arg10[%dma_start3A_91, %dma_start3A_92] : memref<10000x128xf32, #tpu.memory_space<vmem_shared>> -> memref<10000x128xf32, #tpu.memory_space<vmem_shared>>
        tpu.enqueue_indirect_dma source(%arg8 : memref<80x128xf32, #tpu.memory_space<vmem>>) target(%dma_start3A_93 : memref<10000x128xf32, #tpu.memory_space<vmem_shared>>) offsets(%dma_start3A_90 : memref<80xi32, #tpu.memory_space<vmem>>) semaphore(%run_scoped3A_87 : memref<!tpu.dma_semaphore, #tpu.memory_space<semaphore_mem>>) {add = true}
        %dma_wait3A_94 = arith.constant 0 : i32
        %dma_wait3A_95 = tpu.memref_slice %arg7[%mul3A_54, %dma_wait3A_94] : memref<125x80xi32, #tpu.memory_space<vmem>> -> memref<1x80xi32, #tpu.memory_space<vmem>>
        %dma_wait3A_96 = tpu.memref_squeeze %dma_wait3A_95 : memref<1x80xi32, #tpu.memory_space<vmem>> -> memref<80xi32, #tpu.memory_space<vmem>>
        %dma_wait3A_97 = arith.constant 0 : i32
        %dma_wait3A_98 = arith.constant 0 : i32
        %dma_wait3A_99 = tpu.memref_slice %arg10[%dma_wait3A_97, %dma_wait3A_98] : memref<10000x128xf32, #tpu.memory_space<vmem_shared>> -> memref<10000x128xf32, #tpu.memory_space<vmem_shared>>
        tpu.wait_indirect_dma semaphore(%run_scoped3A_87 : memref<!tpu.dma_semaphore, #tpu.memory_space<semaphore_mem>>) src(%arg8 : memref<80x128xf32, #tpu.memory_space<vmem>>) dst(%dma_wait3A_99 : memref<10000x128xf32, #tpu.memory_space<vmem_shared>>)
        tpu.yield
      }) : () -> ()
      %add3A_70 = arith.constant 2 : i32
      %add3A_71 = arith.addi %mul3A_54, %add3A_70 : i32
      %mul3A_72 = arith.constant 80 : i32
      %mul3A_73 = arith.muli %add3A_71, %mul3A_72 : i32
      %multiple_of3A_74 = tpu.assume_multiple %mul3A_73, 8 : i32
      %dma_start3A_75 = tpu.memref_slice %arg6[%multiple_of3A_74] : memref<10000xi32, #tpu.memory_space<vmem>> -> memref<80xi32, #tpu.memory_space<vmem>>
      %dma_start3A_76 = arith.constant 0 : i32
      %dma_start3A_77 = arith.constant 0 : i32
      %dma_start3A_78 = tpu.memref_slice %arg4[%dma_start3A_76, %dma_start3A_77] : memref<10000x128xf32, #tpu.memory_space<hbm>> -> memref<10000x128xf32, #tpu.memory_space<hbm>>
      tpu.enqueue_indirect_dma source(%dma_start3A_78 : memref<10000x128xf32, #tpu.memory_space<hbm>>) target(%arg8 : memref<80x128xf32, #tpu.memory_space<vmem>>) offsets(%dma_start3A_75 : memref<80xi32, #tpu.memory_space<vmem>>) semaphore(%arg11 : memref<!tpu.dma_semaphore, #tpu.memory_space<semaphore_mem>>)
      %multiple_of3A_79 = arith.constant 0 : i32
      %multiple_of3A_80 = tpu.assume_multiple %multiple_of3A_79, 8 : i32
      %dma_wait3A_81 = tpu.memref_slice %arg6[%multiple_of3A_80] : memref<10000xi32, #tpu.memory_space<vmem>> -> memref<80xi32, #tpu.memory_space<vmem>>
      %dma_wait3A_82 = arith.constant 0 : i32
      %dma_wait3A_83 = arith.constant 0 : i32
      %dma_wait3A_84 = tpu.memref_slice %arg4[%dma_wait3A_82, %dma_wait3A_83] : memref<10000x128xf32, #tpu.memory_space<hbm>> -> memref<10000x128xf32, #tpu.memory_space<hbm>>
      tpu.wait_indirect_dma semaphore(%arg11 : memref<!tpu.dma_semaphore, #tpu.memory_space<semaphore_mem>>) src(%dma_wait3A_84 : memref<10000x128xf32, #tpu.memory_space<hbm>>) dst(%arg9 : memref<80x128xf32, #tpu.memory_space<vmem>>)
      %add3A_85 = arith.constant 1 : i32
      %add3A_86 = arith.addi %mul3A_54, %add3A_85 : i32
      "tpu.region"() ({
        %run_scoped3A_87 = tpu.sem_alloc : memref<!tpu.dma_semaphore, #tpu.memory_space<semaphore_mem>>
        %dma_start3A_88 = arith.constant 0 : i32
        %dma_start3A_89 = tpu.memref_slice %arg7[%add3A_86, %dma_start3A_88] : memref<125x80xi32, #tpu.memory_space<vmem>> -> memref<1x80xi32, #tpu.memory_space<vmem>>
        %dma_start3A_90 = tpu.memref_squeeze %dma_start3A_89 : memref<1x80xi32, #tpu.memory_space<vmem>> -> memref<80xi32, #tpu.memory_space<vmem>>
        %dma_start3A_91 = arith.constant 0 : i32
        %dma_start3A_92 = arith.constant 0 : i32
        %dma_start3A_93 = tpu.memref_slice %arg10[%dma_start3A_91, %dma_start3A_92] : memref<10000x128xf32, #tpu.memory_space<vmem_shared>> -> memref<10000x128xf32, #tpu.memory_space<vmem_shared>>
        tpu.enqueue_indirect_dma source(%arg9 : memref<80x128xf32, #tpu.memory_space<vmem>>) target(%dma_start3A_93 : memref<10000x128xf32, #tpu.memory_space<vmem_shared>>) offsets(%dma_start3A_90 : memref<80xi32, #tpu.memory_space<vmem>>) semaphore(%run_scoped3A_87 : memref<!tpu.dma_semaphore, #tpu.memory_space<semaphore_mem>>) {add = true}
        %dma_wait3A_94 = arith.constant 0 : i32
        %dma_wait3A_95 = tpu.memref_slice %arg7[%add3A_86, %dma_wait3A_94] : memref<125x80xi32, #tpu.memory_space<vmem>> -> memref<1x80xi32, #tpu.memory_space<vmem>>
        %dma_wait3A_96 = tpu.memref_squeeze %dma_wait3A_95 : memref<1x80xi32, #tpu.memory_space<vmem>> -> memref<80xi32, #tpu.memory_space<vmem>>
        %dma_wait3A_97 = arith.constant 0 : i32
        %dma_wait3A_98 = arith.constant 0 : i32
        %dma_wait3A_99 = tpu.memref_slice %arg10[%dma_wait3A_97, %dma_wait3A_98] : memref<10000x128xf32, #tpu.memory_space<vmem_shared>> -> memref<10000x128xf32, #tpu.memory_space<vmem_shared>>
        tpu.wait_indirect_dma semaphore(%run_scoped3A_87 : memref<!tpu.dma_semaphore, #tpu.memory_space<semaphore_mem>>) src(%arg9 : memref<80x128xf32, #tpu.memory_space<vmem>>) dst(%dma_wait3A_99 : memref<10000x128xf32, #tpu.memory_space<vmem_shared>>)
        tpu.yield
      }) : () -> ()
    }
    %scan3A_35 = arith.constant 62 : i32
    %multiple_of3A_36 = arith.constant 0 : i32
    %multiple_of3A_37 = tpu.assume_multiple %multiple_of3A_36, 8 : i32
    %dma_wait3A = tpu.memref_slice %arg6[%multiple_of3A_37] : memref<10000xi32, #tpu.memory_space<vmem>> -> memref<80xi32, #tpu.memory_space<vmem>>
    %dma_wait3A_38 = arith.constant 0 : i32
    %dma_wait3A_39 = arith.constant 0 : i32
    %dma_wait3A_40 = tpu.memref_slice %arg4[%dma_wait3A_38, %dma_wait3A_39] : memref<10000x128xf32, #tpu.memory_space<hbm>> -> memref<10000x128xf32, #tpu.memory_space<hbm>>
    tpu.wait_indirect_dma semaphore(%arg11 : memref<!tpu.dma_semaphore, #tpu.memory_space<semaphore_mem>>) src(%dma_wait3A_40 : memref<10000x128xf32, #tpu.memory_space<hbm>>) dst(%arg8 : memref<80x128xf32, #tpu.memory_space<vmem>>)
    %run_scoped3A_41 = arith.constant 124 : i32
    "tpu.region"() ({
      %run_scoped3A_48 = tpu.sem_alloc : memref<!tpu.dma_semaphore, #tpu.memory_space<semaphore_mem>>
      %dma_start3A_49 = arith.constant 0 : i32
      %dma_start3A_50 = tpu.memref_slice %arg7[%run_scoped3A_41, %dma_start3A_49] : memref<125x80xi32, #tpu.memory_space<vmem>> -> memref<1x80xi32, #tpu.memory_space<vmem>>
      %dma_start3A_51 = tpu.memref_squeeze %dma_start3A_50 : memref<1x80xi32, #tpu.memory_space<vmem>> -> memref<80xi32, #tpu.memory_space<vmem>>
      %dma_start3A_52 = arith.constant 0 : i32
      %dma_start3A_53 = arith.constant 0 : i32
      %dma_start3A_54 = tpu.memref_slice %arg10[%dma_start3A_52, %dma_start3A_53] : memref<10000x128xf32, #tpu.memory_space<vmem_shared>> -> memref<10000x128xf32, #tpu.memory_space<vmem_shared>>
      tpu.enqueue_indirect_dma source(%arg8 : memref<80x128xf32, #tpu.memory_space<vmem>>) target(%dma_start3A_54 : memref<10000x128xf32, #tpu.memory_space<vmem_shared>>) offsets(%dma_start3A_51 : memref<80xi32, #tpu.memory_space<vmem>>) semaphore(%run_scoped3A_48 : memref<!tpu.dma_semaphore, #tpu.memory_space<semaphore_mem>>) {add = true}
      %dma_wait3A_55 = arith.constant 0 : i32
      %dma_wait3A_56 = tpu.memref_slice %arg7[%run_scoped3A_41, %dma_wait3A_55] : memref<125x80xi32, #tpu.memory_space<vmem>> -> memref<1x80xi32, #tpu.memory_space<vmem>>
      %dma_wait3A_57 = tpu.memref_squeeze %dma_wait3A_56 : memref<1x80xi32, #tpu.memory_space<vmem>> -> memref<80xi32, #tpu.memory_space<vmem>>
      %dma_wait3A_58 = arith.constant 0 : i32
      %dma_wait3A_59 = arith.constant 0 : i32
      %dma_wait3A_60 = tpu.memref_slice %arg10[%dma_wait3A_58, %dma_wait3A_59] : memref<10000x128xf32, #tpu.memory_space<vmem_shared>> -> memref<10000x128xf32, #tpu.memory_space<vmem_shared>>
      tpu.wait_indirect_dma semaphore(%run_scoped3A_48 : memref<!tpu.dma_semaphore, #tpu.memory_space<semaphore_mem>>) src(%arg8 : memref<80x128xf32, #tpu.memory_space<vmem>>) dst(%dma_wait3A_60 : memref<10000x128xf32, #tpu.memory_space<vmem_shared>>)
      tpu.yield
    }) : () -> ()
    %barrier3A_42 = arith.constant 0 : index
    tpu.barrier barrier_id(%barrier3A_42)
    "tpu.region"() ({
      %run_scoped3A_48 = tpu.sem_alloc : memref<!tpu.dma_semaphore, #tpu.memory_space<semaphore_mem>>
      %dma_start3A_49 = arith.constant 0 : i32
      %dma_start3A_50 = tpu.memref_slice %arg5[%arg0, %multiple_of3A, %dma_start3A_49] : memref<2x10000x128xf32, #tpu.memory_space<hbm>> -> memref<1x624x128xf32, #tpu.memory_space<hbm>>
      %dma_start3A_51 = tpu.memref_squeeze %dma_start3A_50 : memref<1x624x128xf32, #tpu.memory_space<hbm>> -> memref<624x128xf32, #tpu.memory_space<hbm>>
      %dma_start3A_52 = arith.constant 0 : i32
      %dma_start3A_53 = tpu.memref_slice %arg10[%multiple_of3A, %dma_start3A_52] : memref<10000x128xf32, #tpu.memory_space<vmem_shared>> -> memref<624x128xf32, #tpu.memory_space<vmem_shared>>
      tpu.enqueue_dma source(%dma_start3A_53 : memref<624x128xf32, #tpu.memory_space<vmem_shared>>) target(%dma_start3A_51 : memref<624x128xf32, #tpu.memory_space<hbm>>) target_semaphore(%run_scoped3A_48 : memref<!tpu.dma_semaphore, #tpu.memory_space<semaphore_mem>>)
      %dma_wait3A_54 = arith.constant 0 : i32
      %dma_wait3A_55 = tpu.memref_slice %arg5[%arg0, %multiple_of3A, %dma_wait3A_54] : memref<2x10000x128xf32, #tpu.memory_space<hbm>> -> memref<1x624x128xf32, #tpu.memory_space<hbm>>
      %dma_wait3A_56 = tpu.memref_squeeze %dma_wait3A_55 : memref<1x624x128xf32, #tpu.memory_space<hbm>> -> memref<624x128xf32, #tpu.memory_space<hbm>>
      %dma_wait3A_57 = arith.constant 0 : i32
      %dma_wait3A_58 = tpu.memref_slice %arg10[%multiple_of3A, %dma_wait3A_57] : memref<10000x128xf32, #tpu.memory_space<vmem_shared>> -> memref<624x128xf32, #tpu.memory_space<vmem_shared>>
      tpu.wait_dma2 semaphore(%run_scoped3A_48 : memref<!tpu.dma_semaphore, #tpu.memory_space<semaphore_mem>>) src(%dma_wait3A_58 : memref<624x128xf32, #tpu.memory_space<vmem_shared>>) dst(%dma_wait3A_56 : memref<624x128xf32, #tpu.memory_space<hbm>>)
      tpu.yield
    }) : () -> ()
    %eq3A_43 = arith.constant 15 : i32
    %eq3A_44 = arith.cmpi eq, %arg1, %eq3A_43 : i32
    %convert_element_type3A_45 = arith.extui %eq3A_44 : i1 to i32
    %cond3A_46 = arith.constant 0 : i32
    %cond3A_47 = arith.cmpi ne, %convert_element_type3A_45, %cond3A_46 : i32
    scf.if %cond3A_47 {
      "tpu.region"() ({
        %run_scoped3A_48 = tpu.sem_alloc : memref<!tpu.dma_semaphore, #tpu.memory_space<semaphore_mem>>
        %dma_start3A_49 = arith.constant 9984 : i32
        %dma_start3A_50 = arith.constant 0 : i32
        %dma_start3A_51 = tpu.memref_slice %arg5[%arg0, %dma_start3A_49, %dma_start3A_50] : memref<2x10000x128xf32, #tpu.memory_space<hbm>> -> memref<1x16x128xf32, #tpu.memory_space<hbm>>
        %dma_start3A_52 = tpu.memref_squeeze %dma_start3A_51 : memref<1x16x128xf32, #tpu.memory_space<hbm>> -> memref<16x128xf32, #tpu.memory_space<hbm>>
        %dma_start3A_53 = arith.constant 9984 : i32
        %dma_start3A_54 = arith.constant 0 : i32
        %dma_start3A_55 = tpu.memref_slice %arg10[%dma_start3A_53, %dma_start3A_54] : memref<10000x128xf32, #tpu.memory_space<vmem_shared>> -> memref<16x128xf32, #tpu.memory_space<vmem_shared>>
        tpu.enqueue_dma source(%dma_start3A_55 : memref<16x128xf32, #tpu.memory_space<vmem_shared>>) target(%dma_start3A_52 : memref<16x128xf32, #tpu.memory_space<hbm>>) target_semaphore(%run_scoped3A_48 : memref<!tpu.dma_semaphore, #tpu.memory_space<semaphore_mem>>)
        %dma_wait3A_56 = arith.constant 9984 : i32
        %dma_wait3A_57 = arith.constant 0 : i32
        %dma_wait3A_58 = tpu.memref_slice %arg5[%arg0, %dma_wait3A_56, %dma_wait3A_57] : memref<2x10000x128xf32, #tpu.memory_space<hbm>> -> memref<1x16x128xf32, #tpu.memory_space<hbm>>
        %dma_wait3A_59 = tpu.memref_squeeze %dma_wait3A_58 : memref<1x16x128xf32, #tpu.memory_space<hbm>> -> memref<16x128xf32, #tpu.memory_space<hbm>>
        %dma_wait3A_60 = arith.constant 9984 : i32
        %dma_wait3A_61 = arith.constant 0 : i32
        %dma_wait3A_62 = tpu.memref_slice %arg10[%dma_wait3A_60, %dma_wait3A_61] : memref<10000x128xf32, #tpu.memory_space<vmem_shared>> -> memref<16x128xf32, #tpu.memory_space<vmem_shared>>
        tpu.wait_dma2 semaphore(%run_scoped3A_48 : memref<!tpu.dma_semaphore, #tpu.memory_space<semaphore_mem>>) src(%dma_wait3A_62 : memref<16x128xf32, #tpu.memory_space<vmem_shared>>) dst(%dma_wait3A_59 : memref<16x128xf32, #tpu.memory_space<hbm>>)
        tpu.yield
      }) : () -> ()
    } else {
    }
    return
  }
}

#map = affine_map<(d0, d1) -> (0, 0, 0, 0)>
#map1 = affine_map<(d0, d1) -> (0, 0)>
#map2 = affine_map<(d0, d1) -> (0, 0, 0)>
module attributes {stable_mosaic.version = 14 : i64} {
  func.func @_sc_pre_body(%arg0: i32, %arg1: i32, %arg2: memref<2x32x125x80xi32, #tpu.memory_space<hbm>>, %arg3: memref<320000x16xf32, #tpu.memory_space<hbm>>, %arg4: memref<2x10000x128xf32, #tpu.memory_space<hbm>>, %arg5: memref<125x80xi32, #tpu.memory_space<vmem>>, %arg6: memref<80x128xf32, #tpu.memory_space<vmem>>, %arg7: memref<80x16xf32, #tpu.memory_space<vmem>>, %arg8: memref<10000x128xf32, #tpu.memory_space<vmem_shared>>, %arg9: memref<!tpu.dma_semaphore, #tpu.memory_space<semaphore_mem>>) attributes {dimension_semantics = [#tpu.dimension_semantics<core_parallel>, #tpu.dimension_semantics<subcore_parallel>], iteration_bounds = array<i64: 2, 16>, scalar_prefetch = 0 : i64, scratch_operands = 5 : i64, tpu.core_type = #tpu.core_type<sc_vector_subcore>, window_params = [{transform_indices = #map}, {transform_indices = #map1}, {transform_indices = #map2}]} {
    %mul3A = arith.constant 16 : i32
    %mul3A_0 = arith.muli %arg0, %mul3A : i32
    %add3A = arith.addi %mul3A_0, %arg1 : i32
    %run_scoped3A = arith.constant 1 : i32
    "tpu.region"() ({
      %run_scoped3A_44 = tpu.sem_alloc : memref<!tpu.dma_semaphore, #tpu.memory_space<semaphore_mem>>
      %dma_start3A = arith.constant 0 : i32
      %dma_start3A_45 = arith.constant 0 : i32
      %dma_start3A_46 = tpu.memref_slice %arg2[%run_scoped3A, %add3A, %dma_start3A, %dma_start3A_45] : memref<2x32x125x80xi32, #tpu.memory_space<hbm>> -> memref<1x1x125x80xi32, #tpu.memory_space<hbm>>
      %dma_start3A_47 = tpu.memref_squeeze %dma_start3A_46 : memref<1x1x125x80xi32, #tpu.memory_space<hbm>> -> memref<125x80xi32, #tpu.memory_space<hbm>>
      %dma_start3A_48 = arith.constant 0 : i32
      %dma_start3A_49 = arith.constant 0 : i32
      %dma_start3A_50 = tpu.memref_slice %arg2[%run_scoped3A, %add3A, %dma_start3A_48, %dma_start3A_49] : memref<2x32x125x80xi32, #tpu.memory_space<hbm>> -> memref<1x1x125x80xi32, #tpu.memory_space<hbm>>
      %dma_start3A_51 = tpu.memref_squeeze %dma_start3A_50 : memref<1x1x125x80xi32, #tpu.memory_space<hbm>> -> memref<125x80xi32, #tpu.memory_space<hbm>>
      tpu.enqueue_dma source(%dma_start3A_51 : memref<125x80xi32, #tpu.memory_space<hbm>>) target(%arg5 : memref<125x80xi32, #tpu.memory_space<vmem>>) target_semaphore(%run_scoped3A_44 : memref<!tpu.dma_semaphore, #tpu.memory_space<semaphore_mem>>)
      %dma_wait3A = arith.constant 0 : i32
      %dma_wait3A_52 = arith.constant 0 : i32
      %dma_wait3A_53 = tpu.memref_slice %arg2[%run_scoped3A, %add3A, %dma_wait3A, %dma_wait3A_52] : memref<2x32x125x80xi32, #tpu.memory_space<hbm>> -> memref<1x1x125x80xi32, #tpu.memory_space<hbm>>
      %dma_wait3A_54 = tpu.memref_squeeze %dma_wait3A_53 : memref<1x1x125x80xi32, #tpu.memory_space<hbm>> -> memref<125x80xi32, #tpu.memory_space<hbm>>
      %dma_wait3A_55 = arith.constant 0 : i32
      %dma_wait3A_56 = arith.constant 0 : i32
      %dma_wait3A_57 = tpu.memref_slice %arg2[%run_scoped3A, %add3A, %dma_wait3A_55, %dma_wait3A_56] : memref<2x32x125x80xi32, #tpu.memory_space<hbm>> -> memref<1x1x125x80xi32, #tpu.memory_space<hbm>>
      %dma_wait3A_58 = tpu.memref_squeeze %dma_wait3A_57 : memref<1x1x125x80xi32, #tpu.memory_space<hbm>> -> memref<125x80xi32, #tpu.memory_space<hbm>>
      tpu.wait_dma2 semaphore(%run_scoped3A_44 : memref<!tpu.dma_semaphore, #tpu.memory_space<semaphore_mem>>) src(%dma_wait3A_58 : memref<125x80xi32, #tpu.memory_space<hbm>>) dst(%arg5 : memref<125x80xi32, #tpu.memory_space<vmem>>)
      tpu.yield
    }) : () -> ()
    %scan3A = arith.constant 0 : i32
    %scan3A_1 = arith.constant 80 : i32
    %scan3A_2 = arith.addi %scan3A, %scan3A_1 : i32
    %scan3A_3 = arith.constant 1 : i32
    scf.for %scan3A_44 = %scan3A to %scan3A_2 step %scan3A_3  : i32 {
      %mul3A_45 = arith.constant 1 : i32
      %mul3A_46 = arith.muli %scan3A_44, %mul3A_45 : i32
      %add3A_47 = arith.constant 0 : i32
      %add3A_48 = arith.addi %add3A_47, %mul3A_46 : i32
      %broadcast_in_dim3A = arith.constant 0.000000e+00 : f32
      %broadcast_in_dim3A_49 = vector.broadcast %broadcast_in_dim3A : f32 to vector<16xf32>
      %swap3A = arith.index_cast %add3A_48 : i32 to index
      %swap3A_50 = arith.constant 0 : index
      %swap3A_51 = tpu.vector_load %arg6[%swap3A, %swap3A_50] {strides = array<i32>} : memref<80x128xf32, #tpu.memory_space<vmem>>, vector<1x16xf32>,
      %swap3A_52 = vector.shape_cast %swap3A_51 : vector<1x16xf32> to vector<16xf32>
      %swap3A_53 = vector.shape_cast %broadcast_in_dim3A_49 : vector<16xf32> to vector<1x16xf32>
      tpu.vector_store %arg6[%swap3A, %swap3A_50], %swap3A_53 {strides = array<i32>} : memref<80x128xf32, #tpu.memory_space<vmem>>, vector<1x16xf32>,
      %broadcast_in_dim3A_54 = arith.constant 0.000000e+00 : f32
      %broadcast_in_dim3A_55 = vector.broadcast %broadcast_in_dim3A_54 : f32 to vector<16xf32>
      %swap3A_56 = arith.index_cast %add3A_48 : i32 to index
      %swap3A_57 = arith.constant 16 : index
      %swap3A_58 = tpu.vector_load %arg6[%swap3A_56, %swap3A_57] {strides = array<i32>} : memref<80x128xf32, #tpu.memory_space<vmem>>, vector<1x16xf32>,
      %swap3A_59 = vector.shape_cast %swap3A_58 : vector<1x16xf32> to vector<16xf32>
      %swap3A_60 = vector.shape_cast %broadcast_in_dim3A_55 : vector<16xf32> to vector<1x16xf32>
      tpu.vector_store %arg6[%swap3A_56, %swap3A_57], %swap3A_60 {strides = array<i32>} : memref<80x128xf32, #tpu.memory_space<vmem>>, vector<1x16xf32>,
      %broadcast_in_dim3A_61 = arith.constant 0.000000e+00 : f32
      %broadcast_in_dim3A_62 = vector.broadcast %broadcast_in_dim3A_61 : f32 to vector<16xf32>
      %swap3A_63 = arith.index_cast %add3A_48 : i32 to index
      %swap3A_64 = arith.constant 32 : index
      %swap3A_65 = tpu.vector_load %arg6[%swap3A_63, %swap3A_64] {strides = array<i32>} : memref<80x128xf32, #tpu.memory_space<vmem>>, vector<1x16xf32>,
      %swap3A_66 = vector.shape_cast %swap3A_65 : vector<1x16xf32> to vector<16xf32>
      %swap3A_67 = vector.shape_cast %broadcast_in_dim3A_62 : vector<16xf32> to vector<1x16xf32>
      tpu.vector_store %arg6[%swap3A_63, %swap3A_64], %swap3A_67 {strides = array<i32>} : memref<80x128xf32, #tpu.memory_space<vmem>>, vector<1x16xf32>,
      %broadcast_in_dim3A_68 = arith.constant 0.000000e+00 : f32
      %broadcast_in_dim3A_69 = vector.broadcast %broadcast_in_dim3A_68 : f32 to vector<16xf32>
      %swap3A_70 = arith.index_cast %add3A_48 : i32 to index
      %swap3A_71 = arith.constant 48 : index
      %swap3A_72 = tpu.vector_load %arg6[%swap3A_70, %swap3A_71] {strides = array<i32>} : memref<80x128xf32, #tpu.memory_space<vmem>>, vector<1x16xf32>,
      %swap3A_73 = vector.shape_cast %swap3A_72 : vector<1x16xf32> to vector<16xf32>
      %swap3A_74 = vector.shape_cast %broadcast_in_dim3A_69 : vector<16xf32> to vector<1x16xf32>
      tpu.vector_store %arg6[%swap3A_70, %swap3A_71], %swap3A_74 {strides = array<i32>} : memref<80x128xf32, #tpu.memory_space<vmem>>, vector<1x16xf32>,
      %broadcast_in_dim3A_75 = arith.constant 0.000000e+00 : f32
      %broadcast_in_dim3A_76 = vector.broadcast %broadcast_in_dim3A_75 : f32 to vector<16xf32>
      %swap3A_77 = arith.index_cast %add3A_48 : i32 to index
      %swap3A_78 = arith.constant 64 : index
      %swap3A_79 = tpu.vector_load %arg6[%swap3A_77, %swap3A_78] {strides = array<i32>} : memref<80x128xf32, #tpu.memory_space<vmem>>, vector<1x16xf32>,
      %swap3A_80 = vector.shape_cast %swap3A_79 : vector<1x16xf32> to vector<16xf32>
      %swap3A_81 = vector.shape_cast %broadcast_in_dim3A_76 : vector<16xf32> to vector<1x16xf32>
      tpu.vector_store %arg6[%swap3A_77, %swap3A_78], %swap3A_81 {strides = array<i32>} : memref<80x128xf32, #tpu.memory_space<vmem>>, vector<1x16xf32>,
      %broadcast_in_dim3A_82 = arith.constant 0.000000e+00 : f32
      %broadcast_in_dim3A_83 = vector.broadcast %broadcast_in_dim3A_82 : f32 to vector<16xf32>
      %swap3A_84 = arith.index_cast %add3A_48 : i32 to index
      %swap3A_85 = arith.constant 80 : index
      %swap3A_86 = tpu.vector_load %arg6[%swap3A_84, %swap3A_85] {strides = array<i32>} : memref<80x128xf32, #tpu.memory_space<vmem>>, vector<1x16xf32>,
      %swap3A_87 = vector.shape_cast %swap3A_86 : vector<1x16xf32> to vector<16xf32>
      %swap3A_88 = vector.shape_cast %broadcast_in_dim3A_83 : vector<16xf32> to vector<1x16xf32>
      tpu.vector_store %arg6[%swap3A_84, %swap3A_85], %swap3A_88 {strides = array<i32>} : memref<80x128xf32, #tpu.memory_space<vmem>>, vector<1x16xf32>,
      %broadcast_in_dim3A_89 = arith.constant 0.000000e+00 : f32
      %broadcast_in_dim3A_90 = vector.broadcast %broadcast_in_dim3A_89 : f32 to vector<16xf32>
      %swap3A_91 = arith.index_cast %add3A_48 : i32 to index
      %swap3A_92 = arith.constant 96 : index
      %swap3A_93 = tpu.vector_load %arg6[%swap3A_91, %swap3A_92] {strides = array<i32>} : memref<80x128xf32, #tpu.memory_space<vmem>>, vector<1x16xf32>,
      %swap3A_94 = vector.shape_cast %swap3A_93 : vector<1x16xf32> to vector<16xf32>
      %swap3A_95 = vector.shape_cast %broadcast_in_dim3A_90 : vector<16xf32> to vector<1x16xf32>
      tpu.vector_store %arg6[%swap3A_91, %swap3A_92], %swap3A_95 {strides = array<i32>} : memref<80x128xf32, #tpu.memory_space<vmem>>, vector<1x16xf32>,
      %broadcast_in_dim3A_96 = arith.constant 0.000000e+00 : f32
      %broadcast_in_dim3A_97 = vector.broadcast %broadcast_in_dim3A_96 : f32 to vector<16xf32>
      %swap3A_98 = arith.index_cast %add3A_48 : i32 to index
      %swap3A_99 = arith.constant 112 : index
      %swap3A_100 = tpu.vector_load %arg6[%swap3A_98, %swap3A_99] {strides = array<i32>} : memref<80x128xf32, #tpu.memory_space<vmem>>, vector<1x16xf32>,
      %swap3A_101 = vector.shape_cast %swap3A_100 : vector<1x16xf32> to vector<16xf32>
      %swap3A_102 = vector.shape_cast %broadcast_in_dim3A_97 : vector<16xf32> to vector<1x16xf32>
      tpu.vector_store %arg6[%swap3A_98, %swap3A_99], %swap3A_102 {strides = array<i32>} : memref<80x128xf32, #tpu.memory_space<vmem>>, vector<1x16xf32>,
    }
    %scan3A_4 = arith.constant 80 : i32
    %mul3A_5 = arith.constant 624 : i32
    %mul3A_6 = arith.muli %arg1, %mul3A_5 : i32
    %multiple_of3A = tpu.assume_multiple %mul3A_6, 8 : i32
    %add3A_7 = arith.constant 0 : i32
    %add3A_8 = arith.addi %multiple_of3A, %add3A_7 : i32
    "tpu.region"() ({
      %run_scoped3A_44 = tpu.sem_alloc : memref<!tpu.dma_semaphore, #tpu.memory_space<semaphore_mem>>
      %dma_start3A = arith.constant 0 : i32
      %dma_start3A_45 = tpu.memref_slice %arg8[%add3A_8, %dma_start3A] : memref<10000x128xf32, #tpu.memory_space<vmem_shared>> -> memref<80x128xf32, #tpu.memory_space<vmem_shared>>
      %dma_start3A_46 = arith.constant 0 : i32
      %dma_start3A_47 = tpu.memref_slice %arg8[%add3A_8, %dma_start3A_46] : memref<10000x128xf32, #tpu.memory_space<vmem_shared>> -> memref<80x128xf32, #tpu.memory_space<vmem_shared>>
      tpu.enqueue_dma source(%arg6 : memref<80x128xf32, #tpu.memory_space<vmem>>) target(%dma_start3A_47 : memref<80x128xf32, #tpu.memory_space<vmem_shared>>) target_semaphore(%run_scoped3A_44 : memref<!tpu.dma_semaphore, #tpu.memory_space<semaphore_mem>>)
      %dma_wait3A = arith.constant 0 : i32
      %dma_wait3A_48 = tpu.memref_slice %arg8[%add3A_8, %dma_wait3A] : memref<10000x128xf32, #tpu.memory_space<vmem_shared>> -> memref<80x128xf32, #tpu.memory_space<vmem_shared>>
      %dma_wait3A_49 = arith.constant 0 : i32
      %dma_wait3A_50 = tpu.memref_slice %arg8[%add3A_8, %dma_wait3A_49] : memref<10000x128xf32, #tpu.memory_space<vmem_shared>> -> memref<80x128xf32, #tpu.memory_space<vmem_shared>>
      tpu.wait_dma2 semaphore(%run_scoped3A_44 : memref<!tpu.dma_semaphore, #tpu.memory_space<semaphore_mem>>) src(%arg6 : memref<80x128xf32, #tpu.memory_space<vmem>>) dst(%dma_wait3A_50 : memref<80x128xf32, #tpu.memory_space<vmem_shared>>)
      tpu.yield
    }) : () -> ()
    %add3A_9 = arith.constant 80 : i32
    %add3A_10 = arith.addi %multiple_of3A, %add3A_9 : i32
    "tpu.region"() ({
      %run_scoped3A_44 = tpu.sem_alloc : memref<!tpu.dma_semaphore, #tpu.memory_space<semaphore_mem>>
      %dma_start3A = arith.constant 0 : i32
      %dma_start3A_45 = tpu.memref_slice %arg8[%add3A_10, %dma_start3A] : memref<10000x128xf32, #tpu.memory_space<vmem_shared>> -> memref<80x128xf32, #tpu.memory_space<vmem_shared>>
      %dma_start3A_46 = arith.constant 0 : i32
      %dma_start3A_47 = tpu.memref_slice %arg8[%add3A_10, %dma_start3A_46] : memref<10000x128xf32, #tpu.memory_space<vmem_shared>> -> memref<80x128xf32, #tpu.memory_space<vmem_shared>>
      tpu.enqueue_dma source(%arg6 : memref<80x128xf32, #tpu.memory_space<vmem>>) target(%dma_start3A_47 : memref<80x128xf32, #tpu.memory_space<vmem_shared>>) target_semaphore(%run_scoped3A_44 : memref<!tpu.dma_semaphore, #tpu.memory_space<semaphore_mem>>)
      %dma_wait3A = arith.constant 0 : i32
      %dma_wait3A_48 = tpu.memref_slice %arg8[%add3A_10, %dma_wait3A] : memref<10000x128xf32, #tpu.memory_space<vmem_shared>> -> memref<80x128xf32, #tpu.memory_space<vmem_shared>>
      %dma_wait3A_49 = arith.constant 0 : i32
      %dma_wait3A_50 = tpu.memref_slice %arg8[%add3A_10, %dma_wait3A_49] : memref<10000x128xf32, #tpu.memory_space<vmem_shared>> -> memref<80x128xf32, #tpu.memory_space<vmem_shared>>
      tpu.wait_dma2 semaphore(%run_scoped3A_44 : memref<!tpu.dma_semaphore, #tpu.memory_space<semaphore_mem>>) src(%arg6 : memref<80x128xf32, #tpu.memory_space<vmem>>) dst(%dma_wait3A_50 : memref<80x128xf32, #tpu.memory_space<vmem_shared>>)
      tpu.yield
    }) : () -> ()
    %add3A_11 = arith.constant 160 : i32
    %add3A_12 = arith.addi %multiple_of3A, %add3A_11 : i32
    "tpu.region"() ({
      %run_scoped3A_44 = tpu.sem_alloc : memref<!tpu.dma_semaphore, #tpu.memory_space<semaphore_mem>>
      %dma_start3A = arith.constant 0 : i32
      %dma_start3A_45 = tpu.memref_slice %arg8[%add3A_12, %dma_start3A] : memref<10000x128xf32, #tpu.memory_space<vmem_shared>> -> memref<80x128xf32, #tpu.memory_space<vmem_shared>>
      %dma_start3A_46 = arith.constant 0 : i32
      %dma_start3A_47 = tpu.memref_slice %arg8[%add3A_12, %dma_start3A_46] : memref<10000x128xf32, #tpu.memory_space<vmem_shared>> -> memref<80x128xf32, #tpu.memory_space<vmem_shared>>
      tpu.enqueue_dma source(%arg6 : memref<80x128xf32, #tpu.memory_space<vmem>>) target(%dma_start3A_47 : memref<80x128xf32, #tpu.memory_space<vmem_shared>>) target_semaphore(%run_scoped3A_44 : memref<!tpu.dma_semaphore, #tpu.memory_space<semaphore_mem>>)
      %dma_wait3A = arith.constant 0 : i32
      %dma_wait3A_48 = tpu.memref_slice %arg8[%add3A_12, %dma_wait3A] : memref<10000x128xf32, #tpu.memory_space<vmem_shared>> -> memref<80x128xf32, #tpu.memory_space<vmem_shared>>
      %dma_wait3A_49 = arith.constant 0 : i32
      %dma_wait3A_50 = tpu.memref_slice %arg8[%add3A_12, %dma_wait3A_49] : memref<10000x128xf32, #tpu.memory_space<vmem_shared>> -> memref<80x128xf32, #tpu.memory_space<vmem_shared>>
      tpu.wait_dma2 semaphore(%run_scoped3A_44 : memref<!tpu.dma_semaphore, #tpu.memory_space<semaphore_mem>>) src(%arg6 : memref<80x128xf32, #tpu.memory_space<vmem>>) dst(%dma_wait3A_50 : memref<80x128xf32, #tpu.memory_space<vmem_shared>>)
      tpu.yield
    }) : () -> ()
    %add3A_13 = arith.constant 240 : i32
    %add3A_14 = arith.addi %multiple_of3A, %add3A_13 : i32
    "tpu.region"() ({
      %run_scoped3A_44 = tpu.sem_alloc : memref<!tpu.dma_semaphore, #tpu.memory_space<semaphore_mem>>
      %dma_start3A = arith.constant 0 : i32
      %dma_start3A_45 = tpu.memref_slice %arg8[%add3A_14, %dma_start3A] : memref<10000x128xf32, #tpu.memory_space<vmem_shared>> -> memref<80x128xf32, #tpu.memory_space<vmem_shared>>
      %dma_start3A_46 = arith.constant 0 : i32
      %dma_start3A_47 = tpu.memref_slice %arg8[%add3A_14, %dma_start3A_46] : memref<10000x128xf32, #tpu.memory_space<vmem_shared>> -> memref<80x128xf32, #tpu.memory_space<vmem_shared>>
      tpu.enqueue_dma source(%arg6 : memref<80x128xf32, #tpu.memory_space<vmem>>) target(%dma_start3A_47 : memref<80x128xf32, #tpu.memory_space<vmem_shared>>) target_semaphore(%run_scoped3A_44 : memref<!tpu.dma_semaphore, #tpu.memory_space<semaphore_mem>>)
      %dma_wait3A = arith.constant 0 : i32
      %dma_wait3A_48 = tpu.memref_slice %arg8[%add3A_14, %dma_wait3A] : memref<10000x128xf32, #tpu.memory_space<vmem_shared>> -> memref<80x128xf32, #tpu.memory_space<vmem_shared>>
      %dma_wait3A_49 = arith.constant 0 : i32
      %dma_wait3A_50 = tpu.memref_slice %arg8[%add3A_14, %dma_wait3A_49] : memref<10000x128xf32, #tpu.memory_space<vmem_shared>> -> memref<80x128xf32, #tpu.memory_space<vmem_shared>>
      tpu.wait_dma2 semaphore(%run_scoped3A_44 : memref<!tpu.dma_semaphore, #tpu.memory_space<semaphore_mem>>) src(%arg6 : memref<80x128xf32, #tpu.memory_space<vmem>>) dst(%dma_wait3A_50 : memref<80x128xf32, #tpu.memory_space<vmem_shared>>)
      tpu.yield
    }) : () -> ()
    %add3A_15 = arith.constant 320 : i32
    %add3A_16 = arith.addi %multiple_of3A, %add3A_15 : i32
    "tpu.region"() ({
      %run_scoped3A_44 = tpu.sem_alloc : memref<!tpu.dma_semaphore, #tpu.memory_space<semaphore_mem>>
      %dma_start3A = arith.constant 0 : i32
      %dma_start3A_45 = tpu.memref_slice %arg8[%add3A_16, %dma_start3A] : memref<10000x128xf32, #tpu.memory_space<vmem_shared>> -> memref<80x128xf32, #tpu.memory_space<vmem_shared>>
      %dma_start3A_46 = arith.constant 0 : i32
      %dma_start3A_47 = tpu.memref_slice %arg8[%add3A_16, %dma_start3A_46] : memref<10000x128xf32, #tpu.memory_space<vmem_shared>> -> memref<80x128xf32, #tpu.memory_space<vmem_shared>>
      tpu.enqueue_dma source(%arg6 : memref<80x128xf32, #tpu.memory_space<vmem>>) target(%dma_start3A_47 : memref<80x128xf32, #tpu.memory_space<vmem_shared>>) target_semaphore(%run_scoped3A_44 : memref<!tpu.dma_semaphore, #tpu.memory_space<semaphore_mem>>)
      %dma_wait3A = arith.constant 0 : i32
      %dma_wait3A_48 = tpu.memref_slice %arg8[%add3A_16, %dma_wait3A] : memref<10000x128xf32, #tpu.memory_space<vmem_shared>> -> memref<80x128xf32, #tpu.memory_space<vmem_shared>>
      %dma_wait3A_49 = arith.constant 0 : i32
      %dma_wait3A_50 = tpu.memref_slice %arg8[%add3A_16, %dma_wait3A_49] : memref<10000x128xf32, #tpu.memory_space<vmem_shared>> -> memref<80x128xf32, #tpu.memory_space<vmem_shared>>
      tpu.wait_dma2 semaphore(%run_scoped3A_44 : memref<!tpu.dma_semaphore, #tpu.memory_space<semaphore_mem>>) src(%arg6 : memref<80x128xf32, #tpu.memory_space<vmem>>) dst(%dma_wait3A_50 : memref<80x128xf32, #tpu.memory_space<vmem_shared>>)
      tpu.yield
    }) : () -> ()
    %add3A_17 = arith.constant 400 : i32
    %add3A_18 = arith.addi %multiple_of3A, %add3A_17 : i32
    "tpu.region"() ({
      %run_scoped3A_44 = tpu.sem_alloc : memref<!tpu.dma_semaphore, #tpu.memory_space<semaphore_mem>>
      %dma_start3A = arith.constant 0 : i32
      %dma_start3A_45 = tpu.memref_slice %arg8[%add3A_18, %dma_start3A] : memref<10000x128xf32, #tpu.memory_space<vmem_shared>> -> memref<80x128xf32, #tpu.memory_space<vmem_shared>>
      %dma_start3A_46 = arith.constant 0 : i32
      %dma_start3A_47 = tpu.memref_slice %arg8[%add3A_18, %dma_start3A_46] : memref<10000x128xf32, #tpu.memory_space<vmem_shared>> -> memref<80x128xf32, #tpu.memory_space<vmem_shared>>
      tpu.enqueue_dma source(%arg6 : memref<80x128xf32, #tpu.memory_space<vmem>>) target(%dma_start3A_47 : memref<80x128xf32, #tpu.memory_space<vmem_shared>>) target_semaphore(%run_scoped3A_44 : memref<!tpu.dma_semaphore, #tpu.memory_space<semaphore_mem>>)
      %dma_wait3A = arith.constant 0 : i32
      %dma_wait3A_48 = tpu.memref_slice %arg8[%add3A_18, %dma_wait3A] : memref<10000x128xf32, #tpu.memory_space<vmem_shared>> -> memref<80x128xf32, #tpu.memory_space<vmem_shared>>
      %dma_wait3A_49 = arith.constant 0 : i32
      %dma_wait3A_50 = tpu.memref_slice %arg8[%add3A_18, %dma_wait3A_49] : memref<10000x128xf32, #tpu.memory_space<vmem_shared>> -> memref<80x128xf32, #tpu.memory_space<vmem_shared>>
      tpu.wait_dma2 semaphore(%run_scoped3A_44 : memref<!tpu.dma_semaphore, #tpu.memory_space<semaphore_mem>>) src(%arg6 : memref<80x128xf32, #tpu.memory_space<vmem>>) dst(%dma_wait3A_50 : memref<80x128xf32, #tpu.memory_space<vmem_shared>>)
      tpu.yield
    }) : () -> ()
    %add3A_19 = arith.constant 480 : i32
    %add3A_20 = arith.addi %multiple_of3A, %add3A_19 : i32
    "tpu.region"() ({
      %run_scoped3A_44 = tpu.sem_alloc : memref<!tpu.dma_semaphore, #tpu.memory_space<semaphore_mem>>
      %dma_start3A = arith.constant 0 : i32
      %dma_start3A_45 = tpu.memref_slice %arg8[%add3A_20, %dma_start3A] : memref<10000x128xf32, #tpu.memory_space<vmem_shared>> -> memref<80x128xf32, #tpu.memory_space<vmem_shared>>
      %dma_start3A_46 = arith.constant 0 : i32
      %dma_start3A_47 = tpu.memref_slice %arg8[%add3A_20, %dma_start3A_46] : memref<10000x128xf32, #tpu.memory_space<vmem_shared>> -> memref<80x128xf32, #tpu.memory_space<vmem_shared>>
      tpu.enqueue_dma source(%arg6 : memref<80x128xf32, #tpu.memory_space<vmem>>) target(%dma_start3A_47 : memref<80x128xf32, #tpu.memory_space<vmem_shared>>) target_semaphore(%run_scoped3A_44 : memref<!tpu.dma_semaphore, #tpu.memory_space<semaphore_mem>>)
      %dma_wait3A = arith.constant 0 : i32
      %dma_wait3A_48 = tpu.memref_slice %arg8[%add3A_20, %dma_wait3A] : memref<10000x128xf32, #tpu.memory_space<vmem_shared>> -> memref<80x128xf32, #tpu.memory_space<vmem_shared>>
      %dma_wait3A_49 = arith.constant 0 : i32
      %dma_wait3A_50 = tpu.memref_slice %arg8[%add3A_20, %dma_wait3A_49] : memref<10000x128xf32, #tpu.memory_space<vmem_shared>> -> memref<80x128xf32, #tpu.memory_space<vmem_shared>>
      tpu.wait_dma2 semaphore(%run_scoped3A_44 : memref<!tpu.dma_semaphore, #tpu.memory_space<semaphore_mem>>) src(%arg6 : memref<80x128xf32, #tpu.memory_space<vmem>>) dst(%dma_wait3A_50 : memref<80x128xf32, #tpu.memory_space<vmem_shared>>)
      tpu.yield
    }) : () -> ()
    %add3A_21 = arith.constant 560 : i32
    %add3A_22 = arith.addi %multiple_of3A, %add3A_21 : i32
    "tpu.region"() ({
      %run_scoped3A_44 = tpu.sem_alloc : memref<!tpu.dma_semaphore, #tpu.memory_space<semaphore_mem>>
      %dma_start3A = arith.constant 0 : i32
      %dma_start3A_45 = arith.constant 0 : i32
      %dma_start3A_46 = tpu.memref_slice %arg6[%dma_start3A, %dma_start3A_45] : memref<80x128xf32, #tpu.memory_space<vmem>> -> memref<64x128xf32, #tpu.memory_space<vmem>>
      %dma_start3A_47 = arith.constant 0 : i32
      %dma_start3A_48 = tpu.memref_slice %arg8[%add3A_22, %dma_start3A_47] : memref<10000x128xf32, #tpu.memory_space<vmem_shared>> -> memref<64x128xf32, #tpu.memory_space<vmem_shared>>
      %dma_start3A_49 = arith.constant 0 : i32
      %dma_start3A_50 = tpu.memref_slice %arg8[%add3A_22, %dma_start3A_49] : memref<10000x128xf32, #tpu.memory_space<vmem_shared>> -> memref<64x128xf32, #tpu.memory_space<vmem_shared>>
      %dma_start3A_51 = arith.constant 0 : i32
      %dma_start3A_52 = arith.constant 0 : i32
      %dma_start3A_53 = tpu.memref_slice %arg6[%dma_start3A_51, %dma_start3A_52] : memref<80x128xf32, #tpu.memory_space<vmem>> -> memref<64x128xf32, #tpu.memory_space<vmem>>
      tpu.enqueue_dma source(%dma_start3A_53 : memref<64x128xf32, #tpu.memory_space<vmem>>) target(%dma_start3A_50 : memref<64x128xf32, #tpu.memory_space<vmem_shared>>) target_semaphore(%run_scoped3A_44 : memref<!tpu.dma_semaphore, #tpu.memory_space<semaphore_mem>>)
      %dma_wait3A = arith.constant 0 : i32
      %dma_wait3A_54 = arith.constant 0 : i32
      %dma_wait3A_55 = tpu.memref_slice %arg6[%dma_wait3A, %dma_wait3A_54] : memref<80x128xf32, #tpu.memory_space<vmem>> -> memref<64x128xf32, #tpu.memory_space<vmem>>
      %dma_wait3A_56 = arith.constant 0 : i32
      %dma_wait3A_57 = tpu.memref_slice %arg8[%add3A_22, %dma_wait3A_56] : memref<10000x128xf32, #tpu.memory_space<vmem_shared>> -> memref<64x128xf32, #tpu.memory_space<vmem_shared>>
      %dma_wait3A_58 = arith.constant 0 : i32
      %dma_wait3A_59 = tpu.memref_slice %arg8[%add3A_22, %dma_wait3A_58] : memref<10000x128xf32, #tpu.memory_space<vmem_shared>> -> memref<64x128xf32, #tpu.memory_space<vmem_shared>>
      %dma_wait3A_60 = arith.constant 0 : i32
      %dma_wait3A_61 = arith.constant 0 : i32
      %dma_wait3A_62 = tpu.memref_slice %arg6[%dma_wait3A_60, %dma_wait3A_61] : memref<80x128xf32, #tpu.memory_space<vmem>> -> memref<64x128xf32, #tpu.memory_space<vmem>>
      tpu.wait_dma2 semaphore(%run_scoped3A_44 : memref<!tpu.dma_semaphore, #tpu.memory_space<semaphore_mem>>) src(%dma_wait3A_62 : memref<64x128xf32, #tpu.memory_space<vmem>>) dst(%dma_wait3A_59 : memref<64x128xf32, #tpu.memory_space<vmem_shared>>)
      tpu.yield
    }) : () -> ()
    %eq3A = arith.constant 15 : i32
    %eq3A_23 = arith.cmpi eq, %arg1, %eq3A : i32
    %convert_element_type3A = arith.extui %eq3A_23 : i1 to i32
    %cond3A = arith.constant 0 : i32
    %cond3A_24 = arith.cmpi ne, %convert_element_type3A, %cond3A : i32
    scf.if %cond3A_24 {
      "tpu.region"() ({
        %run_scoped3A_44 = tpu.sem_alloc : memref<!tpu.dma_semaphore, #tpu.memory_space<semaphore_mem>>
        %dma_start3A = arith.constant 0 : i32
        %dma_start3A_45 = arith.constant 0 : i32
        %dma_start3A_46 = tpu.memref_slice %arg6[%dma_start3A, %dma_start3A_45] : memref<80x128xf32, #tpu.memory_space<vmem>> -> memref<16x128xf32, #tpu.memory_space<vmem>>
        %dma_start3A_47 = arith.constant 9984 : i32
        %dma_start3A_48 = arith.constant 0 : i32
        %dma_start3A_49 = tpu.memref_slice %arg8[%dma_start3A_47, %dma_start3A_48] : memref<10000x128xf32, #tpu.memory_space<vmem_shared>> -> memref<16x128xf32, #tpu.memory_space<vmem_shared>>
        %dma_start3A_50 = arith.constant 9984 : i32
        %dma_start3A_51 = arith.constant 0 : i32
        %dma_start3A_52 = tpu.memref_slice %arg8[%dma_start3A_50, %dma_start3A_51] : memref<10000x128xf32, #tpu.memory_space<vmem_shared>> -> memref<16x128xf32, #tpu.memory_space<vmem_shared>>
        %dma_start3A_53 = arith.constant 0 : i32
        %dma_start3A_54 = arith.constant 0 : i32
        %dma_start3A_55 = tpu.memref_slice %arg6[%dma_start3A_53, %dma_start3A_54] : memref<80x128xf32, #tpu.memory_space<vmem>> -> memref<16x128xf32, #tpu.memory_space<vmem>>
        tpu.enqueue_dma source(%dma_start3A_55 : memref<16x128xf32, #tpu.memory_space<vmem>>) target(%dma_start3A_52 : memref<16x128xf32, #tpu.memory_space<vmem_shared>>) target_semaphore(%run_scoped3A_44 : memref<!tpu.dma_semaphore, #tpu.memory_space<semaphore_mem>>)
        %dma_wait3A = arith.constant 0 : i32
        %dma_wait3A_56 = arith.constant 0 : i32
        %dma_wait3A_57 = tpu.memref_slice %arg6[%dma_wait3A, %dma_wait3A_56] : memref<80x128xf32, #tpu.memory_space<vmem>> -> memref<16x128xf32, #tpu.memory_space<vmem>>
        %dma_wait3A_58 = arith.constant 9984 : i32
        %dma_wait3A_59 = arith.constant 0 : i32
        %dma_wait3A_60 = tpu.memref_slice %arg8[%dma_wait3A_58, %dma_wait3A_59] : memref<10000x128xf32, #tpu.memory_space<vmem_shared>> -> memref<16x128xf32, #tpu.memory_space<vmem_shared>>
        %dma_wait3A_61 = arith.constant 9984 : i32
        %dma_wait3A_62 = arith.constant 0 : i32
        %dma_wait3A_63 = tpu.memref_slice %arg8[%dma_wait3A_61, %dma_wait3A_62] : memref<10000x128xf32, #tpu.memory_space<vmem_shared>> -> memref<16x128xf32, #tpu.memory_space<vmem_shared>>
        %dma_wait3A_64 = arith.constant 0 : i32
        %dma_wait3A_65 = arith.constant 0 : i32
        %dma_wait3A_66 = tpu.memref_slice %arg6[%dma_wait3A_64, %dma_wait3A_65] : memref<80x128xf32, #tpu.memory_space<vmem>> -> memref<16x128xf32, #tpu.memory_space<vmem>>
        tpu.wait_dma2 semaphore(%run_scoped3A_44 : memref<!tpu.dma_semaphore, #tpu.memory_space<semaphore_mem>>) src(%dma_wait3A_66 : memref<16x128xf32, #tpu.memory_space<vmem>>) dst(%dma_wait3A_63 : memref<16x128xf32, #tpu.memory_space<vmem_shared>>)
        tpu.yield
      }) : () -> ()
    } else {
    }
    %barrier3A = arith.constant 0 : index
    tpu.barrier barrier_id(%barrier3A)
    %scan3A_25 = arith.constant 0 : i32
    %scan3A_26 = arith.constant 80 : i32
    %scan3A_27 = arith.addi %scan3A_25, %scan3A_26 : i32
    %scan3A_28 = arith.constant 1 : i32
    scf.for %scan3A_44 = %scan3A_25 to %scan3A_27 step %scan3A_28  : i32 {
      %mul3A_45 = arith.constant 1 : i32
      %mul3A_46 = arith.muli %scan3A_44, %mul3A_45 : i32
      %add3A_47 = arith.constant 0 : i32
      %add3A_48 = arith.addi %add3A_47, %mul3A_46 : i32
      %broadcast_in_dim3A = arith.constant 1.000000e+00 : f32
      %broadcast_in_dim3A_49 = vector.broadcast %broadcast_in_dim3A : f32 to vector<16xf32>
      %swap3A = arith.index_cast %add3A_48 : i32 to index
      %swap3A_50 = arith.constant 16 : index
      %swap3A_51 = tpu.vector_load %arg6[%swap3A, %swap3A_50] {strides = array<i32>} : memref<80x128xf32, #tpu.memory_space<vmem>>, vector<1x16xf32>,
      %swap3A_52 = vector.shape_cast %swap3A_51 : vector<1x16xf32> to vector<16xf32>
      %swap3A_53 = vector.shape_cast %broadcast_in_dim3A_49 : vector<16xf32> to vector<1x16xf32>
      tpu.vector_store %arg6[%swap3A, %swap3A_50], %swap3A_53 {strides = array<i32>} : memref<80x128xf32, #tpu.memory_space<vmem>>, vector<1x16xf32>,
    }
    %scan3A_29 = arith.constant 80 : i32
    %mul3A_30 = arith.constant 10000 : i32
    %mul3A_31 = arith.muli %add3A, %mul3A_30 : i32
    %multiple_of3A_32 = tpu.assume_multiple %mul3A_31, 8 : i32
    %scan3A_33 = arith.constant 0 : i32
    %scan3A_34 = arith.constant 125 : i32
    %scan3A_35 = arith.addi %scan3A_33, %scan3A_34 : i32
    %scan3A_36 = arith.constant 1 : i32
    scf.for %scan3A_44 = %scan3A_33 to %scan3A_35 step %scan3A_36  : i32 {
      %mul3A_45 = arith.constant 1 : i32
      %mul3A_46 = arith.muli %scan3A_44, %mul3A_45 : i32
      %add3A_47 = arith.constant 0 : i32
      %add3A_48 = arith.addi %add3A_47, %mul3A_46 : i32
      %mul3A_49 = arith.constant 80 : i32
      %mul3A_50 = arith.muli %add3A_48, %mul3A_49 : i32
      %add3A_51 = arith.addi %multiple_of3A_32, %mul3A_50 : i32
      %multiple_of3A_52 = tpu.assume_multiple %add3A_51, 8 : i32
      %dma_start3A = arith.constant 0 : i32
      %dma_start3A_53 = tpu.memref_slice %arg3[%multiple_of3A_52, %dma_start3A] : memref<320000x16xf32, #tpu.memory_space<hbm>> -> memref<80x16xf32, #tpu.memory_space<hbm>>
      %dma_start3A_54 = arith.constant 0 : i32
      %dma_start3A_55 = tpu.memref_slice %arg3[%multiple_of3A_52, %dma_start3A_54] : memref<320000x16xf32, #tpu.memory_space<hbm>> -> memref<80x16xf32, #tpu.memory_space<hbm>>
      tpu.enqueue_dma source(%dma_start3A_55 : memref<80x16xf32, #tpu.memory_space<hbm>>) target(%arg7 : memref<80x16xf32, #tpu.memory_space<vmem>>) target_semaphore(%arg9 : memref<!tpu.dma_semaphore, #tpu.memory_space<semaphore_mem>>)
      %dma_wait3A = arith.constant 0 : i32
      %dma_wait3A_56 = tpu.memref_slice %arg3[%multiple_of3A_52, %dma_wait3A] : memref<320000x16xf32, #tpu.memory_space<hbm>> -> memref<80x16xf32, #tpu.memory_space<hbm>>
      %dma_wait3A_57 = arith.constant 0 : i32
      %dma_wait3A_58 = tpu.memref_slice %arg3[%multiple_of3A_52, %dma_wait3A_57] : memref<320000x16xf32, #tpu.memory_space<hbm>> -> memref<80x16xf32, #tpu.memory_space<hbm>>
      tpu.wait_dma2 semaphore(%arg9 : memref<!tpu.dma_semaphore, #tpu.memory_space<semaphore_mem>>) src(%dma_wait3A_58 : memref<80x16xf32, #tpu.memory_space<hbm>>) dst(%arg7 : memref<80x16xf32, #tpu.memory_space<vmem>>)
      %scan3A_59 = arith.constant 0 : i32
      %scan3A_60 = arith.constant 80 : i32
      %scan3A_61 = arith.addi %scan3A_59, %scan3A_60 : i32
      %scan3A_62 = arith.constant 1 : i32
      scf.for %scan3A_64 = %scan3A_59 to %scan3A_61 step %scan3A_62  : i32 {
        %mul3A_65 = arith.constant 1 : i32
        %mul3A_66 = arith.muli %scan3A_64, %mul3A_65 : i32
        %add3A_67 = arith.constant 0 : i32
        %add3A_68 = arith.addi %add3A_67, %mul3A_66 : i32
        %get3A = arith.index_cast %add3A_68 : i32 to index
        %get3A_69 = arith.constant 0 : index
        %get3A_70 = tpu.vector_load %arg7[%get3A, %get3A_69] {strides = array<i32>} : memref<80x16xf32, #tpu.memory_space<vmem>>, vector<1x16xf32>,
        %get3A_71 = vector.shape_cast %get3A_70 : vector<1x16xf32> to vector<16xf32>
        %swap3A = arith.index_cast %add3A_68 : i32 to index
        %swap3A_72 = arith.constant 0 : index
        %swap3A_73 = tpu.vector_load %arg6[%swap3A, %swap3A_72] {strides = array<i32>} : memref<80x128xf32, #tpu.memory_space<vmem>>, vector<1x16xf32>,
        %swap3A_74 = vector.shape_cast %swap3A_73 : vector<1x16xf32> to vector<16xf32>
        %swap3A_75 = vector.shape_cast %get3A_71 : vector<16xf32> to vector<1x16xf32>
        tpu.vector_store %arg6[%swap3A, %swap3A_72], %swap3A_75 {strides = array<i32>} : memref<80x128xf32, #tpu.memory_space<vmem>>, vector<1x16xf32>,
      }
      %scan3A_63 = arith.constant 80 : i32
      "tpu.region"() ({
        %run_scoped3A_64 = tpu.sem_alloc : memref<!tpu.dma_semaphore, #tpu.memory_space<semaphore_mem>>
        %dma_start3A_65 = arith.constant 0 : i32
        %dma_start3A_66 = tpu.memref_slice %arg5[%add3A_48, %dma_start3A_65] : memref<125x80xi32, #tpu.memory_space<vmem>> -> memref<1x80xi32, #tpu.memory_space<vmem>>
        %dma_start3A_67 = tpu.memref_squeeze %dma_start3A_66 : memref<1x80xi32, #tpu.memory_space<vmem>> -> memref<80xi32, #tpu.memory_space<vmem>>
        %dma_start3A_68 = arith.constant 0 : i32
        %dma_start3A_69 = arith.constant 0 : i32
        %dma_start3A_70 = tpu.memref_slice %arg8[%dma_start3A_68, %dma_start3A_69] : memref<10000x128xf32, #tpu.memory_space<vmem_shared>> -> memref<10000x128xf32, #tpu.memory_space<vmem_shared>>
        tpu.enqueue_indirect_dma source(%arg6 : memref<80x128xf32, #tpu.memory_space<vmem>>) target(%dma_start3A_70 : memref<10000x128xf32, #tpu.memory_space<vmem_shared>>) offsets(%dma_start3A_67 : memref<80xi32, #tpu.memory_space<vmem>>) semaphore(%run_scoped3A_64 : memref<!tpu.dma_semaphore, #tpu.memory_space<semaphore_mem>>) {add = true}
        %dma_wait3A_71 = arith.constant 0 : i32
        %dma_wait3A_72 = tpu.memref_slice %arg5[%add3A_48, %dma_wait3A_71] : memref<125x80xi32, #tpu.memory_space<vmem>> -> memref<1x80xi32, #tpu.memory_space<vmem>>
        %dma_wait3A_73 = tpu.memref_squeeze %dma_wait3A_72 : memref<1x80xi32, #tpu.memory_space<vmem>> -> memref<80xi32, #tpu.memory_space<vmem>>
        %dma_wait3A_74 = arith.constant 0 : i32
        %dma_wait3A_75 = arith.constant 0 : i32
        %dma_wait3A_76 = tpu.memref_slice %arg8[%dma_wait3A_74, %dma_wait3A_75] : memref<10000x128xf32, #tpu.memory_space<vmem_shared>> -> memref<10000x128xf32, #tpu.memory_space<vmem_shared>>
        tpu.wait_indirect_dma semaphore(%run_scoped3A_64 : memref<!tpu.dma_semaphore, #tpu.memory_space<semaphore_mem>>) src(%arg6 : memref<80x128xf32, #tpu.memory_space<vmem>>) dst(%dma_wait3A_76 : memref<10000x128xf32, #tpu.memory_space<vmem_shared>>)
        tpu.yield
      }) : () -> ()
    }
    %scan3A_37 = arith.constant 125 : i32
    %barrier3A_38 = arith.constant 0 : index
    tpu.barrier barrier_id(%barrier3A_38)
    "tpu.region"() ({
      %run_scoped3A_44 = tpu.sem_alloc : memref<!tpu.dma_semaphore, #tpu.memory_space<semaphore_mem>>
      %dma_start3A = arith.constant 0 : i32
      %dma_start3A_45 = tpu.memref_slice %arg4[%arg0, %multiple_of3A, %dma_start3A] : memref<2x10000x128xf32, #tpu.memory_space<hbm>> -> memref<1x624x128xf32, #tpu.memory_space<hbm>>
      %dma_start3A_46 = tpu.memref_squeeze %dma_start3A_45 : memref<1x624x128xf32, #tpu.memory_space<hbm>> -> memref<624x128xf32, #tpu.memory_space<hbm>>
      %dma_start3A_47 = arith.constant 0 : i32
      %dma_start3A_48 = tpu.memref_slice %arg8[%multiple_of3A, %dma_start3A_47] : memref<10000x128xf32, #tpu.memory_space<vmem_shared>> -> memref<624x128xf32, #tpu.memory_space<vmem_shared>>
      tpu.enqueue_dma source(%dma_start3A_48 : memref<624x128xf32, #tpu.memory_space<vmem_shared>>) target(%dma_start3A_46 : memref<624x128xf32, #tpu.memory_space<hbm>>) target_semaphore(%run_scoped3A_44 : memref<!tpu.dma_semaphore, #tpu.memory_space<semaphore_mem>>)
      %dma_wait3A = arith.constant 0 : i32
      %dma_wait3A_49 = tpu.memref_slice %arg4[%arg0, %multiple_of3A, %dma_wait3A] : memref<2x10000x128xf32, #tpu.memory_space<hbm>> -> memref<1x624x128xf32, #tpu.memory_space<hbm>>
      %dma_wait3A_50 = tpu.memref_squeeze %dma_wait3A_49 : memref<1x624x128xf32, #tpu.memory_space<hbm>> -> memref<624x128xf32, #tpu.memory_space<hbm>>
      %dma_wait3A_51 = arith.constant 0 : i32
      %dma_wait3A_52 = tpu.memref_slice %arg8[%multiple_of3A, %dma_wait3A_51] : memref<10000x128xf32, #tpu.memory_space<vmem_shared>> -> memref<624x128xf32, #tpu.memory_space<vmem_shared>>
      tpu.wait_dma2 semaphore(%run_scoped3A_44 : memref<!tpu.dma_semaphore, #tpu.memory_space<semaphore_mem>>) src(%dma_wait3A_52 : memref<624x128xf32, #tpu.memory_space<vmem_shared>>) dst(%dma_wait3A_50 : memref<624x128xf32, #tpu.memory_space<hbm>>)
      tpu.yield
    }) : () -> ()
    %eq3A_39 = arith.constant 15 : i32
    %eq3A_40 = arith.cmpi eq, %arg1, %eq3A_39 : i32
    %convert_element_type3A_41 = arith.extui %eq3A_40 : i1 to i32
    %cond3A_42 = arith.constant 0 : i32
    %cond3A_43 = arith.cmpi ne, %convert_element_type3A_41, %cond3A_42 : i32
    scf.if %cond3A_43 {
      "tpu.region"() ({
        %run_scoped3A_44 = tpu.sem_alloc : memref<!tpu.dma_semaphore, #tpu.memory_space<semaphore_mem>>
        %dma_start3A = arith.constant 9984 : i32
        %dma_start3A_45 = arith.constant 0 : i32
        %dma_start3A_46 = tpu.memref_slice %arg4[%arg0, %dma_start3A, %dma_start3A_45] : memref<2x10000x128xf32, #tpu.memory_space<hbm>> -> memref<1x16x128xf32, #tpu.memory_space<hbm>>
        %dma_start3A_47 = tpu.memref_squeeze %dma_start3A_46 : memref<1x16x128xf32, #tpu.memory_space<hbm>> -> memref<16x128xf32, #tpu.memory_space<hbm>>
        %dma_start3A_48 = arith.constant 9984 : i32
        %dma_start3A_49 = arith.constant 0 : i32
        %dma_start3A_50 = tpu.memref_slice %arg8[%dma_start3A_48, %dma_start3A_49] : memref<10000x128xf32, #tpu.memory_space<vmem_shared>> -> memref<16x128xf32, #tpu.memory_space<vmem_shared>>
        tpu.enqueue_dma source(%dma_start3A_50 : memref<16x128xf32, #tpu.memory_space<vmem_shared>>) target(%dma_start3A_47 : memref<16x128xf32, #tpu.memory_space<hbm>>) target_semaphore(%run_scoped3A_44 : memref<!tpu.dma_semaphore, #tpu.memory_space<semaphore_mem>>)
        %dma_wait3A = arith.constant 9984 : i32
        %dma_wait3A_51 = arith.constant 0 : i32
        %dma_wait3A_52 = tpu.memref_slice %arg4[%arg0, %dma_wait3A, %dma_wait3A_51] : memref<2x10000x128xf32, #tpu.memory_space<hbm>> -> memref<1x16x128xf32, #tpu.memory_space<hbm>>
        %dma_wait3A_53 = tpu.memref_squeeze %dma_wait3A_52 : memref<1x16x128xf32, #tpu.memory_space<hbm>> -> memref<16x128xf32, #tpu.memory_space<hbm>>
        %dma_wait3A_54 = arith.constant 9984 : i32
        %dma_wait3A_55 = arith.constant 0 : i32
        %dma_wait3A_56 = tpu.memref_slice %arg8[%dma_wait3A_54, %dma_wait3A_55] : memref<10000x128xf32, #tpu.memory_space<vmem_shared>> -> memref<16x128xf32, #tpu.memory_space<vmem_shared>>
        tpu.wait_dma2 semaphore(%run_scoped3A_44 : memref<!tpu.dma_semaphore, #tpu.memory_space<semaphore_mem>>) src(%dma_wait3A_56 : memref<16x128xf32, #tpu.memory_space<vmem_shared>>) dst(%dma_wait3A_53 : memref<16x128xf32, #tpu.memory_space<hbm>>)
        tpu.yield
      }) : () -> ()
    } else {
    }
    return
  }
}

#map = affine_map<(d0, d1) -> (0, 0, 0)>
#map1 = affine_map<(d0, d1) -> (0, 0, 0, 0)>
#map2 = affine_map<(d0, d1) -> (0, 0)>
module attributes {stable_mosaic.version = 14 : i64} {
  func.func @_sc_spmm_body(%arg0: i32, %arg1: i32, %arg2: memref<2x32x10000xi32, #tpu.memory_space<hbm>>, %arg3: memref<2x32x125x80xi32, #tpu.memory_space<hbm>>, %arg4: memref<10000x128xf32, #tpu.memory_space<hbm>>, %arg5: memref<2x10000x128xf32, #tpu.memory_space<hbm>>, %arg6: memref<10000xi32, #tpu.memory_space<vmem>>, %arg7: memref<125x80xi32, #tpu.memory_space<vmem>>, %arg8: memref<80x128xf32, #tpu.memory_space<vmem>>, %arg9: memref<80x128xf32, #tpu.memory_space<vmem>>, %arg10: memref<10000x128xf32, #tpu.memory_space<vmem_shared>>, %arg11: memref<!tpu.dma_semaphore, #tpu.memory_space<semaphore_mem>>) attributes {dimension_semantics = [#tpu.dimension_semantics<core_parallel>, #tpu.dimension_semantics<subcore_parallel>], iteration_bounds = array<i64: 2, 16>, scalar_prefetch = 0 : i64, scratch_operands = 6 : i64, tpu.core_type = #tpu.core_type<sc_vector_subcore>, window_params = [{transform_indices = #map}, {transform_indices = #map1}, {transform_indices = #map2}, {transform_indices = #map}]} {
    %mul3A = arith.constant 16 : i32
    %mul3A_0 = arith.muli %arg0, %mul3A : i32
    %add3A = arith.addi %mul3A_0, %arg1 : i32
    %run_scoped3A = arith.constant 0 : i32
    "tpu.region"() ({
      %run_scoped3A_48 = tpu.sem_alloc : memref<!tpu.dma_semaphore, #tpu.memory_space<semaphore_mem>>
      %dma_start3A_49 = arith.constant 0 : i32
      %dma_start3A_50 = tpu.memref_slice %arg2[%run_scoped3A, %add3A, %dma_start3A_49] : memref<2x32x10000xi32, #tpu.memory_space<hbm>> -> memref<1x1x10000xi32, #tpu.memory_space<hbm>>
      %dma_start3A_51 = tpu.memref_squeeze %dma_start3A_50 : memref<1x1x10000xi32, #tpu.memory_space<hbm>> -> memref<10000xi32, #tpu.memory_space<hbm>>
      %dma_start3A_52 = arith.constant 0 : i32
      %dma_start3A_53 = tpu.memref_slice %arg2[%run_scoped3A, %add3A, %dma_start3A_52] : memref<2x32x10000xi32, #tpu.memory_space<hbm>> -> memref<1x1x10000xi32, #tpu.memory_space<hbm>>
      %dma_start3A_54 = tpu.memref_squeeze %dma_start3A_53 : memref<1x1x10000xi32, #tpu.memory_space<hbm>> -> memref<10000xi32, #tpu.memory_space<hbm>>
      tpu.enqueue_dma source(%dma_start3A_54 : memref<10000xi32, #tpu.memory_space<hbm>>) target(%arg6 : memref<10000xi32, #tpu.memory_space<vmem>>) target_semaphore(%run_scoped3A_48 : memref<!tpu.dma_semaphore, #tpu.memory_space<semaphore_mem>>)
      %dma_wait3A_55 = arith.constant 0 : i32
      %dma_wait3A_56 = tpu.memref_slice %arg2[%run_scoped3A, %add3A, %dma_wait3A_55] : memref<2x32x10000xi32, #tpu.memory_space<hbm>> -> memref<1x1x10000xi32, #tpu.memory_space<hbm>>
      %dma_wait3A_57 = tpu.memref_squeeze %dma_wait3A_56 : memref<1x1x10000xi32, #tpu.memory_space<hbm>> -> memref<10000xi32, #tpu.memory_space<hbm>>
      %dma_wait3A_58 = arith.constant 0 : i32
      %dma_wait3A_59 = tpu.memref_slice %arg2[%run_scoped3A, %add3A, %dma_wait3A_58] : memref<2x32x10000xi32, #tpu.memory_space<hbm>> -> memref<1x1x10000xi32, #tpu.memory_space<hbm>>
      %dma_wait3A_60 = tpu.memref_squeeze %dma_wait3A_59 : memref<1x1x10000xi32, #tpu.memory_space<hbm>> -> memref<10000xi32, #tpu.memory_space<hbm>>
      tpu.wait_dma2 semaphore(%run_scoped3A_48 : memref<!tpu.dma_semaphore, #tpu.memory_space<semaphore_mem>>) src(%dma_wait3A_60 : memref<10000xi32, #tpu.memory_space<hbm>>) dst(%arg6 : memref<10000xi32, #tpu.memory_space<vmem>>)
      tpu.yield
    }) : () -> ()
    %run_scoped3A_1 = arith.constant 1 : i32
    "tpu.region"() ({
      %run_scoped3A_48 = tpu.sem_alloc : memref<!tpu.dma_semaphore, #tpu.memory_space<semaphore_mem>>
      %dma_start3A_49 = arith.constant 0 : i32
      %dma_start3A_50 = arith.constant 0 : i32
      %dma_start3A_51 = tpu.memref_slice %arg3[%run_scoped3A_1, %add3A, %dma_start3A_49, %dma_start3A_50] : memref<2x32x125x80xi32, #tpu.memory_space<hbm>> -> memref<1x1x125x80xi32, #tpu.memory_space<hbm>>
      %dma_start3A_52 = tpu.memref_squeeze %dma_start3A_51 : memref<1x1x125x80xi32, #tpu.memory_space<hbm>> -> memref<125x80xi32, #tpu.memory_space<hbm>>
      %dma_start3A_53 = arith.constant 0 : i32
      %dma_start3A_54 = arith.constant 0 : i32
      %dma_start3A_55 = tpu.memref_slice %arg3[%run_scoped3A_1, %add3A, %dma_start3A_53, %dma_start3A_54] : memref<2x32x125x80xi32, #tpu.memory_space<hbm>> -> memref<1x1x125x80xi32, #tpu.memory_space<hbm>>
      %dma_start3A_56 = tpu.memref_squeeze %dma_start3A_55 : memref<1x1x125x80xi32, #tpu.memory_space<hbm>> -> memref<125x80xi32, #tpu.memory_space<hbm>>
      tpu.enqueue_dma source(%dma_start3A_56 : memref<125x80xi32, #tpu.memory_space<hbm>>) target(%arg7 : memref<125x80xi32, #tpu.memory_space<vmem>>) target_semaphore(%run_scoped3A_48 : memref<!tpu.dma_semaphore, #tpu.memory_space<semaphore_mem>>)
      %dma_wait3A_57 = arith.constant 0 : i32
      %dma_wait3A_58 = arith.constant 0 : i32
      %dma_wait3A_59 = tpu.memref_slice %arg3[%run_scoped3A_1, %add3A, %dma_wait3A_57, %dma_wait3A_58] : memref<2x32x125x80xi32, #tpu.memory_space<hbm>> -> memref<1x1x125x80xi32, #tpu.memory_space<hbm>>
      %dma_wait3A_60 = tpu.memref_squeeze %dma_wait3A_59 : memref<1x1x125x80xi32, #tpu.memory_space<hbm>> -> memref<125x80xi32, #tpu.memory_space<hbm>>
      %dma_wait3A_61 = arith.constant 0 : i32
      %dma_wait3A_62 = arith.constant 0 : i32
      %dma_wait3A_63 = tpu.memref_slice %arg3[%run_scoped3A_1, %add3A, %dma_wait3A_61, %dma_wait3A_62] : memref<2x32x125x80xi32, #tpu.memory_space<hbm>> -> memref<1x1x125x80xi32, #tpu.memory_space<hbm>>
      %dma_wait3A_64 = tpu.memref_squeeze %dma_wait3A_63 : memref<1x1x125x80xi32, #tpu.memory_space<hbm>> -> memref<125x80xi32, #tpu.memory_space<hbm>>
      tpu.wait_dma2 semaphore(%run_scoped3A_48 : memref<!tpu.dma_semaphore, #tpu.memory_space<semaphore_mem>>) src(%dma_wait3A_64 : memref<125x80xi32, #tpu.memory_space<hbm>>) dst(%arg7 : memref<125x80xi32, #tpu.memory_space<vmem>>)
      tpu.yield
    }) : () -> ()
    %scan3A = arith.constant 0 : i32
    %scan3A_2 = arith.constant 80 : i32
    %scan3A_3 = arith.addi %scan3A, %scan3A_2 : i32
    %scan3A_4 = arith.constant 1 : i32
    scf.for %scan3A_48 = %scan3A to %scan3A_3 step %scan3A_4  : i32 {
      %mul3A_49 = arith.constant 1 : i32
      %mul3A_50 = arith.muli %scan3A_48, %mul3A_49 : i32
      %add3A_51 = arith.constant 0 : i32
      %add3A_52 = arith.addi %add3A_51, %mul3A_50 : i32
      %broadcast_in_dim3A = arith.constant 0.000000e+00 : f32
      %broadcast_in_dim3A_53 = vector.broadcast %broadcast_in_dim3A : f32 to vector<16xf32>
      %swap3A = arith.index_cast %add3A_52 : i32 to index
      %swap3A_54 = arith.constant 0 : index
      %swap3A_55 = tpu.vector_load %arg8[%swap3A, %swap3A_54] {strides = array<i32>} : memref<80x128xf32, #tpu.memory_space<vmem>>, vector<1x16xf32>,
      %swap3A_56 = vector.shape_cast %swap3A_55 : vector<1x16xf32> to vector<16xf32>
      %swap3A_57 = vector.shape_cast %broadcast_in_dim3A_53 : vector<16xf32> to vector<1x16xf32>
      tpu.vector_store %arg8[%swap3A, %swap3A_54], %swap3A_57 {strides = array<i32>} : memref<80x128xf32, #tpu.memory_space<vmem>>, vector<1x16xf32>,
      %broadcast_in_dim3A_58 = arith.constant 0.000000e+00 : f32
      %broadcast_in_dim3A_59 = vector.broadcast %broadcast_in_dim3A_58 : f32 to vector<16xf32>
      %swap3A_60 = arith.index_cast %add3A_52 : i32 to index
      %swap3A_61 = arith.constant 16 : index
      %swap3A_62 = tpu.vector_load %arg8[%swap3A_60, %swap3A_61] {strides = array<i32>} : memref<80x128xf32, #tpu.memory_space<vmem>>, vector<1x16xf32>,
      %swap3A_63 = vector.shape_cast %swap3A_62 : vector<1x16xf32> to vector<16xf32>
      %swap3A_64 = vector.shape_cast %broadcast_in_dim3A_59 : vector<16xf32> to vector<1x16xf32>
      tpu.vector_store %arg8[%swap3A_60, %swap3A_61], %swap3A_64 {strides = array<i32>} : memref<80x128xf32, #tpu.memory_space<vmem>>, vector<1x16xf32>,
      %broadcast_in_dim3A_65 = arith.constant 0.000000e+00 : f32
      %broadcast_in_dim3A_66 = vector.broadcast %broadcast_in_dim3A_65 : f32 to vector<16xf32>
      %swap3A_67 = arith.index_cast %add3A_52 : i32 to index
      %swap3A_68 = arith.constant 32 : index
      %swap3A_69 = tpu.vector_load %arg8[%swap3A_67, %swap3A_68] {strides = array<i32>} : memref<80x128xf32, #tpu.memory_space<vmem>>, vector<1x16xf32>,
      %swap3A_70 = vector.shape_cast %swap3A_69 : vector<1x16xf32> to vector<16xf32>
      %swap3A_71 = vector.shape_cast %broadcast_in_dim3A_66 : vector<16xf32> to vector<1x16xf32>
      tpu.vector_store %arg8[%swap3A_67, %swap3A_68], %swap3A_71 {strides = array<i32>} : memref<80x128xf32, #tpu.memory_space<vmem>>, vector<1x16xf32>,
      %broadcast_in_dim3A_72 = arith.constant 0.000000e+00 : f32
      %broadcast_in_dim3A_73 = vector.broadcast %broadcast_in_dim3A_72 : f32 to vector<16xf32>
      %swap3A_74 = arith.index_cast %add3A_52 : i32 to index
      %swap3A_75 = arith.constant 48 : index
      %swap3A_76 = tpu.vector_load %arg8[%swap3A_74, %swap3A_75] {strides = array<i32>} : memref<80x128xf32, #tpu.memory_space<vmem>>, vector<1x16xf32>,
      %swap3A_77 = vector.shape_cast %swap3A_76 : vector<1x16xf32> to vector<16xf32>
      %swap3A_78 = vector.shape_cast %broadcast_in_dim3A_73 : vector<16xf32> to vector<1x16xf32>
      tpu.vector_store %arg8[%swap3A_74, %swap3A_75], %swap3A_78 {strides = array<i32>} : memref<80x128xf32, #tpu.memory_space<vmem>>, vector<1x16xf32>,
      %broadcast_in_dim3A_79 = arith.constant 0.000000e+00 : f32
      %broadcast_in_dim3A_80 = vector.broadcast %broadcast_in_dim3A_79 : f32 to vector<16xf32>
      %swap3A_81 = arith.index_cast %add3A_52 : i32 to index
      %swap3A_82 = arith.constant 64 : index
      %swap3A_83 = tpu.vector_load %arg8[%swap3A_81, %swap3A_82] {strides = array<i32>} : memref<80x128xf32, #tpu.memory_space<vmem>>, vector<1x16xf32>,
      %swap3A_84 = vector.shape_cast %swap3A_83 : vector<1x16xf32> to vector<16xf32>
      %swap3A_85 = vector.shape_cast %broadcast_in_dim3A_80 : vector<16xf32> to vector<1x16xf32>
      tpu.vector_store %arg8[%swap3A_81, %swap3A_82], %swap3A_85 {strides = array<i32>} : memref<80x128xf32, #tpu.memory_space<vmem>>, vector<1x16xf32>,
      %broadcast_in_dim3A_86 = arith.constant 0.000000e+00 : f32
      %broadcast_in_dim3A_87 = vector.broadcast %broadcast_in_dim3A_86 : f32 to vector<16xf32>
      %swap3A_88 = arith.index_cast %add3A_52 : i32 to index
      %swap3A_89 = arith.constant 80 : index
      %swap3A_90 = tpu.vector_load %arg8[%swap3A_88, %swap3A_89] {strides = array<i32>} : memref<80x128xf32, #tpu.memory_space<vmem>>, vector<1x16xf32>,
      %swap3A_91 = vector.shape_cast %swap3A_90 : vector<1x16xf32> to vector<16xf32>
      %swap3A_92 = vector.shape_cast %broadcast_in_dim3A_87 : vector<16xf32> to vector<1x16xf32>
      tpu.vector_store %arg8[%swap3A_88, %swap3A_89], %swap3A_92 {strides = array<i32>} : memref<80x128xf32, #tpu.memory_space<vmem>>, vector<1x16xf32>,
      %broadcast_in_dim3A_93 = arith.constant 0.000000e+00 : f32
      %broadcast_in_dim3A_94 = vector.broadcast %broadcast_in_dim3A_93 : f32 to vector<16xf32>
      %swap3A_95 = arith.index_cast %add3A_52 : i32 to index
      %swap3A_96 = arith.constant 96 : index
      %swap3A_97 = tpu.vector_load %arg8[%swap3A_95, %swap3A_96] {strides = array<i32>} : memref<80x128xf32, #tpu.memory_space<vmem>>, vector<1x16xf32>,
      %swap3A_98 = vector.shape_cast %swap3A_97 : vector<1x16xf32> to vector<16xf32>
      %swap3A_99 = vector.shape_cast %broadcast_in_dim3A_94 : vector<16xf32> to vector<1x16xf32>
      tpu.vector_store %arg8[%swap3A_95, %swap3A_96], %swap3A_99 {strides = array<i32>} : memref<80x128xf32, #tpu.memory_space<vmem>>, vector<1x16xf32>,
      %broadcast_in_dim3A_100 = arith.constant 0.000000e+00 : f32
      %broadcast_in_dim3A_101 = vector.broadcast %broadcast_in_dim3A_100 : f32 to vector<16xf32>
      %swap3A_102 = arith.index_cast %add3A_52 : i32 to index
      %swap3A_103 = arith.constant 112 : index
      %swap3A_104 = tpu.vector_load %arg8[%swap3A_102, %swap3A_103] {strides = array<i32>} : memref<80x128xf32, #tpu.memory_space<vmem>>, vector<1x16xf32>,
      %swap3A_105 = vector.shape_cast %swap3A_104 : vector<1x16xf32> to vector<16xf32>
      %swap3A_106 = vector.shape_cast %broadcast_in_dim3A_101 : vector<16xf32> to vector<1x16xf32>
      tpu.vector_store %arg8[%swap3A_102, %swap3A_103], %swap3A_106 {strides = array<i32>} : memref<80x128xf32, #tpu.memory_space<vmem>>, vector<1x16xf32>,
    }
    %scan3A_5 = arith.constant 80 : i32
    %mul3A_6 = arith.constant 624 : i32
    %mul3A_7 = arith.muli %arg1, %mul3A_6 : i32
    %multiple_of3A = tpu.assume_multiple %mul3A_7, 8 : i32
    %add3A_8 = arith.constant 0 : i32
    %add3A_9 = arith.addi %multiple_of3A, %add3A_8 : i32
    "tpu.region"() ({
      %run_scoped3A_48 = tpu.sem_alloc : memref<!tpu.dma_semaphore, #tpu.memory_space<semaphore_mem>>
      %dma_start3A_49 = arith.constant 0 : i32
      %dma_start3A_50 = tpu.memref_slice %arg10[%add3A_9, %dma_start3A_49] : memref<10000x128xf32, #tpu.memory_space<vmem_shared>> -> memref<80x128xf32, #tpu.memory_space<vmem_shared>>
      %dma_start3A_51 = arith.constant 0 : i32
      %dma_start3A_52 = tpu.memref_slice %arg10[%add3A_9, %dma_start3A_51] : memref<10000x128xf32, #tpu.memory_space<vmem_shared>> -> memref<80x128xf32, #tpu.memory_space<vmem_shared>>
      tpu.enqueue_dma source(%arg8 : memref<80x128xf32, #tpu.memory_space<vmem>>) target(%dma_start3A_52 : memref<80x128xf32, #tpu.memory_space<vmem_shared>>) target_semaphore(%run_scoped3A_48 : memref<!tpu.dma_semaphore, #tpu.memory_space<semaphore_mem>>)
      %dma_wait3A_53 = arith.constant 0 : i32
      %dma_wait3A_54 = tpu.memref_slice %arg10[%add3A_9, %dma_wait3A_53] : memref<10000x128xf32, #tpu.memory_space<vmem_shared>> -> memref<80x128xf32, #tpu.memory_space<vmem_shared>>
      %dma_wait3A_55 = arith.constant 0 : i32
      %dma_wait3A_56 = tpu.memref_slice %arg10[%add3A_9, %dma_wait3A_55] : memref<10000x128xf32, #tpu.memory_space<vmem_shared>> -> memref<80x128xf32, #tpu.memory_space<vmem_shared>>
      tpu.wait_dma2 semaphore(%run_scoped3A_48 : memref<!tpu.dma_semaphore, #tpu.memory_space<semaphore_mem>>) src(%arg8 : memref<80x128xf32, #tpu.memory_space<vmem>>) dst(%dma_wait3A_56 : memref<80x128xf32, #tpu.memory_space<vmem_shared>>)
      tpu.yield
    }) : () -> ()
    %add3A_10 = arith.constant 80 : i32
    %add3A_11 = arith.addi %multiple_of3A, %add3A_10 : i32
    "tpu.region"() ({
      %run_scoped3A_48 = tpu.sem_alloc : memref<!tpu.dma_semaphore, #tpu.memory_space<semaphore_mem>>
      %dma_start3A_49 = arith.constant 0 : i32
      %dma_start3A_50 = tpu.memref_slice %arg10[%add3A_11, %dma_start3A_49] : memref<10000x128xf32, #tpu.memory_space<vmem_shared>> -> memref<80x128xf32, #tpu.memory_space<vmem_shared>>
      %dma_start3A_51 = arith.constant 0 : i32
      %dma_start3A_52 = tpu.memref_slice %arg10[%add3A_11, %dma_start3A_51] : memref<10000x128xf32, #tpu.memory_space<vmem_shared>> -> memref<80x128xf32, #tpu.memory_space<vmem_shared>>
      tpu.enqueue_dma source(%arg8 : memref<80x128xf32, #tpu.memory_space<vmem>>) target(%dma_start3A_52 : memref<80x128xf32, #tpu.memory_space<vmem_shared>>) target_semaphore(%run_scoped3A_48 : memref<!tpu.dma_semaphore, #tpu.memory_space<semaphore_mem>>)
      %dma_wait3A_53 = arith.constant 0 : i32
      %dma_wait3A_54 = tpu.memref_slice %arg10[%add3A_11, %dma_wait3A_53] : memref<10000x128xf32, #tpu.memory_space<vmem_shared>> -> memref<80x128xf32, #tpu.memory_space<vmem_shared>>
      %dma_wait3A_55 = arith.constant 0 : i32
      %dma_wait3A_56 = tpu.memref_slice %arg10[%add3A_11, %dma_wait3A_55] : memref<10000x128xf32, #tpu.memory_space<vmem_shared>> -> memref<80x128xf32, #tpu.memory_space<vmem_shared>>
      tpu.wait_dma2 semaphore(%run_scoped3A_48 : memref<!tpu.dma_semaphore, #tpu.memory_space<semaphore_mem>>) src(%arg8 : memref<80x128xf32, #tpu.memory_space<vmem>>) dst(%dma_wait3A_56 : memref<80x128xf32, #tpu.memory_space<vmem_shared>>)
      tpu.yield
    }) : () -> ()
    %add3A_12 = arith.constant 160 : i32
    %add3A_13 = arith.addi %multiple_of3A, %add3A_12 : i32
    "tpu.region"() ({
      %run_scoped3A_48 = tpu.sem_alloc : memref<!tpu.dma_semaphore, #tpu.memory_space<semaphore_mem>>
      %dma_start3A_49 = arith.constant 0 : i32
      %dma_start3A_50 = tpu.memref_slice %arg10[%add3A_13, %dma_start3A_49] : memref<10000x128xf32, #tpu.memory_space<vmem_shared>> -> memref<80x128xf32, #tpu.memory_space<vmem_shared>>
      %dma_start3A_51 = arith.constant 0 : i32
      %dma_start3A_52 = tpu.memref_slice %arg10[%add3A_13, %dma_start3A_51] : memref<10000x128xf32, #tpu.memory_space<vmem_shared>> -> memref<80x128xf32, #tpu.memory_space<vmem_shared>>
      tpu.enqueue_dma source(%arg8 : memref<80x128xf32, #tpu.memory_space<vmem>>) target(%dma_start3A_52 : memref<80x128xf32, #tpu.memory_space<vmem_shared>>) target_semaphore(%run_scoped3A_48 : memref<!tpu.dma_semaphore, #tpu.memory_space<semaphore_mem>>)
      %dma_wait3A_53 = arith.constant 0 : i32
      %dma_wait3A_54 = tpu.memref_slice %arg10[%add3A_13, %dma_wait3A_53] : memref<10000x128xf32, #tpu.memory_space<vmem_shared>> -> memref<80x128xf32, #tpu.memory_space<vmem_shared>>
      %dma_wait3A_55 = arith.constant 0 : i32
      %dma_wait3A_56 = tpu.memref_slice %arg10[%add3A_13, %dma_wait3A_55] : memref<10000x128xf32, #tpu.memory_space<vmem_shared>> -> memref<80x128xf32, #tpu.memory_space<vmem_shared>>
      tpu.wait_dma2 semaphore(%run_scoped3A_48 : memref<!tpu.dma_semaphore, #tpu.memory_space<semaphore_mem>>) src(%arg8 : memref<80x128xf32, #tpu.memory_space<vmem>>) dst(%dma_wait3A_56 : memref<80x128xf32, #tpu.memory_space<vmem_shared>>)
      tpu.yield
    }) : () -> ()
    %add3A_14 = arith.constant 240 : i32
    %add3A_15 = arith.addi %multiple_of3A, %add3A_14 : i32
    "tpu.region"() ({
      %run_scoped3A_48 = tpu.sem_alloc : memref<!tpu.dma_semaphore, #tpu.memory_space<semaphore_mem>>
      %dma_start3A_49 = arith.constant 0 : i32
      %dma_start3A_50 = tpu.memref_slice %arg10[%add3A_15, %dma_start3A_49] : memref<10000x128xf32, #tpu.memory_space<vmem_shared>> -> memref<80x128xf32, #tpu.memory_space<vmem_shared>>
      %dma_start3A_51 = arith.constant 0 : i32
      %dma_start3A_52 = tpu.memref_slice %arg10[%add3A_15, %dma_start3A_51] : memref<10000x128xf32, #tpu.memory_space<vmem_shared>> -> memref<80x128xf32, #tpu.memory_space<vmem_shared>>
      tpu.enqueue_dma source(%arg8 : memref<80x128xf32, #tpu.memory_space<vmem>>) target(%dma_start3A_52 : memref<80x128xf32, #tpu.memory_space<vmem_shared>>) target_semaphore(%run_scoped3A_48 : memref<!tpu.dma_semaphore, #tpu.memory_space<semaphore_mem>>)
      %dma_wait3A_53 = arith.constant 0 : i32
      %dma_wait3A_54 = tpu.memref_slice %arg10[%add3A_15, %dma_wait3A_53] : memref<10000x128xf32, #tpu.memory_space<vmem_shared>> -> memref<80x128xf32, #tpu.memory_space<vmem_shared>>
      %dma_wait3A_55 = arith.constant 0 : i32
      %dma_wait3A_56 = tpu.memref_slice %arg10[%add3A_15, %dma_wait3A_55] : memref<10000x128xf32, #tpu.memory_space<vmem_shared>> -> memref<80x128xf32, #tpu.memory_space<vmem_shared>>
      tpu.wait_dma2 semaphore(%run_scoped3A_48 : memref<!tpu.dma_semaphore, #tpu.memory_space<semaphore_mem>>) src(%arg8 : memref<80x128xf32, #tpu.memory_space<vmem>>) dst(%dma_wait3A_56 : memref<80x128xf32, #tpu.memory_space<vmem_shared>>)
      tpu.yield
    }) : () -> ()
    %add3A_16 = arith.constant 320 : i32
    %add3A_17 = arith.addi %multiple_of3A, %add3A_16 : i32
    "tpu.region"() ({
      %run_scoped3A_48 = tpu.sem_alloc : memref<!tpu.dma_semaphore, #tpu.memory_space<semaphore_mem>>
      %dma_start3A_49 = arith.constant 0 : i32
      %dma_start3A_50 = tpu.memref_slice %arg10[%add3A_17, %dma_start3A_49] : memref<10000x128xf32, #tpu.memory_space<vmem_shared>> -> memref<80x128xf32, #tpu.memory_space<vmem_shared>>
      %dma_start3A_51 = arith.constant 0 : i32
      %dma_start3A_52 = tpu.memref_slice %arg10[%add3A_17, %dma_start3A_51] : memref<10000x128xf32, #tpu.memory_space<vmem_shared>> -> memref<80x128xf32, #tpu.memory_space<vmem_shared>>
      tpu.enqueue_dma source(%arg8 : memref<80x128xf32, #tpu.memory_space<vmem>>) target(%dma_start3A_52 : memref<80x128xf32, #tpu.memory_space<vmem_shared>>) target_semaphore(%run_scoped3A_48 : memref<!tpu.dma_semaphore, #tpu.memory_space<semaphore_mem>>)
      %dma_wait3A_53 = arith.constant 0 : i32
      %dma_wait3A_54 = tpu.memref_slice %arg10[%add3A_17, %dma_wait3A_53] : memref<10000x128xf32, #tpu.memory_space<vmem_shared>> -> memref<80x128xf32, #tpu.memory_space<vmem_shared>>
      %dma_wait3A_55 = arith.constant 0 : i32
      %dma_wait3A_56 = tpu.memref_slice %arg10[%add3A_17, %dma_wait3A_55] : memref<10000x128xf32, #tpu.memory_space<vmem_shared>> -> memref<80x128xf32, #tpu.memory_space<vmem_shared>>
      tpu.wait_dma2 semaphore(%run_scoped3A_48 : memref<!tpu.dma_semaphore, #tpu.memory_space<semaphore_mem>>) src(%arg8 : memref<80x128xf32, #tpu.memory_space<vmem>>) dst(%dma_wait3A_56 : memref<80x128xf32, #tpu.memory_space<vmem_shared>>)
      tpu.yield
    }) : () -> ()
    %add3A_18 = arith.constant 400 : i32
    %add3A_19 = arith.addi %multiple_of3A, %add3A_18 : i32
    "tpu.region"() ({
      %run_scoped3A_48 = tpu.sem_alloc : memref<!tpu.dma_semaphore, #tpu.memory_space<semaphore_mem>>
      %dma_start3A_49 = arith.constant 0 : i32
      %dma_start3A_50 = tpu.memref_slice %arg10[%add3A_19, %dma_start3A_49] : memref<10000x128xf32, #tpu.memory_space<vmem_shared>> -> memref<80x128xf32, #tpu.memory_space<vmem_shared>>
      %dma_start3A_51 = arith.constant 0 : i32
      %dma_start3A_52 = tpu.memref_slice %arg10[%add3A_19, %dma_start3A_51] : memref<10000x128xf32, #tpu.memory_space<vmem_shared>> -> memref<80x128xf32, #tpu.memory_space<vmem_shared>>
      tpu.enqueue_dma source(%arg8 : memref<80x128xf32, #tpu.memory_space<vmem>>) target(%dma_start3A_52 : memref<80x128xf32, #tpu.memory_space<vmem_shared>>) target_semaphore(%run_scoped3A_48 : memref<!tpu.dma_semaphore, #tpu.memory_space<semaphore_mem>>)
      %dma_wait3A_53 = arith.constant 0 : i32
      %dma_wait3A_54 = tpu.memref_slice %arg10[%add3A_19, %dma_wait3A_53] : memref<10000x128xf32, #tpu.memory_space<vmem_shared>> -> memref<80x128xf32, #tpu.memory_space<vmem_shared>>
      %dma_wait3A_55 = arith.constant 0 : i32
      %dma_wait3A_56 = tpu.memref_slice %arg10[%add3A_19, %dma_wait3A_55] : memref<10000x128xf32, #tpu.memory_space<vmem_shared>> -> memref<80x128xf32, #tpu.memory_space<vmem_shared>>
      tpu.wait_dma2 semaphore(%run_scoped3A_48 : memref<!tpu.dma_semaphore, #tpu.memory_space<semaphore_mem>>) src(%arg8 : memref<80x128xf32, #tpu.memory_space<vmem>>) dst(%dma_wait3A_56 : memref<80x128xf32, #tpu.memory_space<vmem_shared>>)
      tpu.yield
    }) : () -> ()
    %add3A_20 = arith.constant 480 : i32
    %add3A_21 = arith.addi %multiple_of3A, %add3A_20 : i32
    "tpu.region"() ({
      %run_scoped3A_48 = tpu.sem_alloc : memref<!tpu.dma_semaphore, #tpu.memory_space<semaphore_mem>>
      %dma_start3A_49 = arith.constant 0 : i32
      %dma_start3A_50 = tpu.memref_slice %arg10[%add3A_21, %dma_start3A_49] : memref<10000x128xf32, #tpu.memory_space<vmem_shared>> -> memref<80x128xf32, #tpu.memory_space<vmem_shared>>
      %dma_start3A_51 = arith.constant 0 : i32
      %dma_start3A_52 = tpu.memref_slice %arg10[%add3A_21, %dma_start3A_51] : memref<10000x128xf32, #tpu.memory_space<vmem_shared>> -> memref<80x128xf32, #tpu.memory_space<vmem_shared>>
      tpu.enqueue_dma source(%arg8 : memref<80x128xf32, #tpu.memory_space<vmem>>) target(%dma_start3A_52 : memref<80x128xf32, #tpu.memory_space<vmem_shared>>) target_semaphore(%run_scoped3A_48 : memref<!tpu.dma_semaphore, #tpu.memory_space<semaphore_mem>>)
      %dma_wait3A_53 = arith.constant 0 : i32
      %dma_wait3A_54 = tpu.memref_slice %arg10[%add3A_21, %dma_wait3A_53] : memref<10000x128xf32, #tpu.memory_space<vmem_shared>> -> memref<80x128xf32, #tpu.memory_space<vmem_shared>>
      %dma_wait3A_55 = arith.constant 0 : i32
      %dma_wait3A_56 = tpu.memref_slice %arg10[%add3A_21, %dma_wait3A_55] : memref<10000x128xf32, #tpu.memory_space<vmem_shared>> -> memref<80x128xf32, #tpu.memory_space<vmem_shared>>
      tpu.wait_dma2 semaphore(%run_scoped3A_48 : memref<!tpu.dma_semaphore, #tpu.memory_space<semaphore_mem>>) src(%arg8 : memref<80x128xf32, #tpu.memory_space<vmem>>) dst(%dma_wait3A_56 : memref<80x128xf32, #tpu.memory_space<vmem_shared>>)
      tpu.yield
    }) : () -> ()
    %add3A_22 = arith.constant 560 : i32
    %add3A_23 = arith.addi %multiple_of3A, %add3A_22 : i32
    "tpu.region"() ({
      %run_scoped3A_48 = tpu.sem_alloc : memref<!tpu.dma_semaphore, #tpu.memory_space<semaphore_mem>>
      %dma_start3A_49 = arith.constant 0 : i32
      %dma_start3A_50 = arith.constant 0 : i32
      %dma_start3A_51 = tpu.memref_slice %arg8[%dma_start3A_49, %dma_start3A_50] : memref<80x128xf32, #tpu.memory_space<vmem>> -> memref<64x128xf32, #tpu.memory_space<vmem>>
      %dma_start3A_52 = arith.constant 0 : i32
      %dma_start3A_53 = tpu.memref_slice %arg10[%add3A_23, %dma_start3A_52] : memref<10000x128xf32, #tpu.memory_space<vmem_shared>> -> memref<64x128xf32, #tpu.memory_space<vmem_shared>>
      %dma_start3A_54 = arith.constant 0 : i32
      %dma_start3A_55 = tpu.memref_slice %arg10[%add3A_23, %dma_start3A_54] : memref<10000x128xf32, #tpu.memory_space<vmem_shared>> -> memref<64x128xf32, #tpu.memory_space<vmem_shared>>
      %dma_start3A_56 = arith.constant 0 : i32
      %dma_start3A_57 = arith.constant 0 : i32
      %dma_start3A_58 = tpu.memref_slice %arg8[%dma_start3A_56, %dma_start3A_57] : memref<80x128xf32, #tpu.memory_space<vmem>> -> memref<64x128xf32, #tpu.memory_space<vmem>>
      tpu.enqueue_dma source(%dma_start3A_58 : memref<64x128xf32, #tpu.memory_space<vmem>>) target(%dma_start3A_55 : memref<64x128xf32, #tpu.memory_space<vmem_shared>>) target_semaphore(%run_scoped3A_48 : memref<!tpu.dma_semaphore, #tpu.memory_space<semaphore_mem>>)
      %dma_wait3A_59 = arith.constant 0 : i32
      %dma_wait3A_60 = arith.constant 0 : i32
      %dma_wait3A_61 = tpu.memref_slice %arg8[%dma_wait3A_59, %dma_wait3A_60] : memref<80x128xf32, #tpu.memory_space<vmem>> -> memref<64x128xf32, #tpu.memory_space<vmem>>
      %dma_wait3A_62 = arith.constant 0 : i32
      %dma_wait3A_63 = tpu.memref_slice %arg10[%add3A_23, %dma_wait3A_62] : memref<10000x128xf32, #tpu.memory_space<vmem_shared>> -> memref<64x128xf32, #tpu.memory_space<vmem_shared>>
      %dma_wait3A_64 = arith.constant 0 : i32
      %dma_wait3A_65 = tpu.memref_slice %arg10[%add3A_23, %dma_wait3A_64] : memref<10000x128xf32, #tpu.memory_space<vmem_shared>> -> memref<64x128xf32, #tpu.memory_space<vmem_shared>>
      %dma_wait3A_66 = arith.constant 0 : i32
      %dma_wait3A_67 = arith.constant 0 : i32
      %dma_wait3A_68 = tpu.memref_slice %arg8[%dma_wait3A_66, %dma_wait3A_67] : memref<80x128xf32, #tpu.memory_space<vmem>> -> memref<64x128xf32, #tpu.memory_space<vmem>>
      tpu.wait_dma2 semaphore(%run_scoped3A_48 : memref<!tpu.dma_semaphore, #tpu.memory_space<semaphore_mem>>) src(%dma_wait3A_68 : memref<64x128xf32, #tpu.memory_space<vmem>>) dst(%dma_wait3A_65 : memref<64x128xf32, #tpu.memory_space<vmem_shared>>)
      tpu.yield
    }) : () -> ()
    %eq3A = arith.constant 15 : i32
    %eq3A_24 = arith.cmpi eq, %arg1, %eq3A : i32
    %convert_element_type3A = arith.extui %eq3A_24 : i1 to i32
    %cond3A = arith.constant 0 : i32
    %cond3A_25 = arith.cmpi ne, %convert_element_type3A, %cond3A : i32
    scf.if %cond3A_25 {
      "tpu.region"() ({
        %run_scoped3A_48 = tpu.sem_alloc : memref<!tpu.dma_semaphore, #tpu.memory_space<semaphore_mem>>
        %dma_start3A_49 = arith.constant 0 : i32
        %dma_start3A_50 = arith.constant 0 : i32
        %dma_start3A_51 = tpu.memref_slice %arg8[%dma_start3A_49, %dma_start3A_50] : memref<80x128xf32, #tpu.memory_space<vmem>> -> memref<16x128xf32, #tpu.memory_space<vmem>>
        %dma_start3A_52 = arith.constant 9984 : i32
        %dma_start3A_53 = arith.constant 0 : i32
        %dma_start3A_54 = tpu.memref_slice %arg10[%dma_start3A_52, %dma_start3A_53] : memref<10000x128xf32, #tpu.memory_space<vmem_shared>> -> memref<16x128xf32, #tpu.memory_space<vmem_shared>>
        %dma_start3A_55 = arith.constant 9984 : i32
        %dma_start3A_56 = arith.constant 0 : i32
        %dma_start3A_57 = tpu.memref_slice %arg10[%dma_start3A_55, %dma_start3A_56] : memref<10000x128xf32, #tpu.memory_space<vmem_shared>> -> memref<16x128xf32, #tpu.memory_space<vmem_shared>>
        %dma_start3A_58 = arith.constant 0 : i32
        %dma_start3A_59 = arith.constant 0 : i32
        %dma_start3A_60 = tpu.memref_slice %arg8[%dma_start3A_58, %dma_start3A_59] : memref<80x128xf32, #tpu.memory_space<vmem>> -> memref<16x128xf32, #tpu.memory_space<vmem>>
        tpu.enqueue_dma source(%dma_start3A_60 : memref<16x128xf32, #tpu.memory_space<vmem>>) target(%dma_start3A_57 : memref<16x128xf32, #tpu.memory_space<vmem_shared>>) target_semaphore(%run_scoped3A_48 : memref<!tpu.dma_semaphore, #tpu.memory_space<semaphore_mem>>)
        %dma_wait3A_61 = arith.constant 0 : i32
        %dma_wait3A_62 = arith.constant 0 : i32
        %dma_wait3A_63 = tpu.memref_slice %arg8[%dma_wait3A_61, %dma_wait3A_62] : memref<80x128xf32, #tpu.memory_space<vmem>> -> memref<16x128xf32, #tpu.memory_space<vmem>>
        %dma_wait3A_64 = arith.constant 9984 : i32
        %dma_wait3A_65 = arith.constant 0 : i32
        %dma_wait3A_66 = tpu.memref_slice %arg10[%dma_wait3A_64, %dma_wait3A_65] : memref<10000x128xf32, #tpu.memory_space<vmem_shared>> -> memref<16x128xf32, #tpu.memory_space<vmem_shared>>
        %dma_wait3A_67 = arith.constant 9984 : i32
        %dma_wait3A_68 = arith.constant 0 : i32
        %dma_wait3A_69 = tpu.memref_slice %arg10[%dma_wait3A_67, %dma_wait3A_68] : memref<10000x128xf32, #tpu.memory_space<vmem_shared>> -> memref<16x128xf32, #tpu.memory_space<vmem_shared>>
        %dma_wait3A_70 = arith.constant 0 : i32
        %dma_wait3A_71 = arith.constant 0 : i32
        %dma_wait3A_72 = tpu.memref_slice %arg8[%dma_wait3A_70, %dma_wait3A_71] : memref<80x128xf32, #tpu.memory_space<vmem>> -> memref<16x128xf32, #tpu.memory_space<vmem>>
        tpu.wait_dma2 semaphore(%run_scoped3A_48 : memref<!tpu.dma_semaphore, #tpu.memory_space<semaphore_mem>>) src(%dma_wait3A_72 : memref<16x128xf32, #tpu.memory_space<vmem>>) dst(%dma_wait3A_69 : memref<16x128xf32, #tpu.memory_space<vmem_shared>>)
        tpu.yield
      }) : () -> ()
    } else {
    }
    %barrier3A = arith.constant 0 : index
    tpu.barrier barrier_id(%barrier3A)
    %multiple_of3A_26 = arith.constant 0 : i32
    %multiple_of3A_27 = tpu.assume_multiple %multiple_of3A_26, 8 : i32
    %dma_start3A = tpu.memref_slice %arg6[%multiple_of3A_27] : memref<10000xi32, #tpu.memory_space<vmem>> -> memref<80xi32, #tpu.memory_space<vmem>>
    %dma_start3A_28 = arith.constant 0 : i32
    %dma_start3A_29 = arith.constant 0 : i32
    %dma_start3A_30 = tpu.memref_slice %arg4[%dma_start3A_28, %dma_start3A_29] : memref<10000x128xf32, #tpu.memory_space<hbm>> -> memref<10000x128xf32, #tpu.memory_space<hbm>>
    tpu.enqueue_indirect_dma source(%dma_start3A_30 : memref<10000x128xf32, #tpu.memory_space<hbm>>) target(%arg8 : memref<80x128xf32, #tpu.memory_space<vmem>>) offsets(%dma_start3A : memref<80xi32, #tpu.memory_space<vmem>>) semaphore(%arg11 : memref<!tpu.dma_semaphore, #tpu.memory_space<semaphore_mem>>)
    %scan3A_31 = arith.constant 0 : i32
    %scan3A_32 = arith.constant 62 : i32
    %scan3A_33 = arith.addi %scan3A_31, %scan3A_32 : i32
    %scan3A_34 = arith.constant 1 : i32
    scf.for %scan3A_48 = %scan3A_31 to %scan3A_33 step %scan3A_34  : i32 {
      %mul3A_49 = arith.constant 1 : i32
      %mul3A_50 = arith.muli %scan3A_48, %mul3A_49 : i32
      %add3A_51 = arith.constant 0 : i32
      %add3A_52 = arith.addi %add3A_51, %mul3A_50 : i32
      %mul3A_53 = arith.constant 2 : i32
      %mul3A_54 = arith.muli %mul3A_53, %add3A_52 : i32
      %multiple_of3A_55 = arith.constant 0 : i32
      %multiple_of3A_56 = tpu.assume_multiple %multiple_of3A_55, 8 : i32
      %dma_wait3A_57 = tpu.memref_slice %arg6[%multiple_of3A_56] : memref<10000xi32, #tpu.memory_space<vmem>> -> memref<80xi32, #tpu.memory_space<vmem>>
      %dma_wait3A_58 = arith.constant 0 : i32
      %dma_wait3A_59 = arith.constant 0 : i32
      %dma_wait3A_60 = tpu.memref_slice %arg4[%dma_wait3A_58, %dma_wait3A_59] : memref<10000x128xf32, #tpu.memory_space<hbm>> -> memref<10000x128xf32, #tpu.memory_space<hbm>>
      tpu.wait_indirect_dma semaphore(%arg11 : memref<!tpu.dma_semaphore, #tpu.memory_space<semaphore_mem>>) src(%dma_wait3A_60 : memref<10000x128xf32, #tpu.memory_space<hbm>>) dst(%arg8 : memref<80x128xf32, #tpu.memory_space<vmem>>)
      %add3A_61 = arith.constant 1 : i32
      %add3A_62 = arith.addi %mul3A_54, %add3A_61 : i32
      %mul3A_63 = arith.constant 80 : i32
      %mul3A_64 = arith.muli %add3A_62, %mul3A_63 : i32
      %multiple_of3A_65 = tpu.assume_multiple %mul3A_64, 8 : i32
      %dma_start3A_66 = tpu.memref_slice %arg6[%multiple_of3A_65] : memref<10000xi32, #tpu.memory_space<vmem>> -> memref<80xi32, #tpu.memory_space<vmem>>
      %dma_start3A_67 = arith.constant 0 : i32
      %dma_start3A_68 = arith.constant 0 : i32
      %dma_start3A_69 = tpu.memref_slice %arg4[%dma_start3A_67, %dma_start3A_68] : memref<10000x128xf32, #tpu.memory_space<hbm>> -> memref<10000x128xf32, #tpu.memory_space<hbm>>
      tpu.enqueue_indirect_dma source(%dma_start3A_69 : memref<10000x128xf32, #tpu.memory_space<hbm>>) target(%arg9 : memref<80x128xf32, #tpu.memory_space<vmem>>) offsets(%dma_start3A_66 : memref<80xi32, #tpu.memory_space<vmem>>) semaphore(%arg11 : memref<!tpu.dma_semaphore, #tpu.memory_space<semaphore_mem>>)
      "tpu.region"() ({
        %run_scoped3A_87 = tpu.sem_alloc : memref<!tpu.dma_semaphore, #tpu.memory_space<semaphore_mem>>
        %dma_start3A_88 = arith.constant 0 : i32
        %dma_start3A_89 = tpu.memref_slice %arg7[%mul3A_54, %dma_start3A_88] : memref<125x80xi32, #tpu.memory_space<vmem>> -> memref<1x80xi32, #tpu.memory_space<vmem>>
        %dma_start3A_90 = tpu.memref_squeeze %dma_start3A_89 : memref<1x80xi32, #tpu.memory_space<vmem>> -> memref<80xi32, #tpu.memory_space<vmem>>
        %dma_start3A_91 = arith.constant 0 : i32
        %dma_start3A_92 = arith.constant 0 : i32
        %dma_start3A_93 = tpu.memref_slice %arg10[%dma_start3A_91, %dma_start3A_92] : memref<10000x128xf32, #tpu.memory_space<vmem_shared>> -> memref<10000x128xf32, #tpu.memory_space<vmem_shared>>
        tpu.enqueue_indirect_dma source(%arg8 : memref<80x128xf32, #tpu.memory_space<vmem>>) target(%dma_start3A_93 : memref<10000x128xf32, #tpu.memory_space<vmem_shared>>) offsets(%dma_start3A_90 : memref<80xi32, #tpu.memory_space<vmem>>) semaphore(%run_scoped3A_87 : memref<!tpu.dma_semaphore, #tpu.memory_space<semaphore_mem>>) {add = true}
        %dma_wait3A_94 = arith.constant 0 : i32
        %dma_wait3A_95 = tpu.memref_slice %arg7[%mul3A_54, %dma_wait3A_94] : memref<125x80xi32, #tpu.memory_space<vmem>> -> memref<1x80xi32, #tpu.memory_space<vmem>>
        %dma_wait3A_96 = tpu.memref_squeeze %dma_wait3A_95 : memref<1x80xi32, #tpu.memory_space<vmem>> -> memref<80xi32, #tpu.memory_space<vmem>>
        %dma_wait3A_97 = arith.constant 0 : i32
        %dma_wait3A_98 = arith.constant 0 : i32
        %dma_wait3A_99 = tpu.memref_slice %arg10[%dma_wait3A_97, %dma_wait3A_98] : memref<10000x128xf32, #tpu.memory_space<vmem_shared>> -> memref<10000x128xf32, #tpu.memory_space<vmem_shared>>
        tpu.wait_indirect_dma semaphore(%run_scoped3A_87 : memref<!tpu.dma_semaphore, #tpu.memory_space<semaphore_mem>>) src(%arg8 : memref<80x128xf32, #tpu.memory_space<vmem>>) dst(%dma_wait3A_99 : memref<10000x128xf32, #tpu.memory_space<vmem_shared>>)
        tpu.yield
      }) : () -> ()
      %add3A_70 = arith.constant 2 : i32
      %add3A_71 = arith.addi %mul3A_54, %add3A_70 : i32
      %mul3A_72 = arith.constant 80 : i32
      %mul3A_73 = arith.muli %add3A_71, %mul3A_72 : i32
      %multiple_of3A_74 = tpu.assume_multiple %mul3A_73, 8 : i32
      %dma_start3A_75 = tpu.memref_slice %arg6[%multiple_of3A_74] : memref<10000xi32, #tpu.memory_space<vmem>> -> memref<80xi32, #tpu.memory_space<vmem>>
      %dma_start3A_76 = arith.constant 0 : i32
      %dma_start3A_77 = arith.constant 0 : i32
      %dma_start3A_78 = tpu.memref_slice %arg4[%dma_start3A_76, %dma_start3A_77] : memref<10000x128xf32, #tpu.memory_space<hbm>> -> memref<10000x128xf32, #tpu.memory_space<hbm>>
      tpu.enqueue_indirect_dma source(%dma_start3A_78 : memref<10000x128xf32, #tpu.memory_space<hbm>>) target(%arg8 : memref<80x128xf32, #tpu.memory_space<vmem>>) offsets(%dma_start3A_75 : memref<80xi32, #tpu.memory_space<vmem>>) semaphore(%arg11 : memref<!tpu.dma_semaphore, #tpu.memory_space<semaphore_mem>>)
      %multiple_of3A_79 = arith.constant 0 : i32
      %multiple_of3A_80 = tpu.assume_multiple %multiple_of3A_79, 8 : i32
      %dma_wait3A_81 = tpu.memref_slice %arg6[%multiple_of3A_80] : memref<10000xi32, #tpu.memory_space<vmem>> -> memref<80xi32, #tpu.memory_space<vmem>>
      %dma_wait3A_82 = arith.constant 0 : i32
      %dma_wait3A_83 = arith.constant 0 : i32
      %dma_wait3A_84 = tpu.memref_slice %arg4[%dma_wait3A_82, %dma_wait3A_83] : memref<10000x128xf32, #tpu.memory_space<hbm>> -> memref<10000x128xf32, #tpu.memory_space<hbm>>
      tpu.wait_indirect_dma semaphore(%arg11 : memref<!tpu.dma_semaphore, #tpu.memory_space<semaphore_mem>>) src(%dma_wait3A_84 : memref<10000x128xf32, #tpu.memory_space<hbm>>) dst(%arg9 : memref<80x128xf32, #tpu.memory_space<vmem>>)
      %add3A_85 = arith.constant 1 : i32
      %add3A_86 = arith.addi %mul3A_54, %add3A_85 : i32
      "tpu.region"() ({
        %run_scoped3A_87 = tpu.sem_alloc : memref<!tpu.dma_semaphore, #tpu.memory_space<semaphore_mem>>
        %dma_start3A_88 = arith.constant 0 : i32
        %dma_start3A_89 = tpu.memref_slice %arg7[%add3A_86, %dma_start3A_88] : memref<125x80xi32, #tpu.memory_space<vmem>> -> memref<1x80xi32, #tpu.memory_space<vmem>>
        %dma_start3A_90 = tpu.memref_squeeze %dma_start3A_89 : memref<1x80xi32, #tpu.memory_space<vmem>> -> memref<80xi32, #tpu.memory_space<vmem>>
        %dma_start3A_91 = arith.constant 0 : i32
        %dma_start3A_92 = arith.constant 0 : i32
        %dma_start3A_93 = tpu.memref_slice %arg10[%dma_start3A_91, %dma_start3A_92] : memref<10000x128xf32, #tpu.memory_space<vmem_shared>> -> memref<10000x128xf32, #tpu.memory_space<vmem_shared>>
        tpu.enqueue_indirect_dma source(%arg9 : memref<80x128xf32, #tpu.memory_space<vmem>>) target(%dma_start3A_93 : memref<10000x128xf32, #tpu.memory_space<vmem_shared>>) offsets(%dma_start3A_90 : memref<80xi32, #tpu.memory_space<vmem>>) semaphore(%run_scoped3A_87 : memref<!tpu.dma_semaphore, #tpu.memory_space<semaphore_mem>>) {add = true}
        %dma_wait3A_94 = arith.constant 0 : i32
        %dma_wait3A_95 = tpu.memref_slice %arg7[%add3A_86, %dma_wait3A_94] : memref<125x80xi32, #tpu.memory_space<vmem>> -> memref<1x80xi32, #tpu.memory_space<vmem>>
        %dma_wait3A_96 = tpu.memref_squeeze %dma_wait3A_95 : memref<1x80xi32, #tpu.memory_space<vmem>> -> memref<80xi32, #tpu.memory_space<vmem>>
        %dma_wait3A_97 = arith.constant 0 : i32
        %dma_wait3A_98 = arith.constant 0 : i32
        %dma_wait3A_99 = tpu.memref_slice %arg10[%dma_wait3A_97, %dma_wait3A_98] : memref<10000x128xf32, #tpu.memory_space<vmem_shared>> -> memref<10000x128xf32, #tpu.memory_space<vmem_shared>>
        tpu.wait_indirect_dma semaphore(%run_scoped3A_87 : memref<!tpu.dma_semaphore, #tpu.memory_space<semaphore_mem>>) src(%arg9 : memref<80x128xf32, #tpu.memory_space<vmem>>) dst(%dma_wait3A_99 : memref<10000x128xf32, #tpu.memory_space<vmem_shared>>)
        tpu.yield
      }) : () -> ()
    }
    %scan3A_35 = arith.constant 62 : i32
    %multiple_of3A_36 = arith.constant 0 : i32
    %multiple_of3A_37 = tpu.assume_multiple %multiple_of3A_36, 8 : i32
    %dma_wait3A = tpu.memref_slice %arg6[%multiple_of3A_37] : memref<10000xi32, #tpu.memory_space<vmem>> -> memref<80xi32, #tpu.memory_space<vmem>>
    %dma_wait3A_38 = arith.constant 0 : i32
    %dma_wait3A_39 = arith.constant 0 : i32
    %dma_wait3A_40 = tpu.memref_slice %arg4[%dma_wait3A_38, %dma_wait3A_39] : memref<10000x128xf32, #tpu.memory_space<hbm>> -> memref<10000x128xf32, #tpu.memory_space<hbm>>
    tpu.wait_indirect_dma semaphore(%arg11 : memref<!tpu.dma_semaphore, #tpu.memory_space<semaphore_mem>>) src(%dma_wait3A_40 : memref<10000x128xf32, #tpu.memory_space<hbm>>) dst(%arg8 : memref<80x128xf32, #tpu.memory_space<vmem>>)
    %run_scoped3A_41 = arith.constant 124 : i32
    "tpu.region"() ({
      %run_scoped3A_48 = tpu.sem_alloc : memref<!tpu.dma_semaphore, #tpu.memory_space<semaphore_mem>>
      %dma_start3A_49 = arith.constant 0 : i32
      %dma_start3A_50 = tpu.memref_slice %arg7[%run_scoped3A_41, %dma_start3A_49] : memref<125x80xi32, #tpu.memory_space<vmem>> -> memref<1x80xi32, #tpu.memory_space<vmem>>
      %dma_start3A_51 = tpu.memref_squeeze %dma_start3A_50 : memref<1x80xi32, #tpu.memory_space<vmem>> -> memref<80xi32, #tpu.memory_space<vmem>>
      %dma_start3A_52 = arith.constant 0 : i32
      %dma_start3A_53 = arith.constant 0 : i32
      %dma_start3A_54 = tpu.memref_slice %arg10[%dma_start3A_52, %dma_start3A_53] : memref<10000x128xf32, #tpu.memory_space<vmem_shared>> -> memref<10000x128xf32, #tpu.memory_space<vmem_shared>>
      tpu.enqueue_indirect_dma source(%arg8 : memref<80x128xf32, #tpu.memory_space<vmem>>) target(%dma_start3A_54 : memref<10000x128xf32, #tpu.memory_space<vmem_shared>>) offsets(%dma_start3A_51 : memref<80xi32, #tpu.memory_space<vmem>>) semaphore(%run_scoped3A_48 : memref<!tpu.dma_semaphore, #tpu.memory_space<semaphore_mem>>) {add = true}
      %dma_wait3A_55 = arith.constant 0 : i32
      %dma_wait3A_56 = tpu.memref_slice %arg7[%run_scoped3A_41, %dma_wait3A_55] : memref<125x80xi32, #tpu.memory_space<vmem>> -> memref<1x80xi32, #tpu.memory_space<vmem>>
      %dma_wait3A_57 = tpu.memref_squeeze %dma_wait3A_56 : memref<1x80xi32, #tpu.memory_space<vmem>> -> memref<80xi32, #tpu.memory_space<vmem>>
      %dma_wait3A_58 = arith.constant 0 : i32
      %dma_wait3A_59 = arith.constant 0 : i32
      %dma_wait3A_60 = tpu.memref_slice %arg10[%dma_wait3A_58, %dma_wait3A_59] : memref<10000x128xf32, #tpu.memory_space<vmem_shared>> -> memref<10000x128xf32, #tpu.memory_space<vmem_shared>>
      tpu.wait_indirect_dma semaphore(%run_scoped3A_48 : memref<!tpu.dma_semaphore, #tpu.memory_space<semaphore_mem>>) src(%arg8 : memref<80x128xf32, #tpu.memory_space<vmem>>) dst(%dma_wait3A_60 : memref<10000x128xf32, #tpu.memory_space<vmem_shared>>)
      tpu.yield
    }) : () -> ()
    %barrier3A_42 = arith.constant 0 : index
    tpu.barrier barrier_id(%barrier3A_42)
    "tpu.region"() ({
      %run_scoped3A_48 = tpu.sem_alloc : memref<!tpu.dma_semaphore, #tpu.memory_space<semaphore_mem>>
      %dma_start3A_49 = arith.constant 0 : i32
      %dma_start3A_50 = tpu.memref_slice %arg5[%arg0, %multiple_of3A, %dma_start3A_49] : memref<2x10000x128xf32, #tpu.memory_space<hbm>> -> memref<1x624x128xf32, #tpu.memory_space<hbm>>
      %dma_start3A_51 = tpu.memref_squeeze %dma_start3A_50 : memref<1x624x128xf32, #tpu.memory_space<hbm>> -> memref<624x128xf32, #tpu.memory_space<hbm>>
      %dma_start3A_52 = arith.constant 0 : i32
      %dma_start3A_53 = tpu.memref_slice %arg10[%multiple_of3A, %dma_start3A_52] : memref<10000x128xf32, #tpu.memory_space<vmem_shared>> -> memref<624x128xf32, #tpu.memory_space<vmem_shared>>
      tpu.enqueue_dma source(%dma_start3A_53 : memref<624x128xf32, #tpu.memory_space<vmem_shared>>) target(%dma_start3A_51 : memref<624x128xf32, #tpu.memory_space<hbm>>) target_semaphore(%run_scoped3A_48 : memref<!tpu.dma_semaphore, #tpu.memory_space<semaphore_mem>>)
      %dma_wait3A_54 = arith.constant 0 : i32
      %dma_wait3A_55 = tpu.memref_slice %arg5[%arg0, %multiple_of3A, %dma_wait3A_54] : memref<2x10000x128xf32, #tpu.memory_space<hbm>> -> memref<1x624x128xf32, #tpu.memory_space<hbm>>
      %dma_wait3A_56 = tpu.memref_squeeze %dma_wait3A_55 : memref<1x624x128xf32, #tpu.memory_space<hbm>> -> memref<624x128xf32, #tpu.memory_space<hbm>>
      %dma_wait3A_57 = arith.constant 0 : i32
      %dma_wait3A_58 = tpu.memref_slice %arg10[%multiple_of3A, %dma_wait3A_57] : memref<10000x128xf32, #tpu.memory_space<vmem_shared>> -> memref<624x128xf32, #tpu.memory_space<vmem_shared>>
      tpu.wait_dma2 semaphore(%run_scoped3A_48 : memref<!tpu.dma_semaphore, #tpu.memory_space<semaphore_mem>>) src(%dma_wait3A_58 : memref<624x128xf32, #tpu.memory_space<vmem_shared>>) dst(%dma_wait3A_56 : memref<624x128xf32, #tpu.memory_space<hbm>>)
      tpu.yield
    }) : () -> ()
    %eq3A_43 = arith.constant 15 : i32
    %eq3A_44 = arith.cmpi eq, %arg1, %eq3A_43 : i32
    %convert_element_type3A_45 = arith.extui %eq3A_44 : i1 to i32
    %cond3A_46 = arith.constant 0 : i32
    %cond3A_47 = arith.cmpi ne, %convert_element_type3A_45, %cond3A_46 : i32
    scf.if %cond3A_47 {
      "tpu.region"() ({
        %run_scoped3A_48 = tpu.sem_alloc : memref<!tpu.dma_semaphore, #tpu.memory_space<semaphore_mem>>
        %dma_start3A_49 = arith.constant 9984 : i32
        %dma_start3A_50 = arith.constant 0 : i32
        %dma_start3A_51 = tpu.memref_slice %arg5[%arg0, %dma_start3A_49, %dma_start3A_50] : memref<2x10000x128xf32, #tpu.memory_space<hbm>> -> memref<1x16x128xf32, #tpu.memory_space<hbm>>
        %dma_start3A_52 = tpu.memref_squeeze %dma_start3A_51 : memref<1x16x128xf32, #tpu.memory_space<hbm>> -> memref<16x128xf32, #tpu.memory_space<hbm>>
        %dma_start3A_53 = arith.constant 9984 : i32
        %dma_start3A_54 = arith.constant 0 : i32
        %dma_start3A_55 = tpu.memref_slice %arg10[%dma_start3A_53, %dma_start3A_54] : memref<10000x128xf32, #tpu.memory_space<vmem_shared>> -> memref<16x128xf32, #tpu.memory_space<vmem_shared>>
        tpu.enqueue_dma source(%dma_start3A_55 : memref<16x128xf32, #tpu.memory_space<vmem_shared>>) target(%dma_start3A_52 : memref<16x128xf32, #tpu.memory_space<hbm>>) target_semaphore(%run_scoped3A_48 : memref<!tpu.dma_semaphore, #tpu.memory_space<semaphore_mem>>)
        %dma_wait3A_56 = arith.constant 9984 : i32
        %dma_wait3A_57 = arith.constant 0 : i32
        %dma_wait3A_58 = tpu.memref_slice %arg5[%arg0, %dma_wait3A_56, %dma_wait3A_57] : memref<2x10000x128xf32, #tpu.memory_space<hbm>> -> memref<1x16x128xf32, #tpu.memory_space<hbm>>
        %dma_wait3A_59 = tpu.memref_squeeze %dma_wait3A_58 : memref<1x16x128xf32, #tpu.memory_space<hbm>> -> memref<16x128xf32, #tpu.memory_space<hbm>>
        %dma_wait3A_60 = arith.constant 9984 : i32
        %dma_wait3A_61 = arith.constant 0 : i32
        %dma_wait3A_62 = tpu.memref_slice %arg10[%dma_wait3A_60, %dma_wait3A_61] : memref<10000x128xf32, #tpu.memory_space<vmem_shared>> -> memref<16x128xf32, #tpu.memory_space<vmem_shared>>
        tpu.wait_dma2 semaphore(%run_scoped3A_48 : memref<!tpu.dma_semaphore, #tpu.memory_space<semaphore_mem>>) src(%dma_wait3A_62 : memref<16x128xf32, #tpu.memory_space<vmem_shared>>) dst(%dma_wait3A_59 : memref<16x128xf32, #tpu.memory_space<hbm>>)
        tpu.yield
      }) : () -> ()
    } else {
    }
    return
  }
}

#map = affine_map<(d0, d1) -> (0, 0, 0)>
#map1 = affine_map<(d0, d1) -> (0, 0, 0, 0)>
#map2 = affine_map<(d0, d1) -> (0, 0)>
module attributes {stable_mosaic.version = 14 : i64} {
  func.func @_sc_spmm_body(%arg0: i32, %arg1: i32, %arg2: memref<2x32x10000xi32, #tpu.memory_space<hbm>>, %arg3: memref<2x32x125x80xi32, #tpu.memory_space<hbm>>, %arg4: memref<10000x128xf32, #tpu.memory_space<hbm>>, %arg5: memref<2x10000x128xf32, #tpu.memory_space<hbm>>, %arg6: memref<10000xi32, #tpu.memory_space<vmem>>, %arg7: memref<125x80xi32, #tpu.memory_space<vmem>>, %arg8: memref<80x128xf32, #tpu.memory_space<vmem>>, %arg9: memref<80x128xf32, #tpu.memory_space<vmem>>, %arg10: memref<10000x128xf32, #tpu.memory_space<vmem_shared>>, %arg11: memref<!tpu.dma_semaphore, #tpu.memory_space<semaphore_mem>>) attributes {dimension_semantics = [#tpu.dimension_semantics<core_parallel>, #tpu.dimension_semantics<subcore_parallel>], iteration_bounds = array<i64: 2, 16>, scalar_prefetch = 0 : i64, scratch_operands = 6 : i64, tpu.core_type = #tpu.core_type<sc_vector_subcore>, window_params = [{transform_indices = #map}, {transform_indices = #map1}, {transform_indices = #map2}, {transform_indices = #map}]} {
    %mul3A = arith.constant 16 : i32
    %mul3A_0 = arith.muli %arg0, %mul3A : i32
    %add3A = arith.addi %mul3A_0, %arg1 : i32
    %run_scoped3A = arith.constant 0 : i32
    "tpu.region"() ({
      %run_scoped3A_48 = tpu.sem_alloc : memref<!tpu.dma_semaphore, #tpu.memory_space<semaphore_mem>>
      %dma_start3A_49 = arith.constant 0 : i32
      %dma_start3A_50 = tpu.memref_slice %arg2[%run_scoped3A, %add3A, %dma_start3A_49] : memref<2x32x10000xi32, #tpu.memory_space<hbm>> -> memref<1x1x10000xi32, #tpu.memory_space<hbm>>
      %dma_start3A_51 = tpu.memref_squeeze %dma_start3A_50 : memref<1x1x10000xi32, #tpu.memory_space<hbm>> -> memref<10000xi32, #tpu.memory_space<hbm>>
      %dma_start3A_52 = arith.constant 0 : i32
      %dma_start3A_53 = tpu.memref_slice %arg2[%run_scoped3A, %add3A, %dma_start3A_52] : memref<2x32x10000xi32, #tpu.memory_space<hbm>> -> memref<1x1x10000xi32, #tpu.memory_space<hbm>>
      %dma_start3A_54 = tpu.memref_squeeze %dma_start3A_53 : memref<1x1x10000xi32, #tpu.memory_space<hbm>> -> memref<10000xi32, #tpu.memory_space<hbm>>
      tpu.enqueue_dma source(%dma_start3A_54 : memref<10000xi32, #tpu.memory_space<hbm>>) target(%arg6 : memref<10000xi32, #tpu.memory_space<vmem>>) target_semaphore(%run_scoped3A_48 : memref<!tpu.dma_semaphore, #tpu.memory_space<semaphore_mem>>)
      %dma_wait3A_55 = arith.constant 0 : i32
      %dma_wait3A_56 = tpu.memref_slice %arg2[%run_scoped3A, %add3A, %dma_wait3A_55] : memref<2x32x10000xi32, #tpu.memory_space<hbm>> -> memref<1x1x10000xi32, #tpu.memory_space<hbm>>
      %dma_wait3A_57 = tpu.memref_squeeze %dma_wait3A_56 : memref<1x1x10000xi32, #tpu.memory_space<hbm>> -> memref<10000xi32, #tpu.memory_space<hbm>>
      %dma_wait3A_58 = arith.constant 0 : i32
      %dma_wait3A_59 = tpu.memref_slice %arg2[%run_scoped3A, %add3A, %dma_wait3A_58] : memref<2x32x10000xi32, #tpu.memory_space<hbm>> -> memref<1x1x10000xi32, #tpu.memory_space<hbm>>
      %dma_wait3A_60 = tpu.memref_squeeze %dma_wait3A_59 : memref<1x1x10000xi32, #tpu.memory_space<hbm>> -> memref<10000xi32, #tpu.memory_space<hbm>>
      tpu.wait_dma2 semaphore(%run_scoped3A_48 : memref<!tpu.dma_semaphore, #tpu.memory_space<semaphore_mem>>) src(%dma_wait3A_60 : memref<10000xi32, #tpu.memory_space<hbm>>) dst(%arg6 : memref<10000xi32, #tpu.memory_space<vmem>>)
      tpu.yield
    }) : () -> ()
    %run_scoped3A_1 = arith.constant 1 : i32
    "tpu.region"() ({
      %run_scoped3A_48 = tpu.sem_alloc : memref<!tpu.dma_semaphore, #tpu.memory_space<semaphore_mem>>
      %dma_start3A_49 = arith.constant 0 : i32
      %dma_start3A_50 = arith.constant 0 : i32
      %dma_start3A_51 = tpu.memref_slice %arg3[%run_scoped3A_1, %add3A, %dma_start3A_49, %dma_start3A_50] : memref<2x32x125x80xi32, #tpu.memory_space<hbm>> -> memref<1x1x125x80xi32, #tpu.memory_space<hbm>>
      %dma_start3A_52 = tpu.memref_squeeze %dma_start3A_51 : memref<1x1x125x80xi32, #tpu.memory_space<hbm>> -> memref<125x80xi32, #tpu.memory_space<hbm>>
      %dma_start3A_53 = arith.constant 0 : i32
      %dma_start3A_54 = arith.constant 0 : i32
      %dma_start3A_55 = tpu.memref_slice %arg3[%run_scoped3A_1, %add3A, %dma_start3A_53, %dma_start3A_54] : memref<2x32x125x80xi32, #tpu.memory_space<hbm>> -> memref<1x1x125x80xi32, #tpu.memory_space<hbm>>
      %dma_start3A_56 = tpu.memref_squeeze %dma_start3A_55 : memref<1x1x125x80xi32, #tpu.memory_space<hbm>> -> memref<125x80xi32, #tpu.memory_space<hbm>>
      tpu.enqueue_dma source(%dma_start3A_56 : memref<125x80xi32, #tpu.memory_space<hbm>>) target(%arg7 : memref<125x80xi32, #tpu.memory_space<vmem>>) target_semaphore(%run_scoped3A_48 : memref<!tpu.dma_semaphore, #tpu.memory_space<semaphore_mem>>)
      %dma_wait3A_57 = arith.constant 0 : i32
      %dma_wait3A_58 = arith.constant 0 : i32
      %dma_wait3A_59 = tpu.memref_slice %arg3[%run_scoped3A_1, %add3A, %dma_wait3A_57, %dma_wait3A_58] : memref<2x32x125x80xi32, #tpu.memory_space<hbm>> -> memref<1x1x125x80xi32, #tpu.memory_space<hbm>>
      %dma_wait3A_60 = tpu.memref_squeeze %dma_wait3A_59 : memref<1x1x125x80xi32, #tpu.memory_space<hbm>> -> memref<125x80xi32, #tpu.memory_space<hbm>>
      %dma_wait3A_61 = arith.constant 0 : i32
      %dma_wait3A_62 = arith.constant 0 : i32
      %dma_wait3A_63 = tpu.memref_slice %arg3[%run_scoped3A_1, %add3A, %dma_wait3A_61, %dma_wait3A_62] : memref<2x32x125x80xi32, #tpu.memory_space<hbm>> -> memref<1x1x125x80xi32, #tpu.memory_space<hbm>>
      %dma_wait3A_64 = tpu.memref_squeeze %dma_wait3A_63 : memref<1x1x125x80xi32, #tpu.memory_space<hbm>> -> memref<125x80xi32, #tpu.memory_space<hbm>>
      tpu.wait_dma2 semaphore(%run_scoped3A_48 : memref<!tpu.dma_semaphore, #tpu.memory_space<semaphore_mem>>) src(%dma_wait3A_64 : memref<125x80xi32, #tpu.memory_space<hbm>>) dst(%arg7 : memref<125x80xi32, #tpu.memory_space<vmem>>)
      tpu.yield
    }) : () -> ()
    %scan3A = arith.constant 0 : i32
    %scan3A_2 = arith.constant 80 : i32
    %scan3A_3 = arith.addi %scan3A, %scan3A_2 : i32
    %scan3A_4 = arith.constant 1 : i32
    scf.for %scan3A_48 = %scan3A to %scan3A_3 step %scan3A_4  : i32 {
      %mul3A_49 = arith.constant 1 : i32
      %mul3A_50 = arith.muli %scan3A_48, %mul3A_49 : i32
      %add3A_51 = arith.constant 0 : i32
      %add3A_52 = arith.addi %add3A_51, %mul3A_50 : i32
      %broadcast_in_dim3A = arith.constant 0.000000e+00 : f32
      %broadcast_in_dim3A_53 = vector.broadcast %broadcast_in_dim3A : f32 to vector<16xf32>
      %swap3A = arith.index_cast %add3A_52 : i32 to index
      %swap3A_54 = arith.constant 0 : index
      %swap3A_55 = tpu.vector_load %arg8[%swap3A, %swap3A_54] {strides = array<i32>} : memref<80x128xf32, #tpu.memory_space<vmem>>, vector<1x16xf32>,
      %swap3A_56 = vector.shape_cast %swap3A_55 : vector<1x16xf32> to vector<16xf32>
      %swap3A_57 = vector.shape_cast %broadcast_in_dim3A_53 : vector<16xf32> to vector<1x16xf32>
      tpu.vector_store %arg8[%swap3A, %swap3A_54], %swap3A_57 {strides = array<i32>} : memref<80x128xf32, #tpu.memory_space<vmem>>, vector<1x16xf32>,
      %broadcast_in_dim3A_58 = arith.constant 0.000000e+00 : f32
      %broadcast_in_dim3A_59 = vector.broadcast %broadcast_in_dim3A_58 : f32 to vector<16xf32>
      %swap3A_60 = arith.index_cast %add3A_52 : i32 to index
      %swap3A_61 = arith.constant 16 : index
      %swap3A_62 = tpu.vector_load %arg8[%swap3A_60, %swap3A_61] {strides = array<i32>} : memref<80x128xf32, #tpu.memory_space<vmem>>, vector<1x16xf32>,
      %swap3A_63 = vector.shape_cast %swap3A_62 : vector<1x16xf32> to vector<16xf32>
      %swap3A_64 = vector.shape_cast %broadcast_in_dim3A_59 : vector<16xf32> to vector<1x16xf32>
      tpu.vector_store %arg8[%swap3A_60, %swap3A_61], %swap3A_64 {strides = array<i32>} : memref<80x128xf32, #tpu.memory_space<vmem>>, vector<1x16xf32>,
      %broadcast_in_dim3A_65 = arith.constant 0.000000e+00 : f32
      %broadcast_in_dim3A_66 = vector.broadcast %broadcast_in_dim3A_65 : f32 to vector<16xf32>
      %swap3A_67 = arith.index_cast %add3A_52 : i32 to index
      %swap3A_68 = arith.constant 32 : index
      %swap3A_69 = tpu.vector_load %arg8[%swap3A_67, %swap3A_68] {strides = array<i32>} : memref<80x128xf32, #tpu.memory_space<vmem>>, vector<1x16xf32>,
      %swap3A_70 = vector.shape_cast %swap3A_69 : vector<1x16xf32> to vector<16xf32>
      %swap3A_71 = vector.shape_cast %broadcast_in_dim3A_66 : vector<16xf32> to vector<1x16xf32>
      tpu.vector_store %arg8[%swap3A_67, %swap3A_68], %swap3A_71 {strides = array<i32>} : memref<80x128xf32, #tpu.memory_space<vmem>>, vector<1x16xf32>,
      %broadcast_in_dim3A_72 = arith.constant 0.000000e+00 : f32
      %broadcast_in_dim3A_73 = vector.broadcast %broadcast_in_dim3A_72 : f32 to vector<16xf32>
      %swap3A_74 = arith.index_cast %add3A_52 : i32 to index
      %swap3A_75 = arith.constant 48 : index
      %swap3A_76 = tpu.vector_load %arg8[%swap3A_74, %swap3A_75] {strides = array<i32>} : memref<80x128xf32, #tpu.memory_space<vmem>>, vector<1x16xf32>,
      %swap3A_77 = vector.shape_cast %swap3A_76 : vector<1x16xf32> to vector<16xf32>
      %swap3A_78 = vector.shape_cast %broadcast_in_dim3A_73 : vector<16xf32> to vector<1x16xf32>
      tpu.vector_store %arg8[%swap3A_74, %swap3A_75], %swap3A_78 {strides = array<i32>} : memref<80x128xf32, #tpu.memory_space<vmem>>, vector<1x16xf32>,
      %broadcast_in_dim3A_79 = arith.constant 0.000000e+00 : f32
      %broadcast_in_dim3A_80 = vector.broadcast %broadcast_in_dim3A_79 : f32 to vector<16xf32>
      %swap3A_81 = arith.index_cast %add3A_52 : i32 to index
      %swap3A_82 = arith.constant 64 : index
      %swap3A_83 = tpu.vector_load %arg8[%swap3A_81, %swap3A_82] {strides = array<i32>} : memref<80x128xf32, #tpu.memory_space<vmem>>, vector<1x16xf32>,
      %swap3A_84 = vector.shape_cast %swap3A_83 : vector<1x16xf32> to vector<16xf32>
      %swap3A_85 = vector.shape_cast %broadcast_in_dim3A_80 : vector<16xf32> to vector<1x16xf32>
      tpu.vector_store %arg8[%swap3A_81, %swap3A_82], %swap3A_85 {strides = array<i32>} : memref<80x128xf32, #tpu.memory_space<vmem>>, vector<1x16xf32>,
      %broadcast_in_dim3A_86 = arith.constant 0.000000e+00 : f32
      %broadcast_in_dim3A_87 = vector.broadcast %broadcast_in_dim3A_86 : f32 to vector<16xf32>
      %swap3A_88 = arith.index_cast %add3A_52 : i32 to index
      %swap3A_89 = arith.constant 80 : index
      %swap3A_90 = tpu.vector_load %arg8[%swap3A_88, %swap3A_89] {strides = array<i32>} : memref<80x128xf32, #tpu.memory_space<vmem>>, vector<1x16xf32>,
      %swap3A_91 = vector.shape_cast %swap3A_90 : vector<1x16xf32> to vector<16xf32>
      %swap3A_92 = vector.shape_cast %broadcast_in_dim3A_87 : vector<16xf32> to vector<1x16xf32>
      tpu.vector_store %arg8[%swap3A_88, %swap3A_89], %swap3A_92 {strides = array<i32>} : memref<80x128xf32, #tpu.memory_space<vmem>>, vector<1x16xf32>,
      %broadcast_in_dim3A_93 = arith.constant 0.000000e+00 : f32
      %broadcast_in_dim3A_94 = vector.broadcast %broadcast_in_dim3A_93 : f32 to vector<16xf32>
      %swap3A_95 = arith.index_cast %add3A_52 : i32 to index
      %swap3A_96 = arith.constant 96 : index
      %swap3A_97 = tpu.vector_load %arg8[%swap3A_95, %swap3A_96] {strides = array<i32>} : memref<80x128xf32, #tpu.memory_space<vmem>>, vector<1x16xf32>,
      %swap3A_98 = vector.shape_cast %swap3A_97 : vector<1x16xf32> to vector<16xf32>
      %swap3A_99 = vector.shape_cast %broadcast_in_dim3A_94 : vector<16xf32> to vector<1x16xf32>
      tpu.vector_store %arg8[%swap3A_95, %swap3A_96], %swap3A_99 {strides = array<i32>} : memref<80x128xf32, #tpu.memory_space<vmem>>, vector<1x16xf32>,
      %broadcast_in_dim3A_100 = arith.constant 0.000000e+00 : f32
      %broadcast_in_dim3A_101 = vector.broadcast %broadcast_in_dim3A_100 : f32 to vector<16xf32>
      %swap3A_102 = arith.index_cast %add3A_52 : i32 to index
      %swap3A_103 = arith.constant 112 : index
      %swap3A_104 = tpu.vector_load %arg8[%swap3A_102, %swap3A_103] {strides = array<i32>} : memref<80x128xf32, #tpu.memory_space<vmem>>, vector<1x16xf32>,
      %swap3A_105 = vector.shape_cast %swap3A_104 : vector<1x16xf32> to vector<16xf32>
      %swap3A_106 = vector.shape_cast %broadcast_in_dim3A_101 : vector<16xf32> to vector<1x16xf32>
      tpu.vector_store %arg8[%swap3A_102, %swap3A_103], %swap3A_106 {strides = array<i32>} : memref<80x128xf32, #tpu.memory_space<vmem>>, vector<1x16xf32>,
    }
    %scan3A_5 = arith.constant 80 : i32
    %mul3A_6 = arith.constant 624 : i32
    %mul3A_7 = arith.muli %arg1, %mul3A_6 : i32
    %multiple_of3A = tpu.assume_multiple %mul3A_7, 8 : i32
    %add3A_8 = arith.constant 0 : i32
    %add3A_9 = arith.addi %multiple_of3A, %add3A_8 : i32
    "tpu.region"() ({
      %run_scoped3A_48 = tpu.sem_alloc : memref<!tpu.dma_semaphore, #tpu.memory_space<semaphore_mem>>
      %dma_start3A_49 = arith.constant 0 : i32
      %dma_start3A_50 = tpu.memref_slice %arg10[%add3A_9, %dma_start3A_49] : memref<10000x128xf32, #tpu.memory_space<vmem_shared>> -> memref<80x128xf32, #tpu.memory_space<vmem_shared>>
      %dma_start3A_51 = arith.constant 0 : i32
      %dma_start3A_52 = tpu.memref_slice %arg10[%add3A_9, %dma_start3A_51] : memref<10000x128xf32, #tpu.memory_space<vmem_shared>> -> memref<80x128xf32, #tpu.memory_space<vmem_shared>>
      tpu.enqueue_dma source(%arg8 : memref<80x128xf32, #tpu.memory_space<vmem>>) target(%dma_start3A_52 : memref<80x128xf32, #tpu.memory_space<vmem_shared>>) target_semaphore(%run_scoped3A_48 : memref<!tpu.dma_semaphore, #tpu.memory_space<semaphore_mem>>)
      %dma_wait3A_53 = arith.constant 0 : i32
      %dma_wait3A_54 = tpu.memref_slice %arg10[%add3A_9, %dma_wait3A_53] : memref<10000x128xf32, #tpu.memory_space<vmem_shared>> -> memref<80x128xf32, #tpu.memory_space<vmem_shared>>
      %dma_wait3A_55 = arith.constant 0 : i32
      %dma_wait3A_56 = tpu.memref_slice %arg10[%add3A_9, %dma_wait3A_55] : memref<10000x128xf32, #tpu.memory_space<vmem_shared>> -> memref<80x128xf32, #tpu.memory_space<vmem_shared>>
      tpu.wait_dma2 semaphore(%run_scoped3A_48 : memref<!tpu.dma_semaphore, #tpu.memory_space<semaphore_mem>>) src(%arg8 : memref<80x128xf32, #tpu.memory_space<vmem>>) dst(%dma_wait3A_56 : memref<80x128xf32, #tpu.memory_space<vmem_shared>>)
      tpu.yield
    }) : () -> ()
    %add3A_10 = arith.constant 80 : i32
    %add3A_11 = arith.addi %multiple_of3A, %add3A_10 : i32
    "tpu.region"() ({
      %run_scoped3A_48 = tpu.sem_alloc : memref<!tpu.dma_semaphore, #tpu.memory_space<semaphore_mem>>
      %dma_start3A_49 = arith.constant 0 : i32
      %dma_start3A_50 = tpu.memref_slice %arg10[%add3A_11, %dma_start3A_49] : memref<10000x128xf32, #tpu.memory_space<vmem_shared>> -> memref<80x128xf32, #tpu.memory_space<vmem_shared>>
      %dma_start3A_51 = arith.constant 0 : i32
      %dma_start3A_52 = tpu.memref_slice %arg10[%add3A_11, %dma_start3A_51] : memref<10000x128xf32, #tpu.memory_space<vmem_shared>> -> memref<80x128xf32, #tpu.memory_space<vmem_shared>>
      tpu.enqueue_dma source(%arg8 : memref<80x128xf32, #tpu.memory_space<vmem>>) target(%dma_start3A_52 : memref<80x128xf32, #tpu.memory_space<vmem_shared>>) target_semaphore(%run_scoped3A_48 : memref<!tpu.dma_semaphore, #tpu.memory_space<semaphore_mem>>)
      %dma_wait3A_53 = arith.constant 0 : i32
      %dma_wait3A_54 = tpu.memref_slice %arg10[%add3A_11, %dma_wait3A_53] : memref<10000x128xf32, #tpu.memory_space<vmem_shared>> -> memref<80x128xf32, #tpu.memory_space<vmem_shared>>
      %dma_wait3A_55 = arith.constant 0 : i32
      %dma_wait3A_56 = tpu.memref_slice %arg10[%add3A_11, %dma_wait3A_55] : memref<10000x128xf32, #tpu.memory_space<vmem_shared>> -> memref<80x128xf32, #tpu.memory_space<vmem_shared>>
      tpu.wait_dma2 semaphore(%run_scoped3A_48 : memref<!tpu.dma_semaphore, #tpu.memory_space<semaphore_mem>>) src(%arg8 : memref<80x128xf32, #tpu.memory_space<vmem>>) dst(%dma_wait3A_56 : memref<80x128xf32, #tpu.memory_space<vmem_shared>>)
      tpu.yield
    }) : () -> ()
    %add3A_12 = arith.constant 160 : i32
    %add3A_13 = arith.addi %multiple_of3A, %add3A_12 : i32
    "tpu.region"() ({
      %run_scoped3A_48 = tpu.sem_alloc : memref<!tpu.dma_semaphore, #tpu.memory_space<semaphore_mem>>
      %dma_start3A_49 = arith.constant 0 : i32
      %dma_start3A_50 = tpu.memref_slice %arg10[%add3A_13, %dma_start3A_49] : memref<10000x128xf32, #tpu.memory_space<vmem_shared>> -> memref<80x128xf32, #tpu.memory_space<vmem_shared>>
      %dma_start3A_51 = arith.constant 0 : i32
      %dma_start3A_52 = tpu.memref_slice %arg10[%add3A_13, %dma_start3A_51] : memref<10000x128xf32, #tpu.memory_space<vmem_shared>> -> memref<80x128xf32, #tpu.memory_space<vmem_shared>>
      tpu.enqueue_dma source(%arg8 : memref<80x128xf32, #tpu.memory_space<vmem>>) target(%dma_start3A_52 : memref<80x128xf32, #tpu.memory_space<vmem_shared>>) target_semaphore(%run_scoped3A_48 : memref<!tpu.dma_semaphore, #tpu.memory_space<semaphore_mem>>)
      %dma_wait3A_53 = arith.constant 0 : i32
      %dma_wait3A_54 = tpu.memref_slice %arg10[%add3A_13, %dma_wait3A_53] : memref<10000x128xf32, #tpu.memory_space<vmem_shared>> -> memref<80x128xf32, #tpu.memory_space<vmem_shared>>
      %dma_wait3A_55 = arith.constant 0 : i32
      %dma_wait3A_56 = tpu.memref_slice %arg10[%add3A_13, %dma_wait3A_55] : memref<10000x128xf32, #tpu.memory_space<vmem_shared>> -> memref<80x128xf32, #tpu.memory_space<vmem_shared>>
      tpu.wait_dma2 semaphore(%run_scoped3A_48 : memref<!tpu.dma_semaphore, #tpu.memory_space<semaphore_mem>>) src(%arg8 : memref<80x128xf32, #tpu.memory_space<vmem>>) dst(%dma_wait3A_56 : memref<80x128xf32, #tpu.memory_space<vmem_shared>>)
      tpu.yield
    }) : () -> ()
    %add3A_14 = arith.constant 240 : i32
    %add3A_15 = arith.addi %multiple_of3A, %add3A_14 : i32
    "tpu.region"() ({
      %run_scoped3A_48 = tpu.sem_alloc : memref<!tpu.dma_semaphore, #tpu.memory_space<semaphore_mem>>
      %dma_start3A_49 = arith.constant 0 : i32
      %dma_start3A_50 = tpu.memref_slice %arg10[%add3A_15, %dma_start3A_49] : memref<10000x128xf32, #tpu.memory_space<vmem_shared>> -> memref<80x128xf32, #tpu.memory_space<vmem_shared>>
      %dma_start3A_51 = arith.constant 0 : i32
      %dma_start3A_52 = tpu.memref_slice %arg10[%add3A_15, %dma_start3A_51] : memref<10000x128xf32, #tpu.memory_space<vmem_shared>> -> memref<80x128xf32, #tpu.memory_space<vmem_shared>>
      tpu.enqueue_dma source(%arg8 : memref<80x128xf32, #tpu.memory_space<vmem>>) target(%dma_start3A_52 : memref<80x128xf32, #tpu.memory_space<vmem_shared>>) target_semaphore(%run_scoped3A_48 : memref<!tpu.dma_semaphore, #tpu.memory_space<semaphore_mem>>)
      %dma_wait3A_53 = arith.constant 0 : i32
      %dma_wait3A_54 = tpu.memref_slice %arg10[%add3A_15, %dma_wait3A_53] : memref<10000x128xf32, #tpu.memory_space<vmem_shared>> -> memref<80x128xf32, #tpu.memory_space<vmem_shared>>
      %dma_wait3A_55 = arith.constant 0 : i32
      %dma_wait3A_56 = tpu.memref_slice %arg10[%add3A_15, %dma_wait3A_55] : memref<10000x128xf32, #tpu.memory_space<vmem_shared>> -> memref<80x128xf32, #tpu.memory_space<vmem_shared>>
      tpu.wait_dma2 semaphore(%run_scoped3A_48 : memref<!tpu.dma_semaphore, #tpu.memory_space<semaphore_mem>>) src(%arg8 : memref<80x128xf32, #tpu.memory_space<vmem>>) dst(%dma_wait3A_56 : memref<80x128xf32, #tpu.memory_space<vmem_shared>>)
      tpu.yield
    }) : () -> ()
    %add3A_16 = arith.constant 320 : i32
    %add3A_17 = arith.addi %multiple_of3A, %add3A_16 : i32
    "tpu.region"() ({
      %run_scoped3A_48 = tpu.sem_alloc : memref<!tpu.dma_semaphore, #tpu.memory_space<semaphore_mem>>
      %dma_start3A_49 = arith.constant 0 : i32
      %dma_start3A_50 = tpu.memref_slice %arg10[%add3A_17, %dma_start3A_49] : memref<10000x128xf32, #tpu.memory_space<vmem_shared>> -> memref<80x128xf32, #tpu.memory_space<vmem_shared>>
      %dma_start3A_51 = arith.constant 0 : i32
      %dma_start3A_52 = tpu.memref_slice %arg10[%add3A_17, %dma_start3A_51] : memref<10000x128xf32, #tpu.memory_space<vmem_shared>> -> memref<80x128xf32, #tpu.memory_space<vmem_shared>>
      tpu.enqueue_dma source(%arg8 : memref<80x128xf32, #tpu.memory_space<vmem>>) target(%dma_start3A_52 : memref<80x128xf32, #tpu.memory_space<vmem_shared>>) target_semaphore(%run_scoped3A_48 : memref<!tpu.dma_semaphore, #tpu.memory_space<semaphore_mem>>)
      %dma_wait3A_53 = arith.constant 0 : i32
      %dma_wait3A_54 = tpu.memref_slice %arg10[%add3A_17, %dma_wait3A_53] : memref<10000x128xf32, #tpu.memory_space<vmem_shared>> -> memref<80x128xf32, #tpu.memory_space<vmem_shared>>
      %dma_wait3A_55 = arith.constant 0 : i32
      %dma_wait3A_56 = tpu.memref_slice %arg10[%add3A_17, %dma_wait3A_55] : memref<10000x128xf32, #tpu.memory_space<vmem_shared>> -> memref<80x128xf32, #tpu.memory_space<vmem_shared>>
      tpu.wait_dma2 semaphore(%run_scoped3A_48 : memref<!tpu.dma_semaphore, #tpu.memory_space<semaphore_mem>>) src(%arg8 : memref<80x128xf32, #tpu.memory_space<vmem>>) dst(%dma_wait3A_56 : memref<80x128xf32, #tpu.memory_space<vmem_shared>>)
      tpu.yield
    }) : () -> ()
    %add3A_18 = arith.constant 400 : i32
    %add3A_19 = arith.addi %multiple_of3A, %add3A_18 : i32
    "tpu.region"() ({
      %run_scoped3A_48 = tpu.sem_alloc : memref<!tpu.dma_semaphore, #tpu.memory_space<semaphore_mem>>
      %dma_start3A_49 = arith.constant 0 : i32
      %dma_start3A_50 = tpu.memref_slice %arg10[%add3A_19, %dma_start3A_49] : memref<10000x128xf32, #tpu.memory_space<vmem_shared>> -> memref<80x128xf32, #tpu.memory_space<vmem_shared>>
      %dma_start3A_51 = arith.constant 0 : i32
      %dma_start3A_52 = tpu.memref_slice %arg10[%add3A_19, %dma_start3A_51] : memref<10000x128xf32, #tpu.memory_space<vmem_shared>> -> memref<80x128xf32, #tpu.memory_space<vmem_shared>>
      tpu.enqueue_dma source(%arg8 : memref<80x128xf32, #tpu.memory_space<vmem>>) target(%dma_start3A_52 : memref<80x128xf32, #tpu.memory_space<vmem_shared>>) target_semaphore(%run_scoped3A_48 : memref<!tpu.dma_semaphore, #tpu.memory_space<semaphore_mem>>)
      %dma_wait3A_53 = arith.constant 0 : i32
      %dma_wait3A_54 = tpu.memref_slice %arg10[%add3A_19, %dma_wait3A_53] : memref<10000x128xf32, #tpu.memory_space<vmem_shared>> -> memref<80x128xf32, #tpu.memory_space<vmem_shared>>
      %dma_wait3A_55 = arith.constant 0 : i32
      %dma_wait3A_56 = tpu.memref_slice %arg10[%add3A_19, %dma_wait3A_55] : memref<10000x128xf32, #tpu.memory_space<vmem_shared>> -> memref<80x128xf32, #tpu.memory_space<vmem_shared>>
      tpu.wait_dma2 semaphore(%run_scoped3A_48 : memref<!tpu.dma_semaphore, #tpu.memory_space<semaphore_mem>>) src(%arg8 : memref<80x128xf32, #tpu.memory_space<vmem>>) dst(%dma_wait3A_56 : memref<80x128xf32, #tpu.memory_space<vmem_shared>>)
      tpu.yield
    }) : () -> ()
    %add3A_20 = arith.constant 480 : i32
    %add3A_21 = arith.addi %multiple_of3A, %add3A_20 : i32
    "tpu.region"() ({
      %run_scoped3A_48 = tpu.sem_alloc : memref<!tpu.dma_semaphore, #tpu.memory_space<semaphore_mem>>
      %dma_start3A_49 = arith.constant 0 : i32
      %dma_start3A_50 = tpu.memref_slice %arg10[%add3A_21, %dma_start3A_49] : memref<10000x128xf32, #tpu.memory_space<vmem_shared>> -> memref<80x128xf32, #tpu.memory_space<vmem_shared>>
      %dma_start3A_51 = arith.constant 0 : i32
      %dma_start3A_52 = tpu.memref_slice %arg10[%add3A_21, %dma_start3A_51] : memref<10000x128xf32, #tpu.memory_space<vmem_shared>> -> memref<80x128xf32, #tpu.memory_space<vmem_shared>>
      tpu.enqueue_dma source(%arg8 : memref<80x128xf32, #tpu.memory_space<vmem>>) target(%dma_start3A_52 : memref<80x128xf32, #tpu.memory_space<vmem_shared>>) target_semaphore(%run_scoped3A_48 : memref<!tpu.dma_semaphore, #tpu.memory_space<semaphore_mem>>)
      %dma_wait3A_53 = arith.constant 0 : i32
      %dma_wait3A_54 = tpu.memref_slice %arg10[%add3A_21, %dma_wait3A_53] : memref<10000x128xf32, #tpu.memory_space<vmem_shared>> -> memref<80x128xf32, #tpu.memory_space<vmem_shared>>
      %dma_wait3A_55 = arith.constant 0 : i32
      %dma_wait3A_56 = tpu.memref_slice %arg10[%add3A_21, %dma_wait3A_55] : memref<10000x128xf32, #tpu.memory_space<vmem_shared>> -> memref<80x128xf32, #tpu.memory_space<vmem_shared>>
      tpu.wait_dma2 semaphore(%run_scoped3A_48 : memref<!tpu.dma_semaphore, #tpu.memory_space<semaphore_mem>>) src(%arg8 : memref<80x128xf32, #tpu.memory_space<vmem>>) dst(%dma_wait3A_56 : memref<80x128xf32, #tpu.memory_space<vmem_shared>>)
      tpu.yield
    }) : () -> ()
    %add3A_22 = arith.constant 560 : i32
    %add3A_23 = arith.addi %multiple_of3A, %add3A_22 : i32
    "tpu.region"() ({
      %run_scoped3A_48 = tpu.sem_alloc : memref<!tpu.dma_semaphore, #tpu.memory_space<semaphore_mem>>
      %dma_start3A_49 = arith.constant 0 : i32
      %dma_start3A_50 = arith.constant 0 : i32
      %dma_start3A_51 = tpu.memref_slice %arg8[%dma_start3A_49, %dma_start3A_50] : memref<80x128xf32, #tpu.memory_space<vmem>> -> memref<64x128xf32, #tpu.memory_space<vmem>>
      %dma_start3A_52 = arith.constant 0 : i32
      %dma_start3A_53 = tpu.memref_slice %arg10[%add3A_23, %dma_start3A_52] : memref<10000x128xf32, #tpu.memory_space<vmem_shared>> -> memref<64x128xf32, #tpu.memory_space<vmem_shared>>
      %dma_start3A_54 = arith.constant 0 : i32
      %dma_start3A_55 = tpu.memref_slice %arg10[%add3A_23, %dma_start3A_54] : memref<10000x128xf32, #tpu.memory_space<vmem_shared>> -> memref<64x128xf32, #tpu.memory_space<vmem_shared>>
      %dma_start3A_56 = arith.constant 0 : i32
      %dma_start3A_57 = arith.constant 0 : i32
      %dma_start3A_58 = tpu.memref_slice %arg8[%dma_start3A_56, %dma_start3A_57] : memref<80x128xf32, #tpu.memory_space<vmem>> -> memref<64x128xf32, #tpu.memory_space<vmem>>
      tpu.enqueue_dma source(%dma_start3A_58 : memref<64x128xf32, #tpu.memory_space<vmem>>) target(%dma_start3A_55 : memref<64x128xf32, #tpu.memory_space<vmem_shared>>) target_semaphore(%run_scoped3A_48 : memref<!tpu.dma_semaphore, #tpu.memory_space<semaphore_mem>>)
      %dma_wait3A_59 = arith.constant 0 : i32
      %dma_wait3A_60 = arith.constant 0 : i32
      %dma_wait3A_61 = tpu.memref_slice %arg8[%dma_wait3A_59, %dma_wait3A_60] : memref<80x128xf32, #tpu.memory_space<vmem>> -> memref<64x128xf32, #tpu.memory_space<vmem>>
      %dma_wait3A_62 = arith.constant 0 : i32
      %dma_wait3A_63 = tpu.memref_slice %arg10[%add3A_23, %dma_wait3A_62] : memref<10000x128xf32, #tpu.memory_space<vmem_shared>> -> memref<64x128xf32, #tpu.memory_space<vmem_shared>>
      %dma_wait3A_64 = arith.constant 0 : i32
      %dma_wait3A_65 = tpu.memref_slice %arg10[%add3A_23, %dma_wait3A_64] : memref<10000x128xf32, #tpu.memory_space<vmem_shared>> -> memref<64x128xf32, #tpu.memory_space<vmem_shared>>
      %dma_wait3A_66 = arith.constant 0 : i32
      %dma_wait3A_67 = arith.constant 0 : i32
      %dma_wait3A_68 = tpu.memref_slice %arg8[%dma_wait3A_66, %dma_wait3A_67] : memref<80x128xf32, #tpu.memory_space<vmem>> -> memref<64x128xf32, #tpu.memory_space<vmem>>
      tpu.wait_dma2 semaphore(%run_scoped3A_48 : memref<!tpu.dma_semaphore, #tpu.memory_space<semaphore_mem>>) src(%dma_wait3A_68 : memref<64x128xf32, #tpu.memory_space<vmem>>) dst(%dma_wait3A_65 : memref<64x128xf32, #tpu.memory_space<vmem_shared>>)
      tpu.yield
    }) : () -> ()
    %eq3A = arith.constant 15 : i32
    %eq3A_24 = arith.cmpi eq, %arg1, %eq3A : i32
    %convert_element_type3A = arith.extui %eq3A_24 : i1 to i32
    %cond3A = arith.constant 0 : i32
    %cond3A_25 = arith.cmpi ne, %convert_element_type3A, %cond3A : i32
    scf.if %cond3A_25 {
      "tpu.region"() ({
        %run_scoped3A_48 = tpu.sem_alloc : memref<!tpu.dma_semaphore, #tpu.memory_space<semaphore_mem>>
        %dma_start3A_49 = arith.constant 0 : i32
        %dma_start3A_50 = arith.constant 0 : i32
        %dma_start3A_51 = tpu.memref_slice %arg8[%dma_start3A_49, %dma_start3A_50] : memref<80x128xf32, #tpu.memory_space<vmem>> -> memref<16x128xf32, #tpu.memory_space<vmem>>
        %dma_start3A_52 = arith.constant 9984 : i32
        %dma_start3A_53 = arith.constant 0 : i32
        %dma_start3A_54 = tpu.memref_slice %arg10[%dma_start3A_52, %dma_start3A_53] : memref<10000x128xf32, #tpu.memory_space<vmem_shared>> -> memref<16x128xf32, #tpu.memory_space<vmem_shared>>
        %dma_start3A_55 = arith.constant 9984 : i32
        %dma_start3A_56 = arith.constant 0 : i32
        %dma_start3A_57 = tpu.memref_slice %arg10[%dma_start3A_55, %dma_start3A_56] : memref<10000x128xf32, #tpu.memory_space<vmem_shared>> -> memref<16x128xf32, #tpu.memory_space<vmem_shared>>
        %dma_start3A_58 = arith.constant 0 : i32
        %dma_start3A_59 = arith.constant 0 : i32
        %dma_start3A_60 = tpu.memref_slice %arg8[%dma_start3A_58, %dma_start3A_59] : memref<80x128xf32, #tpu.memory_space<vmem>> -> memref<16x128xf32, #tpu.memory_space<vmem>>
        tpu.enqueue_dma source(%dma_start3A_60 : memref<16x128xf32, #tpu.memory_space<vmem>>) target(%dma_start3A_57 : memref<16x128xf32, #tpu.memory_space<vmem_shared>>) target_semaphore(%run_scoped3A_48 : memref<!tpu.dma_semaphore, #tpu.memory_space<semaphore_mem>>)
        %dma_wait3A_61 = arith.constant 0 : i32
        %dma_wait3A_62 = arith.constant 0 : i32
        %dma_wait3A_63 = tpu.memref_slice %arg8[%dma_wait3A_61, %dma_wait3A_62] : memref<80x128xf32, #tpu.memory_space<vmem>> -> memref<16x128xf32, #tpu.memory_space<vmem>>
        %dma_wait3A_64 = arith.constant 9984 : i32
        %dma_wait3A_65 = arith.constant 0 : i32
        %dma_wait3A_66 = tpu.memref_slice %arg10[%dma_wait3A_64, %dma_wait3A_65] : memref<10000x128xf32, #tpu.memory_space<vmem_shared>> -> memref<16x128xf32, #tpu.memory_space<vmem_shared>>
        %dma_wait3A_67 = arith.constant 9984 : i32
        %dma_wait3A_68 = arith.constant 0 : i32
        %dma_wait3A_69 = tpu.memref_slice %arg10[%dma_wait3A_67, %dma_wait3A_68] : memref<10000x128xf32, #tpu.memory_space<vmem_shared>> -> memref<16x128xf32, #tpu.memory_space<vmem_shared>>
        %dma_wait3A_70 = arith.constant 0 : i32
        %dma_wait3A_71 = arith.constant 0 : i32
        %dma_wait3A_72 = tpu.memref_slice %arg8[%dma_wait3A_70, %dma_wait3A_71] : memref<80x128xf32, #tpu.memory_space<vmem>> -> memref<16x128xf32, #tpu.memory_space<vmem>>
        tpu.wait_dma2 semaphore(%run_scoped3A_48 : memref<!tpu.dma_semaphore, #tpu.memory_space<semaphore_mem>>) src(%dma_wait3A_72 : memref<16x128xf32, #tpu.memory_space<vmem>>) dst(%dma_wait3A_69 : memref<16x128xf32, #tpu.memory_space<vmem_shared>>)
        tpu.yield
      }) : () -> ()
    } else {
    }
    %barrier3A = arith.constant 0 : index
    tpu.barrier barrier_id(%barrier3A)
    %multiple_of3A_26 = arith.constant 0 : i32
    %multiple_of3A_27 = tpu.assume_multiple %multiple_of3A_26, 8 : i32
    %dma_start3A = tpu.memref_slice %arg6[%multiple_of3A_27] : memref<10000xi32, #tpu.memory_space<vmem>> -> memref<80xi32, #tpu.memory_space<vmem>>
    %dma_start3A_28 = arith.constant 0 : i32
    %dma_start3A_29 = arith.constant 0 : i32
    %dma_start3A_30 = tpu.memref_slice %arg4[%dma_start3A_28, %dma_start3A_29] : memref<10000x128xf32, #tpu.memory_space<hbm>> -> memref<10000x128xf32, #tpu.memory_space<hbm>>
    tpu.enqueue_indirect_dma source(%dma_start3A_30 : memref<10000x128xf32, #tpu.memory_space<hbm>>) target(%arg8 : memref<80x128xf32, #tpu.memory_space<vmem>>) offsets(%dma_start3A : memref<80xi32, #tpu.memory_space<vmem>>) semaphore(%arg11 : memref<!tpu.dma_semaphore, #tpu.memory_space<semaphore_mem>>)
    %scan3A_31 = arith.constant 0 : i32
    %scan3A_32 = arith.constant 62 : i32
    %scan3A_33 = arith.addi %scan3A_31, %scan3A_32 : i32
    %scan3A_34 = arith.constant 1 : i32
    scf.for %scan3A_48 = %scan3A_31 to %scan3A_33 step %scan3A_34  : i32 {
      %mul3A_49 = arith.constant 1 : i32
      %mul3A_50 = arith.muli %scan3A_48, %mul3A_49 : i32
      %add3A_51 = arith.constant 0 : i32
      %add3A_52 = arith.addi %add3A_51, %mul3A_50 : i32
      %mul3A_53 = arith.constant 2 : i32
      %mul3A_54 = arith.muli %mul3A_53, %add3A_52 : i32
      %multiple_of3A_55 = arith.constant 0 : i32
      %multiple_of3A_56 = tpu.assume_multiple %multiple_of3A_55, 8 : i32
      %dma_wait3A_57 = tpu.memref_slice %arg6[%multiple_of3A_56] : memref<10000xi32, #tpu.memory_space<vmem>> -> memref<80xi32, #tpu.memory_space<vmem>>
      %dma_wait3A_58 = arith.constant 0 : i32
      %dma_wait3A_59 = arith.constant 0 : i32
      %dma_wait3A_60 = tpu.memref_slice %arg4[%dma_wait3A_58, %dma_wait3A_59] : memref<10000x128xf32, #tpu.memory_space<hbm>> -> memref<10000x128xf32, #tpu.memory_space<hbm>>
      tpu.wait_indirect_dma semaphore(%arg11 : memref<!tpu.dma_semaphore, #tpu.memory_space<semaphore_mem>>) src(%dma_wait3A_60 : memref<10000x128xf32, #tpu.memory_space<hbm>>) dst(%arg8 : memref<80x128xf32, #tpu.memory_space<vmem>>)
      %add3A_61 = arith.constant 1 : i32
      %add3A_62 = arith.addi %mul3A_54, %add3A_61 : i32
      %mul3A_63 = arith.constant 80 : i32
      %mul3A_64 = arith.muli %add3A_62, %mul3A_63 : i32
      %multiple_of3A_65 = tpu.assume_multiple %mul3A_64, 8 : i32
      %dma_start3A_66 = tpu.memref_slice %arg6[%multiple_of3A_65] : memref<10000xi32, #tpu.memory_space<vmem>> -> memref<80xi32, #tpu.memory_space<vmem>>
      %dma_start3A_67 = arith.constant 0 : i32
      %dma_start3A_68 = arith.constant 0 : i32
      %dma_start3A_69 = tpu.memref_slice %arg4[%dma_start3A_67, %dma_start3A_68] : memref<10000x128xf32, #tpu.memory_space<hbm>> -> memref<10000x128xf32, #tpu.memory_space<hbm>>
      tpu.enqueue_indirect_dma source(%dma_start3A_69 : memref<10000x128xf32, #tpu.memory_space<hbm>>) target(%arg9 : memref<80x128xf32, #tpu.memory_space<vmem>>) offsets(%dma_start3A_66 : memref<80xi32, #tpu.memory_space<vmem>>) semaphore(%arg11 : memref<!tpu.dma_semaphore, #tpu.memory_space<semaphore_mem>>)
      "tpu.region"() ({
        %run_scoped3A_87 = tpu.sem_alloc : memref<!tpu.dma_semaphore, #tpu.memory_space<semaphore_mem>>
        %dma_start3A_88 = arith.constant 0 : i32
        %dma_start3A_89 = tpu.memref_slice %arg7[%mul3A_54, %dma_start3A_88] : memref<125x80xi32, #tpu.memory_space<vmem>> -> memref<1x80xi32, #tpu.memory_space<vmem>>
        %dma_start3A_90 = tpu.memref_squeeze %dma_start3A_89 : memref<1x80xi32, #tpu.memory_space<vmem>> -> memref<80xi32, #tpu.memory_space<vmem>>
        %dma_start3A_91 = arith.constant 0 : i32
        %dma_start3A_92 = arith.constant 0 : i32
        %dma_start3A_93 = tpu.memref_slice %arg10[%dma_start3A_91, %dma_start3A_92] : memref<10000x128xf32, #tpu.memory_space<vmem_shared>> -> memref<10000x128xf32, #tpu.memory_space<vmem_shared>>
        tpu.enqueue_indirect_dma source(%arg8 : memref<80x128xf32, #tpu.memory_space<vmem>>) target(%dma_start3A_93 : memref<10000x128xf32, #tpu.memory_space<vmem_shared>>) offsets(%dma_start3A_90 : memref<80xi32, #tpu.memory_space<vmem>>) semaphore(%run_scoped3A_87 : memref<!tpu.dma_semaphore, #tpu.memory_space<semaphore_mem>>) {add = true}
        %dma_wait3A_94 = arith.constant 0 : i32
        %dma_wait3A_95 = tpu.memref_slice %arg7[%mul3A_54, %dma_wait3A_94] : memref<125x80xi32, #tpu.memory_space<vmem>> -> memref<1x80xi32, #tpu.memory_space<vmem>>
        %dma_wait3A_96 = tpu.memref_squeeze %dma_wait3A_95 : memref<1x80xi32, #tpu.memory_space<vmem>> -> memref<80xi32, #tpu.memory_space<vmem>>
        %dma_wait3A_97 = arith.constant 0 : i32
        %dma_wait3A_98 = arith.constant 0 : i32
        %dma_wait3A_99 = tpu.memref_slice %arg10[%dma_wait3A_97, %dma_wait3A_98] : memref<10000x128xf32, #tpu.memory_space<vmem_shared>> -> memref<10000x128xf32, #tpu.memory_space<vmem_shared>>
        tpu.wait_indirect_dma semaphore(%run_scoped3A_87 : memref<!tpu.dma_semaphore, #tpu.memory_space<semaphore_mem>>) src(%arg8 : memref<80x128xf32, #tpu.memory_space<vmem>>) dst(%dma_wait3A_99 : memref<10000x128xf32, #tpu.memory_space<vmem_shared>>)
        tpu.yield
      }) : () -> ()
      %add3A_70 = arith.constant 2 : i32
      %add3A_71 = arith.addi %mul3A_54, %add3A_70 : i32
      %mul3A_72 = arith.constant 80 : i32
      %mul3A_73 = arith.muli %add3A_71, %mul3A_72 : i32
      %multiple_of3A_74 = tpu.assume_multiple %mul3A_73, 8 : i32
      %dma_start3A_75 = tpu.memref_slice %arg6[%multiple_of3A_74] : memref<10000xi32, #tpu.memory_space<vmem>> -> memref<80xi32, #tpu.memory_space<vmem>>
      %dma_start3A_76 = arith.constant 0 : i32
      %dma_start3A_77 = arith.constant 0 : i32
      %dma_start3A_78 = tpu.memref_slice %arg4[%dma_start3A_76, %dma_start3A_77] : memref<10000x128xf32, #tpu.memory_space<hbm>> -> memref<10000x128xf32, #tpu.memory_space<hbm>>
      tpu.enqueue_indirect_dma source(%dma_start3A_78 : memref<10000x128xf32, #tpu.memory_space<hbm>>) target(%arg8 : memref<80x128xf32, #tpu.memory_space<vmem>>) offsets(%dma_start3A_75 : memref<80xi32, #tpu.memory_space<vmem>>) semaphore(%arg11 : memref<!tpu.dma_semaphore, #tpu.memory_space<semaphore_mem>>)
      %multiple_of3A_79 = arith.constant 0 : i32
      %multiple_of3A_80 = tpu.assume_multiple %multiple_of3A_79, 8 : i32
      %dma_wait3A_81 = tpu.memref_slice %arg6[%multiple_of3A_80] : memref<10000xi32, #tpu.memory_space<vmem>> -> memref<80xi32, #tpu.memory_space<vmem>>
      %dma_wait3A_82 = arith.constant 0 : i32
      %dma_wait3A_83 = arith.constant 0 : i32
      %dma_wait3A_84 = tpu.memref_slice %arg4[%dma_wait3A_82, %dma_wait3A_83] : memref<10000x128xf32, #tpu.memory_space<hbm>> -> memref<10000x128xf32, #tpu.memory_space<hbm>>
      tpu.wait_indirect_dma semaphore(%arg11 : memref<!tpu.dma_semaphore, #tpu.memory_space<semaphore_mem>>) src(%dma_wait3A_84 : memref<10000x128xf32, #tpu.memory_space<hbm>>) dst(%arg9 : memref<80x128xf32, #tpu.memory_space<vmem>>)
      %add3A_85 = arith.constant 1 : i32
      %add3A_86 = arith.addi %mul3A_54, %add3A_85 : i32
      "tpu.region"() ({
        %run_scoped3A_87 = tpu.sem_alloc : memref<!tpu.dma_semaphore, #tpu.memory_space<semaphore_mem>>
        %dma_start3A_88 = arith.constant 0 : i32
        %dma_start3A_89 = tpu.memref_slice %arg7[%add3A_86, %dma_start3A_88] : memref<125x80xi32, #tpu.memory_space<vmem>> -> memref<1x80xi32, #tpu.memory_space<vmem>>
        %dma_start3A_90 = tpu.memref_squeeze %dma_start3A_89 : memref<1x80xi32, #tpu.memory_space<vmem>> -> memref<80xi32, #tpu.memory_space<vmem>>
        %dma_start3A_91 = arith.constant 0 : i32
        %dma_start3A_92 = arith.constant 0 : i32
        %dma_start3A_93 = tpu.memref_slice %arg10[%dma_start3A_91, %dma_start3A_92] : memref<10000x128xf32, #tpu.memory_space<vmem_shared>> -> memref<10000x128xf32, #tpu.memory_space<vmem_shared>>
        tpu.enqueue_indirect_dma source(%arg9 : memref<80x128xf32, #tpu.memory_space<vmem>>) target(%dma_start3A_93 : memref<10000x128xf32, #tpu.memory_space<vmem_shared>>) offsets(%dma_start3A_90 : memref<80xi32, #tpu.memory_space<vmem>>) semaphore(%run_scoped3A_87 : memref<!tpu.dma_semaphore, #tpu.memory_space<semaphore_mem>>) {add = true}
        %dma_wait3A_94 = arith.constant 0 : i32
        %dma_wait3A_95 = tpu.memref_slice %arg7[%add3A_86, %dma_wait3A_94] : memref<125x80xi32, #tpu.memory_space<vmem>> -> memref<1x80xi32, #tpu.memory_space<vmem>>
        %dma_wait3A_96 = tpu.memref_squeeze %dma_wait3A_95 : memref<1x80xi32, #tpu.memory_space<vmem>> -> memref<80xi32, #tpu.memory_space<vmem>>
        %dma_wait3A_97 = arith.constant 0 : i32
        %dma_wait3A_98 = arith.constant 0 : i32
        %dma_wait3A_99 = tpu.memref_slice %arg10[%dma_wait3A_97, %dma_wait3A_98] : memref<10000x128xf32, #tpu.memory_space<vmem_shared>> -> memref<10000x128xf32, #tpu.memory_space<vmem_shared>>
        tpu.wait_indirect_dma semaphore(%run_scoped3A_87 : memref<!tpu.dma_semaphore, #tpu.memory_space<semaphore_mem>>) src(%arg9 : memref<80x128xf32, #tpu.memory_space<vmem>>) dst(%dma_wait3A_99 : memref<10000x128xf32, #tpu.memory_space<vmem_shared>>)
        tpu.yield
      }) : () -> ()
    }
    %scan3A_35 = arith.constant 62 : i32
    %multiple_of3A_36 = arith.constant 0 : i32
    %multiple_of3A_37 = tpu.assume_multiple %multiple_of3A_36, 8 : i32
    %dma_wait3A = tpu.memref_slice %arg6[%multiple_of3A_37] : memref<10000xi32, #tpu.memory_space<vmem>> -> memref<80xi32, #tpu.memory_space<vmem>>
    %dma_wait3A_38 = arith.constant 0 : i32
    %dma_wait3A_39 = arith.constant 0 : i32
    %dma_wait3A_40 = tpu.memref_slice %arg4[%dma_wait3A_38, %dma_wait3A_39] : memref<10000x128xf32, #tpu.memory_space<hbm>> -> memref<10000x128xf32, #tpu.memory_space<hbm>>
    tpu.wait_indirect_dma semaphore(%arg11 : memref<!tpu.dma_semaphore, #tpu.memory_space<semaphore_mem>>) src(%dma_wait3A_40 : memref<10000x128xf32, #tpu.memory_space<hbm>>) dst(%arg8 : memref<80x128xf32, #tpu.memory_space<vmem>>)
    %run_scoped3A_41 = arith.constant 124 : i32
    "tpu.region"() ({
      %run_scoped3A_48 = tpu.sem_alloc : memref<!tpu.dma_semaphore, #tpu.memory_space<semaphore_mem>>
      %dma_start3A_49 = arith.constant 0 : i32
      %dma_start3A_50 = tpu.memref_slice %arg7[%run_scoped3A_41, %dma_start3A_49] : memref<125x80xi32, #tpu.memory_space<vmem>> -> memref<1x80xi32, #tpu.memory_space<vmem>>
      %dma_start3A_51 = tpu.memref_squeeze %dma_start3A_50 : memref<1x80xi32, #tpu.memory_space<vmem>> -> memref<80xi32, #tpu.memory_space<vmem>>
      %dma_start3A_52 = arith.constant 0 : i32
      %dma_start3A_53 = arith.constant 0 : i32
      %dma_start3A_54 = tpu.memref_slice %arg10[%dma_start3A_52, %dma_start3A_53] : memref<10000x128xf32, #tpu.memory_space<vmem_shared>> -> memref<10000x128xf32, #tpu.memory_space<vmem_shared>>
      tpu.enqueue_indirect_dma source(%arg8 : memref<80x128xf32, #tpu.memory_space<vmem>>) target(%dma_start3A_54 : memref<10000x128xf32, #tpu.memory_space<vmem_shared>>) offsets(%dma_start3A_51 : memref<80xi32, #tpu.memory_space<vmem>>) semaphore(%run_scoped3A_48 : memref<!tpu.dma_semaphore, #tpu.memory_space<semaphore_mem>>) {add = true}
      %dma_wait3A_55 = arith.constant 0 : i32
      %dma_wait3A_56 = tpu.memref_slice %arg7[%run_scoped3A_41, %dma_wait3A_55] : memref<125x80xi32, #tpu.memory_space<vmem>> -> memref<1x80xi32, #tpu.memory_space<vmem>>
      %dma_wait3A_57 = tpu.memref_squeeze %dma_wait3A_56 : memref<1x80xi32, #tpu.memory_space<vmem>> -> memref<80xi32, #tpu.memory_space<vmem>>
      %dma_wait3A_58 = arith.constant 0 : i32
      %dma_wait3A_59 = arith.constant 0 : i32
      %dma_wait3A_60 = tpu.memref_slice %arg10[%dma_wait3A_58, %dma_wait3A_59] : memref<10000x128xf32, #tpu.memory_space<vmem_shared>> -> memref<10000x128xf32, #tpu.memory_space<vmem_shared>>
      tpu.wait_indirect_dma semaphore(%run_scoped3A_48 : memref<!tpu.dma_semaphore, #tpu.memory_space<semaphore_mem>>) src(%arg8 : memref<80x128xf32, #tpu.memory_space<vmem>>) dst(%dma_wait3A_60 : memref<10000x128xf32, #tpu.memory_space<vmem_shared>>)
      tpu.yield
    }) : () -> ()
    %barrier3A_42 = arith.constant 0 : index
    tpu.barrier barrier_id(%barrier3A_42)
    "tpu.region"() ({
      %run_scoped3A_48 = tpu.sem_alloc : memref<!tpu.dma_semaphore, #tpu.memory_space<semaphore_mem>>
      %dma_start3A_49 = arith.constant 0 : i32
      %dma_start3A_50 = tpu.memref_slice %arg5[%arg0, %multiple_of3A, %dma_start3A_49] : memref<2x10000x128xf32, #tpu.memory_space<hbm>> -> memref<1x624x128xf32, #tpu.memory_space<hbm>>
      %dma_start3A_51 = tpu.memref_squeeze %dma_start3A_50 : memref<1x624x128xf32, #tpu.memory_space<hbm>> -> memref<624x128xf32, #tpu.memory_space<hbm>>
      %dma_start3A_52 = arith.constant 0 : i32
      %dma_start3A_53 = tpu.memref_slice %arg10[%multiple_of3A, %dma_start3A_52] : memref<10000x128xf32, #tpu.memory_space<vmem_shared>> -> memref<624x128xf32, #tpu.memory_space<vmem_shared>>
      tpu.enqueue_dma source(%dma_start3A_53 : memref<624x128xf32, #tpu.memory_space<vmem_shared>>) target(%dma_start3A_51 : memref<624x128xf32, #tpu.memory_space<hbm>>) target_semaphore(%run_scoped3A_48 : memref<!tpu.dma_semaphore, #tpu.memory_space<semaphore_mem>>)
      %dma_wait3A_54 = arith.constant 0 : i32
      %dma_wait3A_55 = tpu.memref_slice %arg5[%arg0, %multiple_of3A, %dma_wait3A_54] : memref<2x10000x128xf32, #tpu.memory_space<hbm>> -> memref<1x624x128xf32, #tpu.memory_space<hbm>>
      %dma_wait3A_56 = tpu.memref_squeeze %dma_wait3A_55 : memref<1x624x128xf32, #tpu.memory_space<hbm>> -> memref<624x128xf32, #tpu.memory_space<hbm>>
      %dma_wait3A_57 = arith.constant 0 : i32
      %dma_wait3A_58 = tpu.memref_slice %arg10[%multiple_of3A, %dma_wait3A_57] : memref<10000x128xf32, #tpu.memory_space<vmem_shared>> -> memref<624x128xf32, #tpu.memory_space<vmem_shared>>
      tpu.wait_dma2 semaphore(%run_scoped3A_48 : memref<!tpu.dma_semaphore, #tpu.memory_space<semaphore_mem>>) src(%dma_wait3A_58 : memref<624x128xf32, #tpu.memory_space<vmem_shared>>) dst(%dma_wait3A_56 : memref<624x128xf32, #tpu.memory_space<hbm>>)
      tpu.yield
    }) : () -> ()
    %eq3A_43 = arith.constant 15 : i32
    %eq3A_44 = arith.cmpi eq, %arg1, %eq3A_43 : i32
    %convert_element_type3A_45 = arith.extui %eq3A_44 : i1 to i32
    %cond3A_46 = arith.constant 0 : i32
    %cond3A_47 = arith.cmpi ne, %convert_element_type3A_45, %cond3A_46 : i32
    scf.if %cond3A_47 {
      "tpu.region"() ({
        %run_scoped3A_48 = tpu.sem_alloc : memref<!tpu.dma_semaphore, #tpu.memory_space<semaphore_mem>>
        %dma_start3A_49 = arith.constant 9984 : i32
        %dma_start3A_50 = arith.constant 0 : i32
        %dma_start3A_51 = tpu.memref_slice %arg5[%arg0, %dma_start3A_49, %dma_start3A_50] : memref<2x10000x128xf32, #tpu.memory_space<hbm>> -> memref<1x16x128xf32, #tpu.memory_space<hbm>>
        %dma_start3A_52 = tpu.memref_squeeze %dma_start3A_51 : memref<1x16x128xf32, #tpu.memory_space<hbm>> -> memref<16x128xf32, #tpu.memory_space<hbm>>
        %dma_start3A_53 = arith.constant 9984 : i32
        %dma_start3A_54 = arith.constant 0 : i32
        %dma_start3A_55 = tpu.memref_slice %arg10[%dma_start3A_53, %dma_start3A_54] : memref<10000x128xf32, #tpu.memory_space<vmem_shared>> -> memref<16x128xf32, #tpu.memory_space<vmem_shared>>
        tpu.enqueue_dma source(%dma_start3A_55 : memref<16x128xf32, #tpu.memory_space<vmem_shared>>) target(%dma_start3A_52 : memref<16x128xf32, #tpu.memory_space<hbm>>) target_semaphore(%run_scoped3A_48 : memref<!tpu.dma_semaphore, #tpu.memory_space<semaphore_mem>>)
        %dma_wait3A_56 = arith.constant 9984 : i32
        %dma_wait3A_57 = arith.constant 0 : i32
        %dma_wait3A_58 = tpu.memref_slice %arg5[%arg0, %dma_wait3A_56, %dma_wait3A_57] : memref<2x10000x128xf32, #tpu.memory_space<hbm>> -> memref<1x16x128xf32, #tpu.memory_space<hbm>>
        %dma_wait3A_59 = tpu.memref_squeeze %dma_wait3A_58 : memref<1x16x128xf32, #tpu.memory_space<hbm>> -> memref<16x128xf32, #tpu.memory_space<hbm>>
        %dma_wait3A_60 = arith.constant 9984 : i32
        %dma_wait3A_61 = arith.constant 0 : i32
        %dma_wait3A_62 = tpu.memref_slice %arg10[%dma_wait3A_60, %dma_wait3A_61] : memref<10000x128xf32, #tpu.memory_space<vmem_shared>> -> memref<16x128xf32, #tpu.memory_space<vmem_shared>>
        tpu.wait_dma2 semaphore(%run_scoped3A_48 : memref<!tpu.dma_semaphore, #tpu.memory_space<semaphore_mem>>) src(%dma_wait3A_62 : memref<16x128xf32, #tpu.memory_space<vmem_shared>>) dst(%dma_wait3A_59 : memref<16x128xf32, #tpu.memory_space<hbm>>)
        tpu.yield
      }) : () -> ()
    } else {
    }
    return
  }
}

module attributes {stable_mosaic.version = 14 : i64} {
  func.func @_enc_body(%arg0: memref<10000x128xf32, #tpu.memory_space<vmem>>, %arg1: memref<128x128xf32, #tpu.memory_space<vmem>>, %arg2: memref<1x128xf32, #tpu.memory_space<vmem>>, %arg3: memref<10000x128xf32, #tpu.memory_space<vmem>>) attributes {dimension_semantics = [], scalar_prefetch = 0 : i64, scratch_operands = 0 : i64, tpu.core_type = #tpu.core_type<tc>} {
    %get3A = arith.constant 0 : index
    %get3A_0 = arith.constant 0 : index
    %get3A_1 = vector.load %arg0[%get3A, %get3A_0] : memref<10000x128xf32, #tpu.memory_space<vmem>>, vector<10000x128xf32>
    %get3A_2 = arith.constant 0 : index
    %get3A_3 = arith.constant 0 : index
    %get3A_4 = vector.load %arg1[%get3A_2, %get3A_3] : memref<128x128xf32, #tpu.memory_space<vmem>>, vector<128x128xf32>
    %dot_general3A = arith.constant dense<0.000000e+00> : vector<10000x128xf32>
    %dot_general3A_5 = tpu.matmul %get3A_1, %get3A_4, %dot_general3A {dimension_numbers = #tpu.dot_dimension_numbers<[1], [0], [0], [1], [0, 0, 1, 1], [], []>, transpose_lhs_hint = false} : vector<10000x128xf32>, vector<128x128xf32>, vector<10000x128xf32> -> vector<10000x128xf32>
    %get3A_6 = arith.constant 0 : index
    %get3A_7 = arith.constant 0 : index
    %get3A_8 = vector.load %arg2[%get3A_6, %get3A_7] : memref<1x128xf32, #tpu.memory_space<vmem>>, vector<1x128xf32>
    %add3A = vector.broadcast %get3A_8 : vector<1x128xf32> to vector<10000x128xf32>
    %add3A_9 = arith.addf %dot_general3A_5, %add3A : vector<10000x128xf32>
    %swap3A = arith.constant 0 : index
    %swap3A_10 = arith.constant 0 : index
    %swap3A_11 = vector.load %arg3[%swap3A, %swap3A_10] : memref<10000x128xf32, #tpu.memory_space<vmem>>, vector<10000x128xf32>
    tpu.vector_store %arg3[%swap3A, %swap3A_10], %add3A_9 {strides = array<i32>} : memref<10000x128xf32, #tpu.memory_space<vmem>>, vector<10000x128xf32>,
    return
  }
}

module attributes {stable_mosaic.version = 14 : i64} {
  func.func @_layer_body(%arg0: memref<10000x128xf32, #tpu.memory_space<vmem>>, %arg1: memref<2x10000x128xf32, #tpu.memory_space<vmem>>, %arg2: memref<2x10000x128xf32, #tpu.memory_space<vmem>>, %arg3: memref<16x128xf32, #tpu.memory_space<vmem>>, %arg4: memref<1x128xf32, #tpu.memory_space<vmem>>, %arg5: memref<128x128xf32, #tpu.memory_space<vmem>>, %arg6: memref<128x128xf32, #tpu.memory_space<vmem>>, %arg7: memref<1x128xf32, #tpu.memory_space<vmem>>, %arg8: memref<1x128xf32, #tpu.memory_space<vmem>>, %arg9: memref<1x128xf32, #tpu.memory_space<vmem>>, %arg10: memref<10000x128xf32, #tpu.memory_space<vmem>>) attributes {dimension_semantics = [], scalar_prefetch = 0 : i64, scratch_operands = 0 : i64, tpu.core_type = #tpu.core_type<tc>} {
    %get3A = arith.constant 0 : index
    %get3A_0 = arith.constant 0 : index
    %get3A_1 = arith.constant 0 : index
    %get3A_2 = vector.load %arg2[%get3A, %get3A_0, %get3A_1] : memref<2x10000x128xf32, #tpu.memory_space<vmem>>, vector<1x10000x128xf32>
    %get3A_3 = vector.shape_cast %get3A_2 : vector<1x10000x128xf32> to vector<10000x128xf32>
    %get3A_4 = arith.constant 1 : index
    %get3A_5 = arith.constant 0 : index
    %get3A_6 = arith.constant 0 : index
    %get3A_7 = vector.load %arg2[%get3A_4, %get3A_5, %get3A_6] : memref<2x10000x128xf32, #tpu.memory_space<vmem>>, vector<1x10000x128xf32>
    %get3A_8 = vector.shape_cast %get3A_7 : vector<1x10000x128xf32> to vector<10000x128xf32>
    %add3A = arith.addf %get3A_3, %get3A_8 : vector<10000x128xf32>
    %slice3A = vector.extract_strided_slice %add3A {offsets = [0, 0], sizes = [10000, 16], strides = [1, 1]} : vector<10000x128xf32> to vector<10000x16xf32>
    %slice3A_9 = vector.extract_strided_slice %add3A {offsets = [0, 16], sizes = [10000, 1], strides = [1, 1]} : vector<10000x128xf32> to vector<10000x1xf32>
    %get3A_10 = arith.constant 0 : index
    %get3A_11 = arith.constant 0 : index
    %get3A_12 = arith.constant 0 : index
    %get3A_13 = vector.load %arg1[%get3A_10, %get3A_11, %get3A_12] : memref<2x10000x128xf32, #tpu.memory_space<vmem>>, vector<1x10000x128xf32>
    %get3A_14 = vector.shape_cast %get3A_13 : vector<1x10000x128xf32> to vector<10000x128xf32>
    %get3A_15 = arith.constant 1 : index
    %get3A_16 = arith.constant 0 : index
    %get3A_17 = arith.constant 0 : index
    %get3A_18 = vector.load %arg1[%get3A_15, %get3A_16, %get3A_17] : memref<2x10000x128xf32, #tpu.memory_space<vmem>>, vector<1x10000x128xf32>
    %get3A_19 = vector.shape_cast %get3A_18 : vector<1x10000x128xf32> to vector<10000x128xf32>
    %add3A_20 = arith.addf %get3A_14, %get3A_19 : vector<10000x128xf32>
    %get3A_21 = arith.constant 0 : index
    %get3A_22 = arith.constant 0 : index
    %get3A_23 = vector.load %arg3[%get3A_21, %get3A_22] : memref<16x128xf32, #tpu.memory_space<vmem>>, vector<16x128xf32>
    %dot_general3A = arith.constant dense<0.000000e+00> : vector<10000x128xf32>
    %dot_general3A_24 = tpu.matmul %slice3A, %get3A_23, %dot_general3A {dimension_numbers = #tpu.dot_dimension_numbers<[1], [0], [0], [1], [0, 0, 1, 1], [], []>, transpose_lhs_hint = false} : vector<10000x16xf32>, vector<16x128xf32>, vector<10000x128xf32> -> vector<10000x128xf32>
    %add3A_25 = arith.addf %add3A_20, %dot_general3A_24 : vector<10000x128xf32>
    %get3A_26 = arith.constant 0 : index
    %get3A_27 = arith.constant 0 : index
    %get3A_28 = vector.load %arg4[%get3A_26, %get3A_27] : memref<1x128xf32, #tpu.memory_space<vmem>>, vector<1x128xf32>
    %mul3A = vector.broadcast %slice3A_9 : vector<10000x1xf32> to vector<10000x128xf32>
    %mul3A_29 = vector.broadcast %get3A_28 : vector<1x128xf32> to vector<10000x128xf32>
    %mul3A_30 = arith.mulf %mul3A, %mul3A_29 : vector<10000x128xf32>
    %add3A_31 = arith.addf %add3A_25, %mul3A_30 : vector<10000x128xf32>
    %get3A_32 = arith.constant 0 : index
    %get3A_33 = arith.constant 0 : index
    %get3A_34 = vector.load %arg0[%get3A_32, %get3A_33] : memref<10000x128xf32, #tpu.memory_space<vmem>>, vector<10000x128xf32>
    %get3A_35 = arith.constant 0 : index
    %get3A_36 = arith.constant 0 : index
    %get3A_37 = vector.load %arg5[%get3A_35, %get3A_36] : memref<128x128xf32, #tpu.memory_space<vmem>>, vector<128x128xf32>
    %dot_general3A_38 = arith.constant dense<0.000000e+00> : vector<10000x128xf32>
    %dot_general3A_39 = tpu.matmul %get3A_34, %get3A_37, %dot_general3A_38 {dimension_numbers = #tpu.dot_dimension_numbers<[1], [0], [0], [1], [0, 0, 1, 1], [], []>, transpose_lhs_hint = false} : vector<10000x128xf32>, vector<128x128xf32>, vector<10000x128xf32> -> vector<10000x128xf32>
    %get3A_40 = arith.constant 0 : index
    %get3A_41 = arith.constant 0 : index
    %get3A_42 = vector.load %arg6[%get3A_40, %get3A_41] : memref<128x128xf32, #tpu.memory_space<vmem>>, vector<128x128xf32>
    %dot_general3A_43 = arith.constant dense<0.000000e+00> : vector<10000x128xf32>
    %dot_general3A_44 = tpu.matmul %add3A_31, %get3A_42, %dot_general3A_43 {dimension_numbers = #tpu.dot_dimension_numbers<[1], [0], [0], [1], [0, 0, 1, 1], [], []>, transpose_lhs_hint = false} : vector<10000x128xf32>, vector<128x128xf32>, vector<10000x128xf32> -> vector<10000x128xf32>
    %add3A_45 = arith.addf %dot_general3A_39, %dot_general3A_44 : vector<10000x128xf32>
    %get3A_46 = arith.constant 0 : index
    %get3A_47 = arith.constant 0 : index
    %get3A_48 = vector.load %arg7[%get3A_46, %get3A_47] : memref<1x128xf32, #tpu.memory_space<vmem>>, vector<1x128xf32>
    %add3A_49 = vector.broadcast %get3A_48 : vector<1x128xf32> to vector<10000x128xf32>
    %add3A_50 = arith.addf %add3A_45, %add3A_49 : vector<10000x128xf32>
    %reduce_sum3A = arith.constant dense<0.000000e+00> : vector<128xf32>
    %reduce_sum3A_51 = vector.multi_reduction <add>, %add3A_50, %reduce_sum3A [0] : vector<10000x128xf32> to vector<128xf32>
    %broadcast_in_dim3A = vector.shape_cast %reduce_sum3A_51 : vector<128xf32> to vector<1x128xf32>
    %div3A = arith.constant 1.000000e+04 : f32
    %div3A_52 = vector.broadcast %div3A : f32 to vector<1x128xf32>
    %div3A_53 = arith.divf %broadcast_in_dim3A, %div3A_52 : vector<1x128xf32>
    %sub3A = vector.broadcast %div3A_53 : vector<1x128xf32> to vector<10000x128xf32>
    %sub3A_54 = arith.subf %add3A_50, %sub3A : vector<10000x128xf32>
    %mul3A_55 = arith.mulf %sub3A_54, %sub3A_54 : vector<10000x128xf32>
    %reduce_sum3A_56 = arith.constant dense<0.000000e+00> : vector<128xf32>
    %reduce_sum3A_57 = vector.multi_reduction <add>, %mul3A_55, %reduce_sum3A_56 [0] : vector<10000x128xf32> to vector<128xf32>
    %broadcast_in_dim3A_58 = vector.shape_cast %reduce_sum3A_57 : vector<128xf32> to vector<1x128xf32>
    %div3A_59 = arith.constant 1.000000e+04 : f32
    %div3A_60 = vector.broadcast %div3A_59 : f32 to vector<1x128xf32>
    %div3A_61 = arith.divf %broadcast_in_dim3A_58, %div3A_60 : vector<1x128xf32>
    %add3A_62 = arith.constant 9.99999974E-6 : f32
    %add3A_63 = vector.broadcast %add3A_62 : f32 to vector<1x128xf32>
    %add3A_64 = arith.addf %div3A_61, %add3A_63 : vector<1x128xf32>
    %rsqrt3A = math.rsqrt %add3A_64 : vector<1x128xf32>
    %mul3A_65 = vector.broadcast %rsqrt3A : vector<1x128xf32> to vector<10000x128xf32>
    %mul3A_66 = arith.mulf %sub3A_54, %mul3A_65 : vector<10000x128xf32>
    %get3A_67 = arith.constant 0 : index
    %get3A_68 = arith.constant 0 : index
    %get3A_69 = vector.load %arg8[%get3A_67, %get3A_68] : memref<1x128xf32, #tpu.memory_space<vmem>>, vector<1x128xf32>
    %mul3A_70 = vector.broadcast %get3A_69 : vector<1x128xf32> to vector<10000x128xf32>
    %mul3A_71 = arith.mulf %mul3A_66, %mul3A_70 : vector<10000x128xf32>
    %get3A_72 = arith.constant 0 : index
    %get3A_73 = arith.constant 0 : index
    %get3A_74 = vector.load %arg9[%get3A_72, %get3A_73] : memref<1x128xf32, #tpu.memory_space<vmem>>, vector<1x128xf32>
    %add3A_75 = vector.broadcast %get3A_74 : vector<1x128xf32> to vector<10000x128xf32>
    %add3A_76 = arith.addf %mul3A_71, %add3A_75 : vector<10000x128xf32>
    %max3A = arith.constant 0.000000e+00 : f32
    %max3A_77 = vector.broadcast %max3A : f32 to vector<10000x128xf32>
    %max3A_78 = arith.maximumf %add3A_76, %max3A_77 : vector<10000x128xf32>
    %swap3A = arith.constant 0 : index
    %swap3A_79 = arith.constant 0 : index
    %swap3A_80 = vector.load %arg10[%swap3A, %swap3A_79] : memref<10000x128xf32, #tpu.memory_space<vmem>>, vector<10000x128xf32>
    tpu.vector_store %arg10[%swap3A, %swap3A_79], %max3A_78 {strides = array<i32>} : memref<10000x128xf32, #tpu.memory_space<vmem>>, vector<10000x128xf32>,
    return
  }
}

module attributes {stable_mosaic.version = 14 : i64} {
  func.func @_pool_body(%arg0: memref<10000x128xf32, #tpu.memory_space<vmem>>, %arg1: memref<10000x1xi32, #tpu.memory_space<vmem>>, %arg2: memref<10000x1xi32, #tpu.memory_space<vmem>>, %arg3: memref<64x1xi32, #tpu.memory_space<vmem>>, %arg4: memref<512x1xi32, #tpu.memory_space<vmem>>, %arg5: memref<128x256xf32, #tpu.memory_space<vmem>>, %arg6: memref<1x256xf32, #tpu.memory_space<vmem>>, %arg7: memref<256x1xf32, #tpu.memory_space<vmem>>, %arg8: memref<1x1xf32, #tpu.memory_space<vmem>>, %arg9: memref<64x1xf32, #tpu.memory_space<vmem>>) attributes {dimension_semantics = [], scalar_prefetch = 0 : i64, scratch_operands = 0 : i64, tpu.core_type = #tpu.core_type<tc>} {
    %iota3A = tpu.iota {dimensions = array<i32: 0>} : vector<64x64xi32>
    %iota3A_0 = tpu.iota {dimensions = array<i32: 1>} : vector<64x64xi32>
    %lt3A = arith.cmpi slt, %iota3A_0, %iota3A : vector<64x64xi32>
    %convert_element_type3A = arith.extui %lt3A : vector<64x64xi1> to vector<64x64xi32>
    %convert_element_type3A_1 = arith.sitofp %convert_element_type3A : vector<64x64xi32> to vector<64x64xf32>
    %get3A = arith.constant 0 : index
    %get3A_2 = arith.constant 0 : index
    %get3A_3 = vector.load %arg3[%get3A, %get3A_2] : memref<64x1xi32, #tpu.memory_space<vmem>>, vector<64x1xi32>
    %convert_element_type3A_4 = arith.sitofp %get3A_3 : vector<64x1xi32> to vector<64x1xf32>
    %dot_general3A = arith.constant dense<0.000000e+00> : vector<64x1xf32>
    %dot_general3A_5 = tpu.matmul %convert_element_type3A_1, %convert_element_type3A_4, %dot_general3A {dimension_numbers = #tpu.dot_dimension_numbers<[1], [0], [0], [1], [0, 0, 1, 1], [], []>, transpose_lhs_hint = false} : vector<64x64xf32>, vector<64x1xf32>, vector<64x1xf32> -> vector<64x1xf32>
    %get3A_6 = arith.constant 0 : index
    %get3A_7 = arith.constant 0 : index
    %get3A_8 = vector.load %arg1[%get3A_6, %get3A_7] : memref<10000x1xi32, #tpu.memory_space<vmem>>, vector<10000x1xi32>
    %iota3A_9 = tpu.iota {dimensions = array<i32: 1>} : vector<10000x64xi32>
    %eq3A = vector.broadcast %get3A_8 : vector<10000x1xi32> to vector<10000x64xi32>
    %eq3A_10 = arith.cmpi eq, %eq3A, %iota3A_9 : vector<10000x64xi32>
    %convert_element_type3A_11 = arith.extui %eq3A_10 : vector<10000x64xi1> to vector<10000x64xi32>
    %convert_element_type3A_12 = arith.sitofp %convert_element_type3A_11 : vector<10000x64xi32> to vector<10000x64xf32>
    %dot_general3A_13 = arith.constant dense<0.000000e+00> : vector<10000x1xf32>
    %dot_general3A_14 = tpu.matmul %convert_element_type3A_12, %dot_general3A_5, %dot_general3A_13 {dimension_numbers = #tpu.dot_dimension_numbers<[1], [0], [0], [1], [0, 0, 1, 1], [], []>, transpose_lhs_hint = false} : vector<10000x64xf32>, vector<64x1xf32>, vector<10000x1xf32> -> vector<10000x1xf32>
    %get3A_15 = arith.constant 0 : index
    %get3A_16 = arith.constant 0 : index
    %get3A_17 = vector.load %arg2[%get3A_15, %get3A_16] : memref<10000x1xi32, #tpu.memory_space<vmem>>, vector<10000x1xi32>
    %convert_element_type3A_18 = arith.sitofp %get3A_17 : vector<10000x1xi32> to vector<10000x1xf32>
    %add3A = arith.addf %convert_element_type3A_18, %dot_general3A_14 : vector<10000x1xf32>
    %iota3A_19 = tpu.iota {dimensions = array<i32: 1>} : vector<10000x512xi32>
    %convert_element_type3A_20 = arith.sitofp %iota3A_19 : vector<10000x512xi32> to vector<10000x512xf32>
    %eq3A_21 = vector.broadcast %add3A : vector<10000x1xf32> to vector<10000x512xf32>
    %eq3A_22 = arith.cmpf oeq, %eq3A_21, %convert_element_type3A_20 : vector<10000x512xf32>
    %convert_element_type3A_23 = arith.extui %eq3A_22 : vector<10000x512xi1> to vector<10000x512xi32>
    %convert_element_type3A_24 = arith.sitofp %convert_element_type3A_23 : vector<10000x512xi32> to vector<10000x512xf32>
    %get3A_25 = arith.constant 0 : index
    %get3A_26 = arith.constant 0 : index
    %get3A_27 = vector.load %arg0[%get3A_25, %get3A_26] : memref<10000x128xf32, #tpu.memory_space<vmem>>, vector<10000x128xf32>
    %dot_general3A_28 = arith.constant dense<0.000000e+00> : vector<512x128xf32>
    %dot_general3A_29 = tpu.matmul %convert_element_type3A_24, %get3A_27, %dot_general3A_28 {dimension_numbers = #tpu.dot_dimension_numbers<[0], [0], [1], [1], [0, 1, 1, 1], [], []>, transpose_lhs_hint = false} : vector<10000x512xf32>, vector<10000x128xf32>, vector<512x128xf32> -> vector<512x128xf32>
    %broadcast_in_dim3A = arith.constant 0.000000e+00 : f32
    %broadcast_in_dim3A_30 = vector.broadcast %broadcast_in_dim3A : f32 to vector<10000x1xf32>
    %add3A_31 = arith.constant 1.000000e+00 : f32
    %add3A_32 = vector.broadcast %add3A_31 : f32 to vector<10000x1xf32>
    %add3A_33 = arith.addf %broadcast_in_dim3A_30, %add3A_32 : vector<10000x1xf32>
    %dot_general3A_34 = arith.constant dense<0.000000e+00> : vector<512x1xf32>
    %dot_general3A_35 = tpu.matmul %convert_element_type3A_24, %add3A_33, %dot_general3A_34 {dimension_numbers = #tpu.dot_dimension_numbers<[0], [0], [1], [1], [0, 1, 1, 1], [], []>, transpose_lhs_hint = false} : vector<10000x512xf32>, vector<10000x1xf32>, vector<512x1xf32> -> vector<512x1xf32>
    %max3A = arith.constant 1.000000e+00 : f32
    %max3A_36 = vector.broadcast %max3A : f32 to vector<512x1xf32>
    %max3A_37 = arith.maximumf %dot_general3A_35, %max3A_36 : vector<512x1xf32>
    %div3A = vector.broadcast %max3A_37 : vector<512x1xf32> to vector<512x128xf32>
    %div3A_38 = arith.divf %dot_general3A_29, %div3A : vector<512x128xf32>
    %get3A_39 = arith.constant 0 : index
    %get3A_40 = arith.constant 0 : index
    %get3A_41 = vector.load %arg4[%get3A_39, %get3A_40] : memref<512x1xi32, #tpu.memory_space<vmem>>, vector<512x1xi32>
    %iota3A_42 = tpu.iota {dimensions = array<i32: 1>} : vector<512x64xi32>
    %eq3A_43 = vector.broadcast %get3A_41 : vector<512x1xi32> to vector<512x64xi32>
    %eq3A_44 = arith.cmpi eq, %eq3A_43, %iota3A_42 : vector<512x64xi32>
    %convert_element_type3A_45 = arith.extui %eq3A_44 : vector<512x64xi1> to vector<512x64xi32>
    %convert_element_type3A_46 = arith.sitofp %convert_element_type3A_45 : vector<512x64xi32> to vector<512x64xf32>
    %dot_general3A_47 = arith.constant dense<0.000000e+00> : vector<64x128xf32>
    %dot_general3A_48 = tpu.matmul %convert_element_type3A_46, %div3A_38, %dot_general3A_47 {dimension_numbers = #tpu.dot_dimension_numbers<[0], [0], [1], [1], [0, 1, 1, 1], [], []>, transpose_lhs_hint = false} : vector<512x64xf32>, vector<512x128xf32>, vector<64x128xf32> -> vector<64x128xf32>
    %broadcast_in_dim3A_49 = arith.constant 0.000000e+00 : f32
    %broadcast_in_dim3A_50 = vector.broadcast %broadcast_in_dim3A_49 : f32 to vector<512x1xf32>
    %add3A_51 = arith.constant 1.000000e+00 : f32
    %add3A_52 = vector.broadcast %add3A_51 : f32 to vector<512x1xf32>
    %add3A_53 = arith.addf %broadcast_in_dim3A_50, %add3A_52 : vector<512x1xf32>
    %dot_general3A_54 = arith.constant dense<0.000000e+00> : vector<64x1xf32>
    %dot_general3A_55 = tpu.matmul %convert_element_type3A_46, %add3A_53, %dot_general3A_54 {dimension_numbers = #tpu.dot_dimension_numbers<[0], [0], [1], [1], [0, 1, 1, 1], [], []>, transpose_lhs_hint = false} : vector<512x64xf32>, vector<512x1xf32>, vector<64x1xf32> -> vector<64x1xf32>
    %max3A_56 = arith.constant 1.000000e+00 : f32
    %max3A_57 = vector.broadcast %max3A_56 : f32 to vector<64x1xf32>
    %max3A_58 = arith.maximumf %dot_general3A_55, %max3A_57 : vector<64x1xf32>
    %div3A_59 = vector.broadcast %max3A_58 : vector<64x1xf32> to vector<64x128xf32>
    %div3A_60 = arith.divf %dot_general3A_48, %div3A_59 : vector<64x128xf32>
    %get3A_61 = arith.constant 0 : index
    %get3A_62 = arith.constant 0 : index
    %get3A_63 = vector.load %arg5[%get3A_61, %get3A_62] : memref<128x256xf32, #tpu.memory_space<vmem>>, vector<128x256xf32>
    %dot_general3A_64 = arith.constant dense<0.000000e+00> : vector<64x256xf32>
    %dot_general3A_65 = tpu.matmul %div3A_60, %get3A_63, %dot_general3A_64 {dimension_numbers = #tpu.dot_dimension_numbers<[1], [0], [0], [1], [0, 0, 1, 1], [], []>, transpose_lhs_hint = false} : vector<64x128xf32>, vector<128x256xf32>, vector<64x256xf32> -> vector<64x256xf32>
    %get3A_66 = arith.constant 0 : index
    %get3A_67 = arith.constant 0 : index
    %get3A_68 = vector.load %arg6[%get3A_66, %get3A_67] : memref<1x256xf32, #tpu.memory_space<vmem>>, vector<1x256xf32>
    %add3A_69 = vector.broadcast %get3A_68 : vector<1x256xf32> to vector<64x256xf32>
    %add3A_70 = arith.addf %dot_general3A_65, %add3A_69 : vector<64x256xf32>
    %max3A_71 = arith.constant 0.000000e+00 : f32
    %max3A_72 = vector.broadcast %max3A_71 : f32 to vector<64x256xf32>
    %max3A_73 = arith.maximumf %add3A_70, %max3A_72 : vector<64x256xf32>
    %get3A_74 = arith.constant 0 : index
    %get3A_75 = arith.constant 0 : index
    %get3A_76 = vector.load %arg7[%get3A_74, %get3A_75] : memref<256x1xf32, #tpu.memory_space<vmem>>, vector<256x1xf32>
    %dot_general3A_77 = arith.constant dense<0.000000e+00> : vector<64x1xf32>
    %dot_general3A_78 = tpu.matmul %max3A_73, %get3A_76, %dot_general3A_77 {dimension_numbers = #tpu.dot_dimension_numbers<[1], [0], [0], [1], [0, 0, 1, 1], [], []>, transpose_lhs_hint = false} : vector<64x256xf32>, vector<256x1xf32>, vector<64x1xf32> -> vector<64x1xf32>
    %get3A_79 = arith.constant 0 : index
    %get3A_80 = arith.constant 0 : index
    %get3A_81 = vector.load %arg8[%get3A_79, %get3A_80] : memref<1x1xf32, #tpu.memory_space<vmem>>, vector<1x1xf32>
    %add3A_82 = vector.broadcast %get3A_81 : vector<1x1xf32> to vector<64x1xf32>
    %add3A_83 = arith.addf %dot_general3A_78, %add3A_82 : vector<64x1xf32>
    %swap3A = arith.constant 0 : index
    %swap3A_84 = arith.constant 0 : index
    %swap3A_85 = vector.load %arg9[%swap3A, %swap3A_84] : memref<64x1xf32, #tpu.memory_space<vmem>>, vector<64x1xf32>
    tpu.vector_store %arg9[%swap3A, %swap3A_84], %add3A_83 {strides = array<i32>} : memref<64x1xf32, #tpu.memory_space<vmem>>, vector<64x1xf32>,
    return
  }
}

</mosaic_0001>

<sc_bundles>
// kernel: kernel.11.cloned.1.call-start
scs
__scs_entry_jumppad:
0x0: {  	(pc) =	sbr.rel $0x88, $3  }
0x1: {  	(tag) =	ssettag $0x0;
	lr =	simm.s32 $0x1  }
0x2: {  	[smem:$0x3F8D] =	sst lr;
	_ =	strace $0xD0000000  }
0x3: {  	_ = 	snop  }
0x4: {  	_ = 	snop  }
0x5: {  	_ = 	snop  }
0x6: {  	_ = 	snop  }
0x7: {  	_ = 	snop  }
__scs_overlays_trampoline_lowered:
0x8: {  	[smem:$0x3F9C] =	sst s0  }
0x9: {  	[smem:$0x3F9D] =	sst s1  }
0xa: {  	[smem:$0x3F9E] =	sst s2  }
0xb: {  	[smem:$0x3F9F] =	sst s3  }
0xc: {  	[smem:$0x3FA0] =	sst s4  }
0xd: {  	[smem:$0x3FA1] =	sst s5  }
0xe: {  	[smem:$0x3FA2] =	sst s6  }
0xf: {  	[smem:$0x3FA3] =	sst s7  }
0x10: {  	[smem:$0x3FA4] =	sst s8  }
0x11: {  	[smem:$0x3FA5] =	sst s9;
	s0 =	simm.s32 @!p0 $0x0  }
0x12: {  	s1 =	sld [smem:$0x3F8B];
	s0 =	simm.s32 @p0 $0x1  }
0x13: {  	[smem:$0x3FA6] =	sst s0;
	s0 =	simm.s32 @!p1 $0x0  }
0x14: {  	s2 =	sld [smem:$0x3F8A];
	s0 =	simm.s32 @p1 $0x1  }
0x15: {  	[smem:$0x3FA7] =	sst s0;
	s0 =	simm.s32 @!p2 $0x0  }
0x16: {  	s3 =	sld [smem:$0x3FDB];
	s0 =	simm.s32 @p2 $0x1  }
0x17: {  	s4 =	simm.s32 $0x1BF5;
	[smem:$0x3FA9] =	sst s0  }
0x18: {  	s0 =	sld [smem:$0x3F8C];
	_ =	swait.ge [sflag:s4], $0x0  }
0x19: {  	s7 =	sld [smem:$0x3F8D]  }
0x1a: {  	s8 =	sadd.s32 $0xFFFFE003, lr  }
0x1b: {  	s9 =	sadd.s32 $0xFFFFFEF7, lr;
	s5 =	simm.s32 $0xFFFFFFFF;
	p2 =	slt.u32 s8, $0xFFFFF086  }
0x1c: {  	p1 =	slt.u32 s9, $0xF7A;
	s5 =	simm.s32 @!p2 $0x0  }
0x1d: {  	s5 =	simm.s32 @p1 $0x1;
	p0 =	seq.s32 s7, s2  }
0x1e: {  	s7 =	smul.u32 @!p0 $0xF7A, s2;
	p2 =	seq.s32 @!p0 s5, $0x0  }
0x1f: {  	s9 =	smul.u32 $0xF7A, s1;
	s8 =	simm.s32 @!p0 $0x1BF5;
	p2 =	por !p2, p0  }
0x20: {  	[sflag:s8] =	ssyncset.s32 @!p0 $0xFFFFF086;
	s6 =	sadd.s32 @!p0 s3, s7;
	s7 =	simm.s32 @!p0 $0x108  }
0x21: {  	s3 =	sadd.s32 s3, s9;
	s6 =	sadd.s32 @!p0 $0x88, s6;
	s7 =	simm.s32 @p2 $0x1082  }
0x22: {  	[simem:s7], [sflag:s8] =	dma.local @!p0 [hbm:s6], $0xF7A  }
0x23: {  	s9 =	sor.u32 $0xD0000000, s2;
	s6 =	simm.s32 $0x108;
	_ =	swait.ge @!p0 [sflag:s8], $0x0  }
0x24: {  	s3 =	sadd.s32 $0x88, s3;
	s6 =	simm.s32 @!p1 $0x1082;
	[sflag:s4] =	ssyncset.s32 $0xFFFFF086  }
0x25: {  	[simem:s6], [sflag:s4] =	dma.local [hbm:s3], $0xF7A  }
0x26: {  	[smem:$0x3F8D] =	sst s1;
	(tag) =	ssettag s2;
	_ =	strace s9  }
0x27: {  	s1 =	sld [smem:$0x3F9D]  }
0x28: {  	s2 =	sld [smem:$0x3F9E]  }
0x29: {  	s4 =	sld [smem:$0x3FA0]  }
0x2a: {  	p0 =	seq.s32 s5, $0x0;
	s5 =	sld [smem:$0x3FA1]  }
0x2b: {  	s6 =	sld [smem:$0x3FA2]  }
0x2c: {  	s7 =	sld [smem:$0x3FA3]  }
0x2d: {  	s3 =	simm.s32 $0x108;
	s8 =	sld [smem:$0x3FA4]  }
0x2e: {  	s3 =	simm.s32 @!p0 $0x1082;
	s9 =	sld [smem:$0x3FA5]  }
0x2f: {  	lr =	sadd.s32 s0, s3;
	s0 =	sld [smem:$0x3F9C]  }
0x30: {  	s3 =	sld [smem:$0x3F9F]  }
0x31: {  	[smem:$0x3FA8] =	sst s10  }
0x32: {  	s10 =	sld [smem:$0x3FA6];
	_ =	sdelay $0x3  }
0x33: {  	p0 =	seq.s32 s10, $0x1;
	s10 =	sld [smem:$0x3FA8];
	_ =	sdelay $0x3  }
0x34: {  	[smem:$0x3FA8] =	sst s10  }
0x35: {  	s10 =	sld [smem:$0x3FA7];
	_ =	sdelay $0x3  }
0x36: {  	p1 =	seq.s32 s10, $0x1;
	s10 =	sld [smem:$0x3FA8];
	_ =	sdelay $0x3  }
0x37: {  	[smem:$0x3FA8] =	sst s10  }
0x38: {  	s10 =	sld [smem:$0x3FA9]  }
0x39: {  	_ = 	snop;
	(pc) =	sbr.ind lr, $3  }
0x3a: {  	_ = 	snop  }
0x3b: {  	_ = 	snop  }
0x3c: {  	p2 =	seq.s32 s10, $0x1;
	s10 =	sld [smem:$0x3FA8]  }
0x3d: {  	_ =	shalt  }
0x3e: {  	_ =	shalt  }
0x3f: {  	_ =	shalt  }
0x40: {  	_ =	shalt  }
0x41: {  	_ =	shalt  }
0x42: {  	_ =	shalt  }
0x43: {  	_ =	shalt  }
0x44: {  	_ =	shalt  }
0x45: {  	_ =	shalt  }
0x46: {  	_ =	shalt  }
0x47: {  	_ =	shalt  }
0x48: {  	_ =	shalt  }
0x49: {  	_ =	shalt  }
0x4a: {  	_ =	shalt  }
0x4b: {  	_ =	shalt  }
0x4c: {  	_ =	shalt  }
0x4d: {  	_ =	shalt  }
0x4e: {  	_ =	shalt  }
0x4f: {  	_ =	shalt  }
0x50: {  	_ =	shalt  }
0x51: {  	_ =	shalt  }
0x52: {  	_ =	shalt  }
0x53: {  	_ =	shalt  }
0x54: {  	_ =	shalt  }
0x55: {  	_ =	shalt  }
0x56: {  	_ =	shalt  }
0x57: {  	_ =	shalt  }
0x58: {  	_ =	shalt  }
0x59: {  	_ =	shalt  }
0x5a: {  	_ =	shalt  }
0x5b: {  	_ =	shalt  }
0x5c: {  	_ =	shalt  }
0x5d: {  	_ =	shalt  }
0x5e: {  	_ =	shalt  }
0x5f: {  	_ =	shalt  }
0x60: {  	_ =	shalt  }
0x61: {  	_ =	shalt  }
0x62: {  	_ =	shalt  }
0x63: {  	_ =	shalt  }
0x64: {  	_ =	shalt  }
0x65: {  	_ =	shalt  }
0x66: {  	_ =	shalt  }
0x67: {  	_ =	shalt  }
0x68: {  	_ =	shalt  }
0x69: {  	_ =	shalt  }
0x6a: {  	_ =	shalt  }
0x6b: {  	_ =	shalt  }
0x6c: {  	_ =	shalt  }
0x6d: {  	_ =	shalt  }
0x6e: {  	_ =	shalt  }
0x6f: {  	_ =	shalt  }
0x70: {  	_ =	shalt  }
0x71: {  	_ =	shalt  }
0x72: {  	_ =	shalt  }
0x73: {  	_ =	shalt  }
0x74: {  	_ =	shalt  }
0x75: {  	_ =	shalt  }
0x76: {  	_ =	shalt  }
0x77: {  	_ =	shalt  }
0x78: {  	_ =	shalt  }
0x79: {  	_ =	shalt  }
0x7a: {  	_ =	shalt  }
0x7b: {  	_ =	shalt  }
0x7c: {  	_ =	shalt  }
0x7d: {  	_ =	shalt  }
0x7e: {  	_ =	shalt  }
0x7f: {  	_ =	shalt  }
0x80: {  	_ =	shalt  }
0x81: {  	_ =	shalt  }
0x82: {  	_ =	shalt  }
0x83: {  	_ =	shalt  }
0x84: {  	_ =	shalt  }
0x85: {  	_ =	shalt  }
0x86: {  	_ =	shalt  }
0x87: {  	_ =	shalt  }
.Lfunc_end0:
.L_simem_size_0:
called_computation_lowered:
.L_overlay_start_0:
0x88: {  	s2 =	sld [smem:$0x3FD9]  }
0x89: {  	s3 =	sld [smem:$0x3FFE];
	_ =	sdelay $0x1  }
0x8a: {  	s1 =	srdreg.scid  }
0x8b: {  	s0 =	sand.u32 $0x1, s1  }
0x8c: {  	s17 =	sshll.u32 s0, $0xA;
	s2 =	sadd.s32 s3, s2  }
0x8d: {  	s2 =	sadd.s32 s2, s17  }
0x8e: {  	[smem:$0x3FB4] =	sst s2  }
0x8f: {  	_ = 	snop  }
0x90: {  	(tm) =	ssettm $0x1  }
0x91: {  	s18 =	sld [smem:$0x3FFB];
	_ =	sdelay $0x3  }
0x92: {  	_ =	strace s18  }
0x93: {  	s2 =	sld [smem:$0x3FFC];
	_ =	sdelay $0x3  }
0x94: {  	_ =	strace s2  }
0x95: {  	s2 =	sld [smem:$0x3FFD];
	_ =	sdelay $0x3  }
0x96: {  	_ =	strace s2  }
0x97: {  	_ =	strace $0x8FFFFFFF  }
0x98: {  	s19 =	sld [smem:$0x3FDB];
	_ =	sdelay $0x1  }
0x99: {  	s20 =	simm.s32 $_scs_section_size  }
0x9a: {  	s4 =	simm.s32 $_size__tile_overlayer_lowered;
	s5 =	simm.s32 $_tile_overlayer_lowered  }
0x9b: {  	s6 =	simm.s32 $0x1BFF;
	s21 =	sshll.u32 s5, $0x1;
	s3 =	sadd.s32 s20, s19  }
0x9c: {  	s22 =	simm.s32 $0x0;
	s4 =	sshll.u32 s4, $0x1;
	s5 =	sadd.s32 s21, s3  }
0x9d: {  	[timem:s22], [sflag:s6] =	dma.local [hbm:s5], s4  }
0x9e: {  	_ =	swait.ge [sflag:s6], s4  }
0x9f: {  	s4 =	ssub.s32 $0x0, s4;
	[sflag:s6] =	ssyncset.done $0x0  }
0xa0: {  	[sflag:s6] =	ssyncadd.s32 s4;
	_ =	sdelay $0x1  }
0xa1: {  	s23 =	simm.s32 $0x1B8B  }
0xa2: {  	_ =	swait.ge [sflag:s23], $0x1  }
0xa3: {  	[sflag:s23] =	ssyncset.done $0x0  }
0xa4: {  	[sflag:s23] =	ssyncadd.s32 $0xFFFFFFFF  }
0xa5: {  	s4 =	sld [smem:$0x0]  }
0xa6: {  	s5 =	sand.u32 $0xFFFFFFFE, s1  }
0xa7: {  	p0 =	sne.s32 s1, s5  }
0xa8: {  	s5 =	sshll.u32 @p0 s5, $0xE  }
0xa9: {  	s5 =	sadd.s32 @p0 $0x11B8D, s5;
	s6 =	sshll.u32 @p0 s4, $0x11  }
0xaa: {  	s5 =	sor.u32 @p0 s6, s5  }
0xab: {  	[sflag:s5] =	ssyncadd.remote.s32 @p0 $0x1;
	_ =	sdelay $0x1  }
0xac: {  	s5 =	simm.s32 @p0 $0x1B8D  }
0xad: {  	_ =	swait.eq @p0 [sflag:s5], $0x1  }
0xae: {  	[sflag:s5] =	ssyncadd.s32 @p0 $0xFFFFFFFF  }
0xaf: {  	s6 =	sshll.u32 @!p0 s1, $0xE  }
0xb0: {  	s6 =	sor.u32 @!p0 $0x4000, s6;
	s5 =	simm.s32 @!p0 $0x1B8D  }
0xb1: {  	s4 =	sshll.u32 @!p0 s4, $0x11;
	s6 =	sadd.s32 @!p0 $0x11B8D, s6;
	_ =	swait.eq @!p0 [sflag:s5], $0x1  }
0xb2: {  	s4 =	sor.u32 @!p0 s4, s6;
	[sflag:s5] =	ssyncadd.s32 @!p0 $0xFFFFFFFF  }
0xb3: {  	s25 =	simm.s32 $0x1B8E;
	s24 =	sld [smem:$0x3FFE];
	[sflag:s4] =	ssyncadd.remote.s32 @!p0 $0x1  }
0xb4: {  	s26 =	simm.s32 $execute0_lowered;
	[smem:$0x3FD2] =	sst s25  }
0xb5: {  	s5 =	sshll.u32 s26, $0x1;
	_ =	strace $0x80000049;
	[dreg:$0x1] =	wrdreg $0xFFFFFFFF  }
0xb6: {  	s28 =	simm.s32 $_size_execute0_lowered;
	s3 =	sadd.s32 s3, s5;
	[dreg:$0x0] =	wrdreg $0x0  }
0xb7: {  	s5 =	sshll.u32 s28, $0x1;
	[dreg:$0x2] =	wrdreg s3  }
0xb8: {  	[dreg:$0x3] =	wrdreg s5  }
0xb9: {  	[dreg:$0x4] =	wrdreg $0xC0  }
0xba: {  	_ =	task [dreg:s22], $0x5FFFF  }
0xbb: {  	[dreg:$0x1] =	wrdreg $0xFFFFFFFF  }
0xbc: {  	[dreg:$0x0] =	wrdreg $0x60  }
0xbd: {  	[dreg:$0x2] =	wrdreg s24  }
0xbe: {  	[dreg:$0x3] =	wrdreg $0x90000  }
0xbf: {  	[dreg:$0x4] =	wrdreg $0x9  }
0xc0: {  	_ =	task.clear_ibuf [dreg:s22], $0x5FFFF;
	_ =	strace $0x90000049  }
0xc1: {  	s29 =	simm.s32 $0x9;
	_ =	strace $0x8000004B  }
0xc2: {  	_ =	swait.ge [sflag:s29], $0x1  }
0xc3: {  	[sflag:s29] =	ssyncadd.s32 $0xFFFFFFFF  }
0xc4: {  	_ =	strace $0x9000004B  }
0xc5: {  	_ =	sfence  }
0xc6: {  	s30 =	sld [smem:$0x0];
	_ =	sdelay $0x2  }
0xc7: {  	s31 =	sshll.u32 s1, $0xD;
	s1 =	sshrl.u32 s1, $0x2  }
0xc8: {  	s4 =	sand.u32 $0x4000, s31;
	s1 =	sadd.s32 s1, s30  }
0xc9: {  	s0 =	sor.u32 s4, s0;
	s1 =	sshll.u32 s1, $0x11  }
0xca: {  	s0 =	sor.u32 s1, s0  }
0xcb: {  	s0 =	sadd.s32 $0x8F2B, s0  }
0xcc: {  	[sflag:s0] =	ssyncadd.remote.s32 $0x1  }
0xcd: {  	_ =	sfence.sel $0xFFFF  }
0xce: {  	[dreg:$0x0] =	wrdreg $0xFFFFFFFF;
	(pc) =	sbr.abs _section_cstart, $3  }
0xcf: {  	[dreg:$0x1] =	wrdreg $0xFFFFFFFF  }
0xd0: {  	_ =	task.clear_ibuf [dreg:s22], $0x2FFFF;
	_ =	strace $0x9FFFFFFF  }
0xd1: {  	(tm) =	ssettm $0x7FFFFFFF  }
tec
execute0_lowered:
.L_overlay_start_1:
0x0: {  	(tag) =	ssettag $0x1  }
0x1: {  	s5 =	rddreg [dreg:$0x0]  }
0x2: {  	s1 =	rddreg [dreg:$0x1]  }
0x3: {  	s2 =	srdreg.scid;
	s0 =	rddreg [dreg:$0x2];
	s3 =	simm.s32 $0x0  }
0x4: {  	s21 =	simm.s32 $0x6800;
	s22 =	simm.s32 $0x1;
	s23 =	simm.s32 $0x50  }
0x5: {  	s24 =	simm.s32 $0x0;
	s7 =	sand.u32 $0x1, s2;
	s2 =	stileid.u32  }
0x6: {  	[smem:$0x7FF] =	sst s3;
	s17 =	sadd.s32 $0x591C00, s5;
	s8 =	smul.u32 $0x4E000, s2  }
0x7: {  	s4 =	sshll.u32 s7, $0x4;
	_ =	strace $0x8000004A;
	s16 =	smul.u32 $0x138800, s7  }
0x8: {  	s6 =	ssub.s32 $0x2, s7;
	s14 =	smul.u32 $0x13800, s2;
	s15 =	sor.u32 s2, s4  }
0x9: {  	p0 =	sne.s32 s2, $0xF;
	s10 =	sshrl.u32 s6, $0x1;
	s4 =	sshll.u32 s15, $0xB  }
0xa: {  	s18 =	ssub.s32 s6, s10;
	s31 =	sshrl.u32 s8, $0x2;
	s19 =	sadd.s32 s14, s16  }
0xb: {  	s14 =	sadd.s32 $0x138000, s1;
	s20 =	sshrl.u32 s16, $0x3;
	s15 =	smul.u32 $0x2710, s15  }
0xc: {  	s9 =	sadd.s32 s4, s5;
	s4 =	sadd.s32 $0xAFC00, s5;
	s6 =	sadd.s32 s31, s1  }
0xd: {  	s19 =	sshrl.u32 s19, $0x3;
	s18 =	smax.u32 s18, $0x1;
	s5 =	sadd.s32 $0x16C00, s9  }
0xe: {  	s7 =	sadd.s32 $0x2800, s6;
	s8 =	sadd.s32 $0x5000, s6;
	s9 =	sadd.s32 $0x7800, s6  }
0xf: {  	s10 =	sadd.s32 $0xA000, s6;
	s11 =	sadd.s32 $0xC800, s6;
	s12 =	sadd.s32 $0xF000, s6  }
0x10: {  	s13 =	sadd.s32 $0x11800, s6;
	s16 =	sadd.s32 s17, s19;
	s17 =	sadd.s32 s17, s20  }
0x11: {  	v0 =	vimm.f32 $0.0e+00;
	v1 =	vimm.f32 $1.000000000e+00;
	s19 =	simm.s32 $0x2;
	s20 =	simm.s32 $0x4000;
	s17 =	sadd.s32 $0x27000, s17  }
.LBB2_1:
0x12: {  	[tilespmem:s3], [sflag:$0x2] =	stream.linear.gather [hbm4b:s5+s3], $0x3E80, $0x38;
	[tilespmem:$0x1C880] =	vst v63  }
0x13: {  	_ =	swait.ge [sflag:s19], $0x3E80  }
0x14: {  	[sflag:s19] =	ssyncset.done $0x0  }
0x15: {  	s25 =	simm.s32 $0x0;
	s26 =	simm.s32 $0x200;
	[sflag:s19] =	ssyncadd.s32 $0xFFFFC180  }
.LBB2_2:
0x16: {  	p1 =	sne.s32 s26, $0x9E00;
	[tilespmem:s25+$0x4070] =	vst v0  }
0x17: {  	[tilespmem:s25+$0x4000] =	vst v0  }
0x18: {  	[tilespmem:s25+$0x4010] =	vst v0  }
.Ltmp0:
0x19: {  	[tilespmem:s25+$0x4020] =	vst v0;
	(pc) =	sbr.rel @p1 .LBB2_2-.Ltmp0, $4  }
0x1a: {  	[tilespmem:s25+$0x4030] =	vst v0  }
0x1b: {  	[tilespmem:s25+$0x4040] =	vst v0  }
0x1c: {  	[tilespmem:s25+$0x4050] =	vst v0  }
0x1d: {  	[tilespmem:s25+$0x4060] =	vst v0;
	s25 =	sshra.s32 s26, $0x2;
	s26 =	sadd.s32 $0x200, s26  }
0x1e: {  	[tilespmem:s25+$0x4070] =	vst v0  }
0x1f: {  	[tilespmem:s25+$0x4000] =	vst v0  }
0x20: {  	[tilespmem:s25+$0x4010] =	vst v0  }
0x21: {  	[tilespmem:s25+$0x4020] =	vst v0  }
0x22: {  	[tilespmem:s25+$0x4030] =	vst v0  }
0x23: {  	[tilespmem:s25+$0x4040] =	vst v0  }
0x24: {  	[tilespmem:s25+$0x4050] =	vst v0  }
0x25: {  	[tilespmem:s25+$0x4060] =	vst v0  }
0x26: {  	[spmem:s6] =	stream.linear.scatter [tilespmem:s20], [sflag:$0x2], $0x2800, $0x38;
	[tilespmem:$0x1C880] =	vst v63  }
0x27: {  	_ =	swait.ge [sflag:s19], $0x2800  }
0x28: {  	[sflag:s19] =	ssyncset.done $0x0  }
0x29: {  	[sflag:s19] =	ssyncadd.s32 $0xFFFFD800  }
0x2a: {  	[spmem:s7] =	stream.linear.scatter [tilespmem:s20], [sflag:$0x2], $0x2800, $0x38;
	[tilespmem:$0x1C880] =	vst v63  }
0x2b: {  	_ =	swait.ge [sflag:s19], $0x2800  }
0x2c: {  	[sflag:s19] =	ssyncset.done $0x0  }
0x2d: {  	[sflag:s19] =	ssyncadd.s32 $0xFFFFD800  }
0x2e: {  	[spmem:s8] =	stream.linear.scatter [tilespmem:s20], [sflag:$0x2], $0x2800, $0x38;
	[tilespmem:$0x1C880] =	vst v63  }
0x2f: {  	_ =	swait.ge [sflag:s19], $0x2800  }
0x30: {  	[sflag:s19] =	ssyncset.done $0x0  }
0x31: {  	[sflag:s19] =	ssyncadd.s32 $0xFFFFD800  }
0x32: {  	[spmem:s9] =	stream.linear.scatter [tilespmem:s20], [sflag:$0x2], $0x2800, $0x38;
	[tilespmem:$0x1C880] =	vst v63  }
0x33: {  	_ =	swait.ge [sflag:s19], $0x2800  }
0x34: {  	[sflag:s19] =	ssyncset.done $0x0  }
0x35: {  	[sflag:s19] =	ssyncadd.s32 $0xFFFFD800  }
0x36: {  	[spmem:s10] =	stream.linear.scatter [tilespmem:s20], [sflag:$0x2], $0x2800, $0x38;
	[tilespmem:$0x1C880] =	vst v63  }
0x37: {  	_ =	swait.ge [sflag:s19], $0x2800  }
0x38: {  	[sflag:s19] =	ssyncset.done $0x0  }
0x39: {  	[sflag:s19] =	ssyncadd.s32 $0xFFFFD800  }
0x3a: {  	[spmem:s11] =	stream.linear.scatter [tilespmem:s20], [sflag:$0x2], $0x2800, $0x38;
	[tilespmem:$0x1C880] =	vst v63  }
0x3b: {  	_ =	swait.ge [sflag:s19], $0x2800  }
0x3c: {  	[sflag:s19] =	ssyncset.done $0x0  }
0x3d: {  	[sflag:s19] =	ssyncadd.s32 $0xFFFFD800  }
0x3e: {  	[spmem:s12] =	stream.linear.scatter [tilespmem:s20], [sflag:$0x2], $0x2800, $0x38;
	[tilespmem:$0x1C880] =	vst v63  }
0x3f: {  	_ =	swait.ge [sflag:s19], $0x2800  }
0x40: {  	[sflag:s19] =	ssyncset.done $0x0  }
0x41: {  	[sflag:s19] =	ssyncadd.s32 $0xFFFFD800  }
0x42: {  	[spmem:s13] =	stream.linear.scatter [tilespmem:s20], [sflag:$0x2], $0x2000, $0x38;
	[tilespmem:$0x1C880] =	vst v63  }
0x43: {  	_ =	swait.ge [sflag:s19], $0x2000  }
0x44: {  	[sflag:s19] =	ssyncset.done $0x0  }
0x45: {  	s25 =	simm.s32 @!p0 $0x4000;
	[sflag:s19] =	ssyncadd.s32 $0xFFFFE000  }
0x46: {  	[spmem:s14] =	stream.linear.scatter @!p0 [tilespmem:s25], [sflag:$0x2], $0x800, $0x38;
	[tilespmem:$0x1C880] =	vst v63  }
0x47: {  	s25 =	simm.s32 @!p0 $0x2  }
0x48: {  	_ =	swait.ge @!p0 [sflag:s25], $0x800  }
0x49: {  	[sflag:s25] =	ssyncset.done @!p0 $0x0  }
0x4a: {  	[sflag:s25] =	ssyncadd.s32 @!p0 $0xFFFFF800  }
0x4b: {  	s26 =	simm.s32 $0x10;
	s25 =	simm.s32 $0x240;
	[bflag:$0x0] =	sbarrier.arrive $0xFFFF  }
.LBB2_4:
0x4c: {  	p1 =	sne.s32 s25, $0x9E40;
	[tilespmem:s26+$0x4000] =	vst v1;
	s26 =	smov.u32 s25;
	s25 =	sadd.s32 $0x200, s25  }
.Ltmp1:
0x4d: {  	(pc) =	sbr.rel @p1 .LBB2_4-.Ltmp1, $2  }
0x4e: {  	_ =	sdelay $0x2  }
0x4f: {  	s26 =	sshra.s32 s26, $0x2  }
0x50: {  	[tilespmem:s26+$0x4000] =	vst v1;
	s25 =	simm.s32 $0x0;
	s26 =	simm.s32 $0x0  }
.LBB2_6:
0x51: {  	s28 =	smul.u32 $0x50, s26;
	_ =	sdelay $0x1  }
0x52: {  	s28 =	sadd.s32 s15, s28  }
0x53: {  	s28 =	sshll.u32 s28, $0x4  }
0x54: {  	s28 =	sadd.s32 s4, s28  }
0x55: {  	[tilespmem:s21], [sflag:$0x1] =	stream.linear.gather [hbm4b:s28+s25], $0x2800, $0x38;
	[tilespmem:$0x1C880] =	vst v63  }
0x56: {  	_ =	swait.ge [sflag:s22], $0x2800  }
0x57: {  	[sflag:s22] =	ssyncset.done $0x0  }
0x58: {  	s28 =	simm.s32 $0x0;
	[sflag:s22] =	ssyncadd.s32 $0xFFFFD800  }
0x59: {  	s29 =	simm.s32 $0x200;
	v2 =	vld [tilespmem:s28+$0x6800]  }
.LBB2_7:
0x5a: {  	p1 =	sne.s32 s29, $0x9E00  }
.Ltmp2:
0x5b: {  	_ = 	snop;
	(pc) =	sbr.rel @p1 .LBB2_7-.Ltmp2, $3  }
0x5c: {  	_ =	sdelay $0x1  }
0x5d: {  	[tilespmem:s28+$0x4000] =	vst v2;
	s28 =	sshra.s32 s29, $0x2;
	s29 =	sadd.s32 $0x200, s29  }
0x5e: {  	v2 =	vld [tilespmem:s28+$0x6800]  }
0x5f: {  	_ =	sdelay $0x1  }
0x60: {  	s29 =	sshll.u32 s26, $0x7;
	s26 =	sadd.s32 $0x1, s26  }
0x61: {  	p1 =	sne.s32 s26, $0x7D  }
.Ltmp3:
0x62: {  	s31 =	sand.u32 $0x3FFFFF80, s29;
	[tilespmem:s28+$0x4000] =	vst v2;
	(pc) =	sbr.rel @p1 .LBB2_6-.Ltmp3, $4  }
0x63: {  	[spmem:s1] =	stream.indirect.scatter.add.f32 [tilespmem:s20], [sflag:$0x2], $0x80, s31, s23, $0xb8;
	[tilespmem:$0x1C880] =	vst v63  }
0x64: {  	_ =	swait.ge [sflag:s19], $0x2800  }
0x65: {  	[sflag:s19] =	ssyncset.done $0x0  }
0x66: {  	[sflag:s19] =	ssyncadd.s32 $0xFFFFD800  }
0x67: {  	s25 =	sshll.u32 s2, $0x6  }
0x68: {  	[bflag:$0x0] =	sbarrier.arrive $0xFFFF;
	s26 =	sshrl.u32 s6, $0x3;
	s25 =	sor.u32 $0x1C02, s25  }
0x69: {  	[hbm:s16], [sflag:s25] =	dma.local [spmem:s26], $0x2700  }
0x6a: {  	_ =	swait.ge [sflag:s19], $0x2700  }
0x6b: {  	s24 =	sadd.s32 $0x1, s24;
	[sflag:s19] =	ssyncset.done $0x0  }
0x6c: {  	p1 =	sne.s32 s24, s18;
	s26 =	sshrl.u32 @!p0 s14, $0x3;
	[sflag:s19] =	ssyncadd.s32 $0xFFFFD900  }
0x6d: {  	[hbm:s17], [sflag:s25] =	dma.local @!p0 [spmem:s26], $0x100  }
.Ltmp4:
0x6e: {  	_ = 	snop;
	(pc) =	sbr.rel @p1 .LBB2_1-.Ltmp4, $4  }
0x6f: {  	s25 =	simm.s32 @!p0 $0x2  }
0x70: {  	_ =	swait.ge @!p0 [sflag:s25], $0x100  }
0x71: {  	[sflag:s25] =	ssyncset.done @!p0 $0x0  }
0x72: {  	[sflag:s25] =	ssyncadd.s32 @!p0 $0xFFFFFF00  }
0x73: {  	_ =	sfence.sel $0x180000  }
0x74: {  	[bflag:$0x0] =	sbarrier.arrive $0xFFFF  }
0x75: {  	p0 =	sne.s32 s2, $0x0;
	_ =	strace $0x9000004A  }
0x76: {  	s0 =	sadd.s32 @!p0 $0x100000, s0;
	[bflag:$0x2] =	sbarrier.arrive $0xFFFF  }
0x77: {  	[sflag:s0] =	ssyncadd.tile.s32 @!p0 $0x1;
	_ =	shalt  }
.Lfunc_end2:
_tile_overlayer_lowered:
.L_overlay_start_2:
0x78: {  	(tag) =	ssettag $0x2  }
0x79: {  	s0 =	rddreg [dreg:$0x0];
	s2 =	stileid.u32  }
0x7a: {  	s1 =	rddreg [dreg:$0x1];
	p0 =	sne.s32 s2, $0x0  }
0x7b: {  	s3 =	rddreg [dreg:$0x2];
	[bflag:$0x3] =	sbarrier.arrive $0xFFFF;
	s2 =	simm.s32 @!p0 $0x1C02  }
0x7c: {  	[timem:s3], [sflag:s2] =	dma.local @!p0 [hbm:s0], s1  }
0x7d: {  	s0 =	simm.s32 @!p0 $0x2  }
0x7e: {  	_ =	swait.ge @!p0 [sflag:s0], s1  }
0x7f: {  	s1 =	ssub.s32 @!p0 $0x0, s1;
	[sflag:s0] =	ssyncset.done @!p0 $0x0  }
0x80: {  	[sflag:s0] =	ssyncadd.s32 @!p0 s1  }
0x81: {  	[bflag:$0x3] =	sbarrier.arrive $0xFFFF  }
0x82: {  	_ =	shalt  }

// kernel: kernel.14.cloned.1.call-start
scs
__scs_entry_jumppad:
0x0: {  	(pc) =	sbr.rel $0x88, $3  }
0x1: {  	(tag) =	ssettag $0x0;
	lr =	simm.s32 $0x1  }
0x2: {  	[smem:$0x3F8D] =	sst lr;
	_ =	strace $0xD0000000  }
0x3: {  	_ = 	snop  }
0x4: {  	_ = 	snop  }
0x5: {  	_ = 	snop  }
0x6: {  	_ = 	snop  }
0x7: {  	_ = 	snop  }
__scs_overlays_trampoline_lowered:
0x8: {  	[smem:$0x3F9C] =	sst s0  }
0x9: {  	[smem:$0x3F9D] =	sst s1  }
0xa: {  	[smem:$0x3F9E] =	sst s2  }
0xb: {  	[smem:$0x3F9F] =	sst s3  }
0xc: {  	[smem:$0x3FA0] =	sst s4  }
0xd: {  	[smem:$0x3FA1] =	sst s5  }
0xe: {  	[smem:$0x3FA2] =	sst s6  }
0xf: {  	[smem:$0x3FA3] =	sst s7  }
0x10: {  	[smem:$0x3FA4] =	sst s8  }
0x11: {  	[smem:$0x3FA5] =	sst s9;
	s0 =	simm.s32 @!p0 $0x0  }
0x12: {  	s1 =	sld [smem:$0x3F8B];
	s0 =	simm.s32 @p0 $0x1  }
0x13: {  	[smem:$0x3FA6] =	sst s0;
	s0 =	simm.s32 @!p1 $0x0  }
0x14: {  	s2 =	sld [smem:$0x3F8A];
	s0 =	simm.s32 @p1 $0x1  }
0x15: {  	[smem:$0x3FA7] =	sst s0;
	s0 =	simm.s32 @!p2 $0x0  }
0x16: {  	s3 =	sld [smem:$0x3FDB];
	s0 =	simm.s32 @p2 $0x1  }
0x17: {  	s4 =	simm.s32 $0x1BF5;
	[smem:$0x3FA9] =	sst s0  }
0x18: {  	s0 =	sld [smem:$0x3F8C];
	_ =	swait.ge [sflag:s4], $0x0  }
0x19: {  	s7 =	sld [smem:$0x3F8D]  }
0x1a: {  	s8 =	sadd.s32 $0xFFFFE003, lr  }
0x1b: {  	s9 =	sadd.s32 $0xFFFFFEF7, lr;
	s5 =	simm.s32 $0xFFFFFFFF;
	p2 =	slt.u32 s8, $0xFFFFF086  }
0x1c: {  	p1 =	slt.u32 s9, $0xF7A;
	s5 =	simm.s32 @!p2 $0x0  }
0x1d: {  	s5 =	simm.s32 @p1 $0x1;
	p0 =	seq.s32 s7, s2  }
0x1e: {  	s7 =	smul.u32 @!p0 $0xF7A, s2;
	p2 =	seq.s32 @!p0 s5, $0x0  }
0x1f: {  	s9 =	smul.u32 $0xF7A, s1;
	s8 =	simm.s32 @!p0 $0x1BF5;
	p2 =	por !p2, p0  }
0x20: {  	[sflag:s8] =	ssyncset.s32 @!p0 $0xFFFFF086;
	s6 =	sadd.s32 @!p0 s3, s7;
	s7 =	simm.s32 @!p0 $0x108  }
0x21: {  	s3 =	sadd.s32 s3, s9;
	s6 =	sadd.s32 @!p0 $0x88, s6;
	s7 =	simm.s32 @p2 $0x1082  }
0x22: {  	[simem:s7], [sflag:s8] =	dma.local @!p0 [hbm:s6], $0xF7A  }
0x23: {  	s9 =	sor.u32 $0xD0000000, s2;
	s6 =	simm.s32 $0x108;
	_ =	swait.ge @!p0 [sflag:s8], $0x0  }
0x24: {  	s3 =	sadd.s32 $0x88, s3;
	s6 =	simm.s32 @!p1 $0x1082;
	[sflag:s4] =	ssyncset.s32 $0xFFFFF086  }
0x25: {  	[simem:s6], [sflag:s4] =	dma.local [hbm:s3], $0xF7A  }
0x26: {  	[smem:$0x3F8D] =	sst s1;
	(tag) =	ssettag s2;
	_ =	strace s9  }
0x27: {  	s1 =	sld [smem:$0x3F9D]  }
0x28: {  	s2 =	sld [smem:$0x3F9E]  }
0x29: {  	s4 =	sld [smem:$0x3FA0]  }
0x2a: {  	p0 =	seq.s32 s5, $0x0;
	s5 =	sld [smem:$0x3FA1]  }
0x2b: {  	s6 =	sld [smem:$0x3FA2]  }
0x2c: {  	s7 =	sld [smem:$0x3FA3]  }
0x2d: {  	s3 =	simm.s32 $0x108;
	s8 =	sld [smem:$0x3FA4]  }
0x2e: {  	s3 =	simm.s32 @!p0 $0x1082;
	s9 =	sld [smem:$0x3FA5]  }
0x2f: {  	lr =	sadd.s32 s0, s3;
	s0 =	sld [smem:$0x3F9C]  }
0x30: {  	s3 =	sld [smem:$0x3F9F]  }
0x31: {  	[smem:$0x3FA8] =	sst s10  }
0x32: {  	s10 =	sld [smem:$0x3FA6];
	_ =	sdelay $0x3  }
0x33: {  	p0 =	seq.s32 s10, $0x1;
	s10 =	sld [smem:$0x3FA8];
	_ =	sdelay $0x3  }
0x34: {  	[smem:$0x3FA8] =	sst s10  }
0x35: {  	s10 =	sld [smem:$0x3FA7];
	_ =	sdelay $0x3  }
0x36: {  	p1 =	seq.s32 s10, $0x1;
	s10 =	sld [smem:$0x3FA8];
	_ =	sdelay $0x3  }
0x37: {  	[smem:$0x3FA8] =	sst s10  }
0x38: {  	s10 =	sld [smem:$0x3FA9]  }
0x39: {  	_ = 	snop;
	(pc) =	sbr.ind lr, $3  }
0x3a: {  	_ = 	snop  }
0x3b: {  	_ = 	snop  }
0x3c: {  	p2 =	seq.s32 s10, $0x1;
	s10 =	sld [smem:$0x3FA8]  }
0x3d: {  	_ =	shalt  }
0x3e: {  	_ =	shalt  }
0x3f: {  	_ =	shalt  }
0x40: {  	_ =	shalt  }
0x41: {  	_ =	shalt  }
0x42: {  	_ =	shalt  }
0x43: {  	_ =	shalt  }
0x44: {  	_ =	shalt  }
0x45: {  	_ =	shalt  }
0x46: {  	_ =	shalt  }
0x47: {  	_ =	shalt  }
0x48: {  	_ =	shalt  }
0x49: {  	_ =	shalt  }
0x4a: {  	_ =	shalt  }
0x4b: {  	_ =	shalt  }
0x4c: {  	_ =	shalt  }
0x4d: {  	_ =	shalt  }
0x4e: {  	_ =	shalt  }
0x4f: {  	_ =	shalt  }
0x50: {  	_ =	shalt  }
0x51: {  	_ =	shalt  }
0x52: {  	_ =	shalt  }
0x53: {  	_ =	shalt  }
0x54: {  	_ =	shalt  }
0x55: {  	_ =	shalt  }
0x56: {  	_ =	shalt  }
0x57: {  	_ =	shalt  }
0x58: {  	_ =	shalt  }
0x59: {  	_ =	shalt  }
0x5a: {  	_ =	shalt  }
0x5b: {  	_ =	shalt  }
0x5c: {  	_ =	shalt  }
0x5d: {  	_ =	shalt  }
0x5e: {  	_ =	shalt  }
0x5f: {  	_ =	shalt  }
0x60: {  	_ =	shalt  }
0x61: {  	_ =	shalt  }
0x62: {  	_ =	shalt  }
0x63: {  	_ =	shalt  }
0x64: {  	_ =	shalt  }
0x65: {  	_ =	shalt  }
0x66: {  	_ =	shalt  }
0x67: {  	_ =	shalt  }
0x68: {  	_ =	shalt  }
0x69: {  	_ =	shalt  }
0x6a: {  	_ =	shalt  }
0x6b: {  	_ =	shalt  }
0x6c: {  	_ =	shalt  }
0x6d: {  	_ =	shalt  }
0x6e: {  	_ =	shalt  }
0x6f: {  	_ =	shalt  }
0x70: {  	_ =	shalt  }
0x71: {  	_ =	shalt  }
0x72: {  	_ =	shalt  }
0x73: {  	_ =	shalt  }
0x74: {  	_ =	shalt  }
0x75: {  	_ =	shalt  }
0x76: {  	_ =	shalt  }
0x77: {  	_ =	shalt  }
0x78: {  	_ =	shalt  }
0x79: {  	_ =	shalt  }
0x7a: {  	_ =	shalt  }
0x7b: {  	_ =	shalt  }
0x7c: {  	_ =	shalt  }
0x7d: {  	_ =	shalt  }
0x7e: {  	_ =	shalt  }
0x7f: {  	_ =	shalt  }
0x80: {  	_ =	shalt  }
0x81: {  	_ =	shalt  }
0x82: {  	_ =	shalt  }
0x83: {  	_ =	shalt  }
0x84: {  	_ =	shalt  }
0x85: {  	_ =	shalt  }
0x86: {  	_ =	shalt  }
0x87: {  	_ =	shalt  }
.Lfunc_end0:
.L_simem_size_0:
called_computation.1_lowered:
.L_overlay_start_0:
0x88: {  	s2 =	sld [smem:$0x3FD9]  }
0x89: {  	s3 =	sld [smem:$0x3FFE];
	_ =	sdelay $0x1  }
0x8a: {  	s1 =	srdreg.scid  }
0x8b: {  	s0 =	sand.u32 $0x1, s1  }
0x8c: {  	s16 =	sshll.u32 s0, $0xA;
	s2 =	sadd.s32 s3, s2  }
0x8d: {  	s2 =	sadd.s32 s2, s16  }
0x8e: {  	[smem:$0x3FB4] =	sst s2  }
0x8f: {  	_ = 	snop  }
0x90: {  	(tm) =	ssettm $0x1  }
0x91: {  	s17 =	sld [smem:$0x3FFB];
	_ =	sdelay $0x3  }
0x92: {  	_ =	strace s17  }
0x93: {  	s2 =	sld [smem:$0x3FFC];
	_ =	sdelay $0x3  }
0x94: {  	_ =	strace s2  }
0x95: {  	s2 =	sld [smem:$0x3FFD];
	_ =	sdelay $0x3  }
0x96: {  	_ =	strace s2  }
0x97: {  	_ =	strace $0x8FFFFFFF  }
0x98: {  	s18 =	sld [smem:$0x3FDB];
	_ =	sdelay $0x1  }
0x99: {  	s19 =	simm.s32 $_scs_section_size  }
0x9a: {  	s4 =	simm.s32 $_size__tile_overlayer_lowered;
	s5 =	simm.s32 $_tile_overlayer_lowered  }
0x9b: {  	s22 =	simm.s32 $0x1BFF;
	s21 =	sshll.u32 s5, $0x1;
	s2 =	sadd.s32 s19, s18  }
0x9c: {  	s6 =	simm.s32 $0x0;
	s20 =	sshll.u32 s4, $0x1;
	s4 =	sadd.s32 s21, s2  }
0x9d: {  	[timem:s6], [sflag:s22] =	dma.local [hbm:s4], s20  }
0x9e: {  	_ =	swait.ge [sflag:s22], s20  }
0x9f: {  	s3 =	ssub.s32 $0x0, s20;
	[sflag:s22] =	ssyncset.done $0x0  }
0xa0: {  	[sflag:s22] =	ssyncadd.s32 s3;
	_ =	sdelay $0x1  }
0xa1: {  	s23 =	simm.s32 $0x1B8B  }
0xa2: {  	_ =	swait.ge [sflag:s23], $0x1  }
0xa3: {  	[sflag:s23] =	ssyncset.done $0x0  }
0xa4: {  	s25 =	simm.s32 $0x1B8E;
	s24 =	sld [smem:$0x3FFE];
	[sflag:s23] =	ssyncadd.s32 $0xFFFFFFFF  }
0xa5: {  	s26 =	simm.s32 $execute0_lowered;
	[smem:$0x3FD2] =	sst s25  }
0xa6: {  	s4 =	sshll.u32 s26, $0x1;
	_ =	strace $0x80000046;
	[dreg:$0x1] =	wrdreg $0xFFFFFFFF  }
0xa7: {  	s28 =	simm.s32 $_size_execute0_lowered;
	s2 =	sadd.s32 s2, s4;
	[dreg:$0x0] =	wrdreg $0x0  }
0xa8: {  	s4 =	sshll.u32 s28, $0x1;
	[dreg:$0x2] =	wrdreg s2  }
0xa9: {  	[dreg:$0x3] =	wrdreg s4  }
0xaa: {  	[dreg:$0x4] =	wrdreg $0xC0  }
0xab: {  	_ =	task [dreg:s6], $0x5FFFF  }
0xac: {  	[dreg:$0x1] =	wrdreg $0xFFFFFFFF  }
0xad: {  	[dreg:$0x0] =	wrdreg $0x60  }
0xae: {  	[dreg:$0x2] =	wrdreg s24  }
0xaf: {  	[dreg:$0x3] =	wrdreg $0xB7800  }
0xb0: {  	[dreg:$0x4] =	wrdreg $0xA  }
0xb1: {  	_ =	task.clear_ibuf [dreg:s6], $0x5FFFF;
	_ =	strace $0x90000046  }
0xb2: {  	s29 =	simm.s32 $0xA;
	_ =	strace $0x80000048  }
0xb3: {  	_ =	swait.ge [sflag:s29], $0x1  }
0xb4: {  	[sflag:s29] =	ssyncadd.s32 $0xFFFFFFFF  }
0xb5: {  	_ =	strace $0x90000048  }
0xb6: {  	_ =	sfence  }
0xb7: {  	s30 =	sld [smem:$0x0];
	_ =	sdelay $0x2  }
0xb8: {  	s31 =	sshll.u32 s1, $0xD;
	s1 =	sshrl.u32 s1, $0x2  }
0xb9: {  	s3 =	sand.u32 $0x4000, s31;
	s1 =	sadd.s32 s1, s30  }
0xba: {  	s0 =	sor.u32 s3, s0;
	s1 =	sshll.u32 s1, $0x11  }
0xbb: {  	s0 =	sor.u32 s1, s0  }
0xbc: {  	s0 =	sadd.s32 $0x8F2B, s0  }
0xbd: {  	[sflag:s0] =	ssyncadd.remote.s32 $0x1  }
0xbe: {  	_ =	sfence.sel $0xFFFF  }
0xbf: {  	[dreg:$0x0] =	wrdreg $0xFFFFFFFF;
	(pc) =	sbr.abs _section_cstart, $3  }
0xc0: {  	[dreg:$0x1] =	wrdreg $0xFFFFFFFF  }
0xc1: {  	_ =	task.clear_ibuf [dreg:s6], $0x2FFFF;
	_ =	strace $0x9FFFFFFF  }
0xc2: {  	(tm) =	ssettm $0x7FFFFFFF  }
0xc3: {  	_ =	shalt  }
tec
execute0_lowered:
.L_overlay_start_1:
0x0: {  	(tag) =	ssettag $0x1  }
0x1: {  	s0 =	srdreg.scid  }
0x2: {  	s24 =	stileid.u32;
	s5 =	rddreg [dreg:$0x0]  }
0x3: {  	s2 =	rddreg [dreg:$0x1];
	s3 =	simm.s32 $0x0;
	s20 =	simm.s32 $0x400  }
0x4: {  	s21 =	simm.s32 $0x2;
	s22 =	simm.s32 $0x2780;
	s23 =	simm.s32 $0x6780  }
0x5: {  	s28 =	simm.s32 $0x6580;
	s29 =	simm.s32 $0x0;
	s8 =	sand.u32 $0x1, s0  }
0x6: {  	s25 =	sshll.u32 s24, $0x7;
	[smem:$0x7FF] =	sst s3;
	s10 =	smul.u32 $0x4E000, s24  }
0x7: {  	s16 =	sadd.s32 $0x61A00, s5;
	s15 =	smul.u32 $0x13800, s24;
	p0 =	sne.s32 s24, $0xF  }
0x8: {  	s1 =	sshll.u32 s8, $0x4;
	s7 =	sand.u32 $0x380, s25;
	_ =	strace $0x80000047  }
0x9: {  	s9 =	ssub.s32 $0x2, s8;
	s14 =	smul.u32 $0x138800, s8;
	s25 =	simm.s32 $0x1  }
0xa: {  	s4 =	sor.u32 s24, s1;
	s30 =	sshrl.u32 s9, $0x1;
	s31 =	sshrl.u32 s10, $0x2  }
0xb: {  	s24 =	simm.s32 $0x50;
	s1 =	sshrl.u32 s4, $0x3;
	s4 =	sshll.u32 s4, $0xB  }
0xc: {  	s18 =	ssub.s32 s9, s30;
	s15 =	sadd.s32 s15, s14;
	s17 =	sshrl.u32 s14, $0x3  }
0xd: {  	s6 =	smul.u32 $0x13C00, s1;
	s26 =	sadd.s32 s4, s5;
	s4 =	sadd.s32 $0x3A800, s5  }
0xe: {  	s19 =	sshrl.u32 s15, $0x3;
	s17 =	sadd.s32 s16, s17;
	s15 =	sadd.s32 $0x138000, s2  }
0xf: {  	s18 =	smax.u32 s18, $0x1;
	s16 =	sadd.s32 s16, s19;
	s17 =	sadd.s32 $0x27000, s17  }
0x10: {  	s19 =	stileid.u32;
	s6 =	sor.u32 s7, s6;
	s7 =	sadd.s32 s31, s2  }
0x11: {  	s6 =	sshrl.u32 s6, $0x3;
	s8 =	sadd.s32 $0x2800, s7;
	s9 =	sadd.s32 $0x5000, s7  }
0x12: {  	s10 =	sadd.s32 $0x7800, s7;
	s11 =	sadd.s32 $0xA000, s7;
	s12 =	sadd.s32 $0xC800, s7  }
0x13: {  	s13 =	sadd.s32 $0xF000, s7;
	s14 =	sadd.s32 $0x11800, s7;
	s6 =	sadd.s32 s6, s5  }
0x14: {  	v0 =	vimm.f32 $0.0e+00;
	s5 =	sadd.s32 $0x26C00, s6;
	s6 =	sadd.s32 $0x16C00, s26;
	s26 =	simm.s32 $0x8F80  }
.LBB2_1:
0x15: {  	s0 =	simm.s32 $0x80  }
0x16: {  	[tilespmem:s3], [sflag:$0x2] =	stream.strided.gather [hbm4b:s5+s0], $0x2780, s20, s0, $0x38;
	[tilespmem:$0x1F000] =	vst v63  }
0x17: {  	_ =	swait.ge [sflag:s21], $0x2780  }
0x18: {  	[sflag:s21] =	ssyncset.done $0x0  }
0x19: {  	[sflag:s21] =	ssyncadd.s32 $0xFFFFD880  }
0x1a: {  	[tilespmem:s22], [sflag:$0x2] =	stream.linear.gather [hbm4b:s6+s3], $0x3E80, $0x38;
	[tilespmem:$0x1F000] =	vst v63  }
0x1b: {  	_ =	swait.ge [sflag:s21], $0x3E80  }
0x1c: {  	[sflag:s21] =	ssyncset.done $0x0  }
0x1d: {  	s30 =	simm.s32 $0x0;
	s31 =	simm.s32 $0x200;
	[sflag:s21] =	ssyncadd.s32 $0xFFFFC180  }
.LBB2_2:
0x1e: {  	p1 =	sne.s32 s31, $0x9E00;
	[tilespmem:s30+$0x67F0] =	vst v0  }
0x1f: {  	[tilespmem:s30+$0x6780] =	vst v0  }
0x20: {  	[tilespmem:s30+$0x6790] =	vst v0  }
.Ltmp0:
0x21: {  	[tilespmem:s30+$0x67A0] =	vst v0;
	(pc) =	sbr.rel @p1 .LBB2_2-.Ltmp0, $4  }
0x22: {  	[tilespmem:s30+$0x67B0] =	vst v0  }
0x23: {  	[tilespmem:s30+$0x67C0] =	vst v0  }
0x24: {  	[tilespmem:s30+$0x67D0] =	vst v0  }
0x25: {  	[tilespmem:s30+$0x67E0] =	vst v0;
	s30 =	sshra.s32 s31, $0x2;
	s31 =	sadd.s32 $0x200, s31  }
0x26: {  	[tilespmem:s30+$0x67F0] =	vst v0  }
0x27: {  	[tilespmem:s30+$0x6780] =	vst v0  }
0x28: {  	[tilespmem:s30+$0x6790] =	vst v0  }
0x29: {  	[tilespmem:s30+$0x67A0] =	vst v0  }
0x2a: {  	[tilespmem:s30+$0x67B0] =	vst v0  }
0x2b: {  	[tilespmem:s30+$0x67C0] =	vst v0  }
0x2c: {  	[tilespmem:s30+$0x67D0] =	vst v0  }
0x2d: {  	[tilespmem:s30+$0x67E0] =	vst v0  }
0x2e: {  	[spmem:s7] =	stream.linear.scatter [tilespmem:s23], [sflag:$0x2], $0x2800, $0x38;
	[tilespmem:$0x1F000] =	vst v63  }
0x2f: {  	_ =	swait.ge [sflag:s21], $0x2800  }
0x30: {  	[sflag:s21] =	ssyncset.done $0x0  }
0x31: {  	[sflag:s21] =	ssyncadd.s32 $0xFFFFD800  }
0x32: {  	[spmem:s8] =	stream.linear.scatter [tilespmem:s23], [sflag:$0x2], $0x2800, $0x38;
	[tilespmem:$0x1F000] =	vst v63  }
0x33: {  	_ =	swait.ge [sflag:s21], $0x2800  }
0x34: {  	[sflag:s21] =	ssyncset.done $0x0  }
0x35: {  	[sflag:s21] =	ssyncadd.s32 $0xFFFFD800  }
0x36: {  	[spmem:s9] =	stream.linear.scatter [tilespmem:s23], [sflag:$0x2], $0x2800, $0x38;
	[tilespmem:$0x1F000] =	vst v63  }
0x37: {  	_ =	swait.ge [sflag:s21], $0x2800  }
0x38: {  	[sflag:s21] =	ssyncset.done $0x0  }
0x39: {  	[sflag:s21] =	ssyncadd.s32 $0xFFFFD800  }
0x3a: {  	[spmem:s10] =	stream.linear.scatter [tilespmem:s23], [sflag:$0x2], $0x2800, $0x38;
	[tilespmem:$0x1F000] =	vst v63  }
0x3b: {  	_ =	swait.ge [sflag:s21], $0x2800  }
0x3c: {  	[sflag:s21] =	ssyncset.done $0x0  }
0x3d: {  	[sflag:s21] =	ssyncadd.s32 $0xFFFFD800  }
0x3e: {  	[spmem:s11] =	stream.linear.scatter [tilespmem:s23], [sflag:$0x2], $0x2800, $0x38;
	[tilespmem:$0x1F000] =	vst v63  }
0x3f: {  	_ =	swait.ge [sflag:s21], $0x2800  }
0x40: {  	[sflag:s21] =	ssyncset.done $0x0  }
0x41: {  	[sflag:s21] =	ssyncadd.s32 $0xFFFFD800  }
0x42: {  	[spmem:s12] =	stream.linear.scatter [tilespmem:s23], [sflag:$0x2], $0x2800, $0x38;
	[tilespmem:$0x1F000] =	vst v63  }
0x43: {  	_ =	swait.ge [sflag:s21], $0x2800  }
0x44: {  	[sflag:s21] =	ssyncset.done $0x0  }
0x45: {  	[sflag:s21] =	ssyncadd.s32 $0xFFFFD800  }
0x46: {  	[spmem:s13] =	stream.linear.scatter [tilespmem:s23], [sflag:$0x2], $0x2800, $0x38;
	[tilespmem:$0x1F000] =	vst v63  }
0x47: {  	_ =	swait.ge [sflag:s21], $0x2800  }
0x48: {  	[sflag:s21] =	ssyncset.done $0x0  }
0x49: {  	[sflag:s21] =	ssyncadd.s32 $0xFFFFD800  }
0x4a: {  	[spmem:s14] =	stream.linear.scatter [tilespmem:s23], [sflag:$0x2], $0x2000, $0x38;
	[tilespmem:$0x1F000] =	vst v63  }
0x4b: {  	_ =	swait.ge [sflag:s21], $0x2000  }
0x4c: {  	[sflag:s21] =	ssyncset.done $0x0  }
0x4d: {  	s30 =	simm.s32 @!p0 $0x6780;
	[sflag:s21] =	ssyncadd.s32 $0xFFFFE000  }
0x4e: {  	[spmem:s15] =	stream.linear.scatter @!p0 [tilespmem:s30], [sflag:$0x2], $0x800, $0x38;
	[tilespmem:$0x1F000] =	vst v63  }
0x4f: {  	s30 =	simm.s32 @!p0 $0x2  }
0x50: {  	_ =	swait.ge @!p0 [sflag:s30], $0x800  }
0x51: {  	[sflag:s30] =	ssyncset.done @!p0 $0x0  }
0x52: {  	[sflag:s30] =	ssyncadd.s32 @!p0 $0xFFFFF800  }
0x53: {  	s30 =	simm.s32 $0x0;
	[bflag:$0x0] =	sbarrier.arrive $0xFFFF  }
0x54: {  	[tilespmem:s23], [sflag:$0x1] =	stream.indirect.gather [hbm4b:s4+s24], $0x80, s30, s24, $0xb8;
	[tilespmem:$0x1F000] =	vst v63  }
0x55: {  	_ =	swait.ge [sflag:s25], $0x2800  }
0x56: {  	[sflag:s25] =	ssyncset.done $0x0  }
0x57: {  	s30 =	simm.s32 $0x50;
	[sflag:s25] =	ssyncadd.s32 $0xFFFFD800  }
0x58: {  	[tilespmem:s26], [sflag:$0x1] =	stream.indirect.gather [hbm4b:s4+s24], $0x80, s30, s24, $0xb8;
	[tilespmem:$0x1F000] =	vst v63  }
0x59: {  	s30 =	simm.s32 $0x2780  }
0x5a: {  	[spmem:s2] =	stream.indirect.scatter.add.f32 [tilespmem:s23], [sflag:$0x2], $0x80, s30, s24, $0xb8;
	[tilespmem:$0x1F000] =	vst v63  }
0x5b: {  	_ =	swait.ge [sflag:s21], $0x2800  }
0x5c: {  	[sflag:s21] =	ssyncset.done $0x0  }
0x5d: {  	s30 =	simm.s32 $0xA0;
	[sflag:s21] =	ssyncadd.s32 $0xFFFFD800  }
0x5e: {  	[tilespmem:s23], [sflag:$0x1] =	stream.indirect.gather [hbm4b:s4+s24], $0x80, s30, s24, $0xb8;
	[tilespmem:$0x1F000] =	vst v63  }
0x5f: {  	_ =	swait.ge [sflag:s25], $0x2800  }
0x60: {  	[sflag:s25] =	ssyncset.done $0x0  }
0x61: {  	s31 =	simm.s32 $0x2800;
	[sflag:s25] =	ssyncadd.s32 $0xFFFFD800  }
0x62: {  	[spmem:s2] =	stream.indirect.scatter.add.f32 [tilespmem:s26], [sflag:$0x2], $0x80, s31, s24, $0xb8;
	[tilespmem:$0x1F000] =	vst v63  }
0x63: {  	_ =	swait.ge [sflag:s21], $0x2800  }
0x64: {  	s31 =	simm.s32 $0x400;
	[sflag:s21] =	ssyncset.done $0x0  }
.LBB2_4:
0x65: {  	p1 =	sne.s32 s31, $0xF400;
	[sflag:s21] =	ssyncadd.s32 $0xFFFFD800;
	s30 =	sadd.s32 $0xA0, s30  }
0x66: {  	s1 =	smov.u32 s31;
	s31 =	sadd.s32 $0x400, s31;
	_ =	swait.ge [sflag:s25], $0x2800  }
0x67: {  	[sflag:s25] =	ssyncset.done $0x0  }
0x68: {  	s0 =	sadd.s32 $0xFFFFFFB0, s30;
	s1 =	sshra.s32 s1, $0x2;
	[sflag:s25] =	ssyncadd.s32 $0xFFFFD800  }
0x69: {  	[tilespmem:s26], [sflag:$0x1] =	stream.indirect.gather [hbm4b:s4+s24], $0x80, s0, s24, $0xb8;
	[tilespmem:$0x1F000] =	vst v63  }
0x6a: {  	s0 =	sadd.s32 $0x2780, s1  }
0x6b: {  	[spmem:s2] =	stream.indirect.scatter.add.f32 [tilespmem:s23], [sflag:$0x2], $0x80, s0, s24, $0xb8;
	[tilespmem:$0x1F000] =	vst v63  }
0x6c: {  	_ =	swait.ge [sflag:s21], $0x2800  }
0x6d: {  	[sflag:s21] =	ssyncset.done $0x0  }
0x6e: {  	[sflag:s21] =	ssyncadd.s32 $0xFFFFD800  }
0x6f: {  	[tilespmem:s23], [sflag:$0x1] =	stream.indirect.gather [hbm4b:s4+s24], $0x80, s30, s24, $0xb8;
	[tilespmem:$0x1F000] =	vst v63  }
0x70: {  	_ =	swait.ge [sflag:s25], $0x2800  }
.Ltmp1:
0x71: {  	[sflag:s25] =	ssyncset.done $0x0;
	(pc) =	sbr.rel @p1 .LBB2_4-.Ltmp1, $4  }
0x72: {  	s0 =	sadd.s32 $0x2800, s1;
	[sflag:s25] =	ssyncadd.s32 $0xFFFFD800  }
0x73: {  	[spmem:s2] =	stream.indirect.scatter.add.f32 [tilespmem:s26], [sflag:$0x2], $0x80, s0, s24, $0xb8;
	[tilespmem:$0x1F000] =	vst v63  }
0x74: {  	_ =	swait.ge [sflag:s21], $0x2800  }
0x75: {  	[sflag:s21] =	ssyncset.done $0x0  }
0x76: {  	[sflag:s21] =	ssyncadd.s32 $0xFFFFD800  }
0x77: {  	_ =	swait.ge [sflag:s25], $0x2800  }
0x78: {  	[sflag:s25] =	ssyncset.done $0x0  }
0x79: {  	[sflag:s25] =	ssyncadd.s32 $0xFFFFD800  }
0x7a: {  	[spmem:s2] =	stream.indirect.scatter.add.f32 [tilespmem:s23], [sflag:$0x2], $0x80, s28, s24, $0xb8;
	[tilespmem:$0x1F000] =	vst v63  }
0x7b: {  	_ =	swait.ge [sflag:s21], $0x2800  }
0x7c: {  	[sflag:s21] =	ssyncset.done $0x0  }
0x7d: {  	s0 =	sshll.u32 s19, $0x6;
	[sflag:s21] =	ssyncadd.s32 $0xFFFFD800  }
0x7e: {  	s1 =	sshrl.u32 s7, $0x3;
	s0 =	sor.u32 $0x1C02, s0;
	[bflag:$0x0] =	sbarrier.arrive $0xFFFF  }
0x7f: {  	[hbm:s16], [sflag:s0] =	dma.local [spmem:s1], $0x2700  }
0x80: {  	_ =	swait.ge [sflag:s21], $0x2700  }
0x81: {  	s29 =	sadd.s32 $0x1, s29;
	[sflag:s21] =	ssyncset.done $0x0  }
0x82: {  	p1 =	sne.s32 s29, s18;
	s1 =	sshrl.u32 @!p0 s15, $0x3;
	[sflag:s21] =	ssyncadd.s32 $0xFFFFD900  }
0x83: {  	[hbm:s17], [sflag:s0] =	dma.local @!p0 [spmem:s1], $0x100  }
.Ltmp2:
0x84: {  	_ = 	snop;
	(pc) =	sbr.rel @p1 .LBB2_1-.Ltmp2, $4  }
0x85: {  	s0 =	simm.s32 @!p0 $0x2  }
0x86: {  	_ =	swait.ge @!p0 [sflag:s0], $0x100  }
0x87: {  	[sflag:s0] =	ssyncset.done @!p0 $0x0  }
0x88: {  	[sflag:s0] =	ssyncadd.s32 @!p0 $0xFFFFFF00  }
0x89: {  	_ =	sfence.sel $0x180000  }
0x8a: {  	[bflag:$0x0] =	sbarrier.arrive $0xFFFF  }
0x8b: {  	_ =	strace $0x90000047  }
0x8c: {  	[bflag:$0x2] =	sbarrier.arrive $0xFFFF  }
0x8d: {  	p0 =	sne.s32 s19, $0x0;
	s0 =	rddreg [dreg:$0x2]  }
0x8e: {  	s0 =	sadd.s32 @!p0 $0x100000, s0  }
0x8f: {  	[sflag:s0] =	ssyncadd.tile.s32 @!p0 $0x1;
	_ =	shalt  }
.Lfunc_end2:
_tile_overlayer_lowered:
.L_overlay_start_2:
0x90: {  	(tag) =	ssettag $0x2  }
0x91: {  	s0 =	rddreg [dreg:$0x0];
	s2 =	stileid.u32  }
0x92: {  	s1 =	rddreg [dreg:$0x1];
	p0 =	sne.s32 s2, $0x0  }
0x93: {  	s3 =	rddreg [dreg:$0x2];
	[bflag:$0x3] =	sbarrier.arrive $0xFFFF;
	s2 =	simm.s32 @!p0 $0x1C02  }
0x94: {  	[timem:s3], [sflag:s2] =	dma.local @!p0 [hbm:s0], s1  }
0x95: {  	s0 =	simm.s32 @!p0 $0x2  }
0x96: {  	_ =	swait.ge @!p0 [sflag:s0], s1  }
0x97: {  	s1 =	ssub.s32 @!p0 $0x0, s1;
	[sflag:s0] =	ssyncset.done @!p0 $0x0  }
0x98: {  	[sflag:s0] =	ssyncadd.s32 @!p0 s1  }
0x99: {  	[bflag:$0x3] =	sbarrier.arrive $0xFFFF  }
0x9a: {  	_ =	shalt  }

// kernel: kernel.17.cloned.1.call-start
scs
__scs_entry_jumppad:
0x0: {  	(pc) =	sbr.rel $0x88, $3  }
0x1: {  	(tag) =	ssettag $0x0;
	lr =	simm.s32 $0x1  }
0x2: {  	[smem:$0x3F8D] =	sst lr;
	_ =	strace $0xD0000000  }
0x3: {  	_ = 	snop  }
0x4: {  	_ = 	snop  }
0x5: {  	_ = 	snop  }
0x6: {  	_ = 	snop  }
0x7: {  	_ = 	snop  }
__scs_overlays_trampoline_lowered:
0x8: {  	[smem:$0x3F9C] =	sst s0  }
0x9: {  	[smem:$0x3F9D] =	sst s1  }
0xa: {  	[smem:$0x3F9E] =	sst s2  }
0xb: {  	[smem:$0x3F9F] =	sst s3  }
0xc: {  	[smem:$0x3FA0] =	sst s4  }
0xd: {  	[smem:$0x3FA1] =	sst s5  }
0xe: {  	[smem:$0x3FA2] =	sst s6  }
0xf: {  	[smem:$0x3FA3] =	sst s7  }
0x10: {  	[smem:$0x3FA4] =	sst s8  }
0x11: {  	[smem:$0x3FA5] =	sst s9;
	s0 =	simm.s32 @!p0 $0x0  }
0x12: {  	s1 =	sld [smem:$0x3F8B];
	s0 =	simm.s32 @p0 $0x1  }
0x13: {  	[smem:$0x3FA6] =	sst s0;
	s0 =	simm.s32 @!p1 $0x0  }
0x14: {  	s2 =	sld [smem:$0x3F8A];
	s0 =	simm.s32 @p1 $0x1  }
0x15: {  	[smem:$0x3FA7] =	sst s0;
	s0 =	simm.s32 @!p2 $0x0  }
0x16: {  	s3 =	sld [smem:$0x3FDB];
	s0 =	simm.s32 @p2 $0x1  }
0x17: {  	s4 =	simm.s32 $0x1BF5;
	[smem:$0x3FA9] =	sst s0  }
0x18: {  	s0 =	sld [smem:$0x3F8C];
	_ =	swait.ge [sflag:s4], $0x0  }
0x19: {  	s7 =	sld [smem:$0x3F8D]  }
0x1a: {  	s8 =	sadd.s32 $0xFFFFE003, lr  }
0x1b: {  	s9 =	sadd.s32 $0xFFFFFEF7, lr;
	s5 =	simm.s32 $0xFFFFFFFF;
	p2 =	slt.u32 s8, $0xFFFFF086  }
0x1c: {  	p1 =	slt.u32 s9, $0xF7A;
	s5 =	simm.s32 @!p2 $0x0  }
0x1d: {  	s5 =	simm.s32 @p1 $0x1;
	p0 =	seq.s32 s7, s2  }
0x1e: {  	s7 =	smul.u32 @!p0 $0xF7A, s2;
	p2 =	seq.s32 @!p0 s5, $0x0  }
0x1f: {  	s9 =	smul.u32 $0xF7A, s1;
	s8 =	simm.s32 @!p0 $0x1BF5;
	p2 =	por !p2, p0  }
0x20: {  	[sflag:s8] =	ssyncset.s32 @!p0 $0xFFFFF086;
	s6 =	sadd.s32 @!p0 s3, s7;
	s7 =	simm.s32 @!p0 $0x108  }
0x21: {  	s3 =	sadd.s32 s3, s9;
	s6 =	sadd.s32 @!p0 $0x88, s6;
	s7 =	simm.s32 @p2 $0x1082  }
0x22: {  	[simem:s7], [sflag:s8] =	dma.local @!p0 [hbm:s6], $0xF7A  }
0x23: {  	s9 =	sor.u32 $0xD0000000, s2;
	s6 =	simm.s32 $0x108;
	_ =	swait.ge @!p0 [sflag:s8], $0x0  }
0x24: {  	s3 =	sadd.s32 $0x88, s3;
	s6 =	simm.s32 @!p1 $0x1082;
	[sflag:s4] =	ssyncset.s32 $0xFFFFF086  }
0x25: {  	[simem:s6], [sflag:s4] =	dma.local [hbm:s3], $0xF7A  }
0x26: {  	[smem:$0x3F8D] =	sst s1;
	(tag) =	ssettag s2;
	_ =	strace s9  }
0x27: {  	s1 =	sld [smem:$0x3F9D]  }
0x28: {  	s2 =	sld [smem:$0x3F9E]  }
0x29: {  	s4 =	sld [smem:$0x3FA0]  }
0x2a: {  	p0 =	seq.s32 s5, $0x0;
	s5 =	sld [smem:$0x3FA1]  }
0x2b: {  	s6 =	sld [smem:$0x3FA2]  }
0x2c: {  	s7 =	sld [smem:$0x3FA3]  }
0x2d: {  	s3 =	simm.s32 $0x108;
	s8 =	sld [smem:$0x3FA4]  }
0x2e: {  	s3 =	simm.s32 @!p0 $0x1082;
	s9 =	sld [smem:$0x3FA5]  }
0x2f: {  	lr =	sadd.s32 s0, s3;
	s0 =	sld [smem:$0x3F9C]  }
0x30: {  	s3 =	sld [smem:$0x3F9F]  }
0x31: {  	[smem:$0x3FA8] =	sst s10  }
0x32: {  	s10 =	sld [smem:$0x3FA6];
	_ =	sdelay $0x3  }
0x33: {  	p0 =	seq.s32 s10, $0x1;
	s10 =	sld [smem:$0x3FA8];
	_ =	sdelay $0x3  }
0x34: {  	[smem:$0x3FA8] =	sst s10  }
0x35: {  	s10 =	sld [smem:$0x3FA7];
	_ =	sdelay $0x3  }
0x36: {  	p1 =	seq.s32 s10, $0x1;
	s10 =	sld [smem:$0x3FA8];
	_ =	sdelay $0x3  }
0x37: {  	[smem:$0x3FA8] =	sst s10  }
0x38: {  	s10 =	sld [smem:$0x3FA9]  }
0x39: {  	_ = 	snop;
	(pc) =	sbr.ind lr, $3  }
0x3a: {  	_ = 	snop  }
0x3b: {  	_ = 	snop  }
0x3c: {  	p2 =	seq.s32 s10, $0x1;
	s10 =	sld [smem:$0x3FA8]  }
0x3d: {  	_ =	shalt  }
0x3e: {  	_ =	shalt  }
0x3f: {  	_ =	shalt  }
0x40: {  	_ =	shalt  }
0x41: {  	_ =	shalt  }
0x42: {  	_ =	shalt  }
0x43: {  	_ =	shalt  }
0x44: {  	_ =	shalt  }
0x45: {  	_ =	shalt  }
0x46: {  	_ =	shalt  }
0x47: {  	_ =	shalt  }
0x48: {  	_ =	shalt  }
0x49: {  	_ =	shalt  }
0x4a: {  	_ =	shalt  }
0x4b: {  	_ =	shalt  }
0x4c: {  	_ =	shalt  }
0x4d: {  	_ =	shalt  }
0x4e: {  	_ =	shalt  }
0x4f: {  	_ =	shalt  }
0x50: {  	_ =	shalt  }
0x51: {  	_ =	shalt  }
0x52: {  	_ =	shalt  }
0x53: {  	_ =	shalt  }
0x54: {  	_ =	shalt  }
0x55: {  	_ =	shalt  }
0x56: {  	_ =	shalt  }
0x57: {  	_ =	shalt  }
0x58: {  	_ =	shalt  }
0x59: {  	_ =	shalt  }
0x5a: {  	_ =	shalt  }
0x5b: {  	_ =	shalt  }
0x5c: {  	_ =	shalt  }
0x5d: {  	_ =	shalt  }
0x5e: {  	_ =	shalt  }
0x5f: {  	_ =	shalt  }
0x60: {  	_ =	shalt  }
0x61: {  	_ =	shalt  }
0x62: {  	_ =	shalt  }
0x63: {  	_ =	shalt  }
0x64: {  	_ =	shalt  }
0x65: {  	_ =	shalt  }
0x66: {  	_ =	shalt  }
0x67: {  	_ =	shalt  }
0x68: {  	_ =	shalt  }
0x69: {  	_ =	shalt  }
0x6a: {  	_ =	shalt  }
0x6b: {  	_ =	shalt  }
0x6c: {  	_ =	shalt  }
0x6d: {  	_ =	shalt  }
0x6e: {  	_ =	shalt  }
0x6f: {  	_ =	shalt  }
0x70: {  	_ =	shalt  }
0x71: {  	_ =	shalt  }
0x72: {  	_ =	shalt  }
0x73: {  	_ =	shalt  }
0x74: {  	_ =	shalt  }
0x75: {  	_ =	shalt  }
0x76: {  	_ =	shalt  }
0x77: {  	_ =	shalt  }
0x78: {  	_ =	shalt  }
0x79: {  	_ =	shalt  }
0x7a: {  	_ =	shalt  }
0x7b: {  	_ =	shalt  }
0x7c: {  	_ =	shalt  }
0x7d: {  	_ =	shalt  }
0x7e: {  	_ =	shalt  }
0x7f: {  	_ =	shalt  }
0x80: {  	_ =	shalt  }
0x81: {  	_ =	shalt  }
0x82: {  	_ =	shalt  }
0x83: {  	_ =	shalt  }
0x84: {  	_ =	shalt  }
0x85: {  	_ =	shalt  }
0x86: {  	_ =	shalt  }
0x87: {  	_ =	shalt  }
.Lfunc_end0:
.L_simem_size_0:
called_computation.2_lowered:
.L_overlay_start_0:
0x88: {  	s2 =	sld [smem:$0x3FD9]  }
0x89: {  	s3 =	sld [smem:$0x3FFE];
	_ =	sdelay $0x1  }
0x8a: {  	s1 =	srdreg.scid  }
0x8b: {  	s0 =	sand.u32 $0x1, s1  }
0x8c: {  	s16 =	sshll.u32 s0, $0xA;
	s2 =	sadd.s32 s3, s2  }
0x8d: {  	s2 =	sadd.s32 s2, s16  }
0x8e: {  	[smem:$0x3FB4] =	sst s2  }
0x8f: {  	_ = 	snop  }
0x90: {  	(tm) =	ssettm $0x1  }
0x91: {  	s17 =	sld [smem:$0x3FFB];
	_ =	sdelay $0x3  }
0x92: {  	_ =	strace s17  }
0x93: {  	s2 =	sld [smem:$0x3FFC];
	_ =	sdelay $0x3  }
0x94: {  	_ =	strace s2  }
0x95: {  	s2 =	sld [smem:$0x3FFD];
	_ =	sdelay $0x3  }
0x96: {  	_ =	strace s2  }
0x97: {  	_ =	strace $0x8FFFFFFF  }
0x98: {  	s18 =	sld [smem:$0x3FDB];
	_ =	sdelay $0x1  }
0x99: {  	s19 =	simm.s32 $_scs_section_size  }
0x9a: {  	s4 =	simm.s32 $_size__tile_overlayer_lowered;
	s5 =	simm.s32 $_tile_overlayer_lowered  }
0x9b: {  	s22 =	simm.s32 $0x1BFF;
	s21 =	sshll.u32 s5, $0x1;
	s2 =	sadd.s32 s19, s18  }
0x9c: {  	s6 =	simm.s32 $0x0;
	s20 =	sshll.u32 s4, $0x1;
	s4 =	sadd.s32 s21, s2  }
0x9d: {  	[timem:s6], [sflag:s22] =	dma.local [hbm:s4], s20  }
0x9e: {  	_ =	swait.ge [sflag:s22], s20  }
0x9f: {  	s3 =	ssub.s32 $0x0, s20;
	[sflag:s22] =	ssyncset.done $0x0  }
0xa0: {  	[sflag:s22] =	ssyncadd.s32 s3;
	_ =	sdelay $0x1  }
0xa1: {  	s23 =	simm.s32 $0x1B8B  }
0xa2: {  	_ =	swait.ge [sflag:s23], $0x1  }
0xa3: {  	[sflag:s23] =	ssyncset.done $0x0  }
0xa4: {  	s25 =	simm.s32 $0x1B8E;
	s24 =	sld [smem:$0x3FFE];
	[sflag:s23] =	ssyncadd.s32 $0xFFFFFFFF  }
0xa5: {  	s26 =	simm.s32 $execute0_lowered;
	[smem:$0x3FD2] =	sst s25  }
0xa6: {  	s4 =	sshll.u32 s26, $0x1;
	_ =	strace $0x8000004C;
	[dreg:$0x1] =	wrdreg $0xFFFFFFFF  }
0xa7: {  	s28 =	simm.s32 $_size_execute0_lowered;
	s2 =	sadd.s32 s2, s4;
	[dreg:$0x0] =	wrdreg $0x0  }
0xa8: {  	s4 =	sshll.u32 s28, $0x1;
	[dreg:$0x2] =	wrdreg s2  }
0xa9: {  	[dreg:$0x3] =	wrdreg s4  }
0xaa: {  	[dreg:$0x4] =	wrdreg $0xC0  }
0xab: {  	_ =	task [dreg:s6], $0x5FFFF  }
0xac: {  	[dreg:$0x1] =	wrdreg $0xFFFFFFFF  }
0xad: {  	[dreg:$0x0] =	wrdreg $0x60  }
0xae: {  	[dreg:$0x2] =	wrdreg s24  }
0xaf: {  	[dreg:$0x3] =	wrdreg $0xB7800  }
0xb0: {  	[dreg:$0x4] =	wrdreg $0x9  }
0xb1: {  	_ =	task.clear_ibuf [dreg:s6], $0x5FFFF;
	_ =	strace $0x9000004C  }
0xb2: {  	s29 =	simm.s32 $0x9;
	_ =	strace $0x8000004E  }
0xb3: {  	_ =	swait.ge [sflag:s29], $0x1  }
0xb4: {  	[sflag:s29] =	ssyncadd.s32 $0xFFFFFFFF  }
0xb5: {  	_ =	strace $0x9000004E  }
0xb6: {  	_ =	sfence  }
0xb7: {  	s30 =	sld [smem:$0x0];
	_ =	sdelay $0x2  }
0xb8: {  	s31 =	sshll.u32 s1, $0xD;
	s1 =	sshrl.u32 s1, $0x2  }
0xb9: {  	s3 =	sand.u32 $0x4000, s31;
	s1 =	sadd.s32 s1, s30  }
0xba: {  	s0 =	sor.u32 s3, s0;
	s1 =	sshll.u32 s1, $0x11  }
0xbb: {  	s0 =	sor.u32 s1, s0  }
0xbc: {  	s0 =	sadd.s32 $0x8F2B, s0  }
0xbd: {  	[sflag:s0] =	ssyncadd.remote.s32 $0x1  }
0xbe: {  	_ =	sfence.sel $0xFFFF  }
0xbf: {  	[dreg:$0x0] =	wrdreg $0xFFFFFFFF;
	(pc) =	sbr.abs _section_cstart, $3  }
0xc0: {  	[dreg:$0x1] =	wrdreg $0xFFFFFFFF  }
0xc1: {  	_ =	task.clear_ibuf [dreg:s6], $0x2FFFF;
	_ =	strace $0x9FFFFFFF  }
0xc2: {  	(tm) =	ssettm $0x7FFFFFFF  }
0xc3: {  	_ =	shalt  }
tec
execute0_lowered:
.L_overlay_start_1:
0x0: {  	(tag) =	ssettag $0x1  }
0x1: {  	s0 =	srdreg.scid  }
0x2: {  	s24 =	stileid.u32;
	s5 =	rddreg [dreg:$0x0]  }
0x3: {  	s2 =	rddreg [dreg:$0x1];
	s3 =	simm.s32 $0x0;
	s20 =	simm.s32 $0x400  }
0x4: {  	s21 =	simm.s32 $0x2;
	s22 =	simm.s32 $0x2780;
	s23 =	simm.s32 $0x6780  }
0x5: {  	s28 =	simm.s32 $0x6580;
	s29 =	simm.s32 $0x0;
	s8 =	sand.u32 $0x1, s0  }
0x6: {  	s25 =	sshll.u32 s24, $0x7;
	[smem:$0x7FF] =	sst s3;
	s10 =	smul.u32 $0x4E000, s24  }
0x7: {  	s16 =	sadd.s32 $0x61A00, s5;
	s15 =	smul.u32 $0x13800, s24;
	p0 =	sne.s32 s24, $0xF  }
0x8: {  	s1 =	sshll.u32 s8, $0x4;
	s7 =	sand.u32 $0x380, s25;
	_ =	strace $0x8000004D  }
0x9: {  	s9 =	ssub.s32 $0x2, s8;
	s14 =	smul.u32 $0x138800, s8;
	s25 =	simm.s32 $0x1  }
0xa: {  	s4 =	sor.u32 s24, s1;
	s30 =	sshrl.u32 s9, $0x1;
	s31 =	sshrl.u32 s10, $0x2  }
0xb: {  	s24 =	simm.s32 $0x50;
	s1 =	sshrl.u32 s4, $0x3;
	s4 =	sshll.u32 s4, $0xB  }
0xc: {  	s18 =	ssub.s32 s9, s30;
	s15 =	sadd.s32 s15, s14;
	s17 =	sshrl.u32 s14, $0x3  }
0xd: {  	s6 =	smul.u32 $0x13C00, s1;
	s26 =	sadd.s32 s4, s5;
	s4 =	sadd.s32 $0x3A800, s5  }
0xe: {  	s19 =	sshrl.u32 s15, $0x3;
	s17 =	sadd.s32 s16, s17;
	s15 =	sadd.s32 $0x138000, s2  }
0xf: {  	s18 =	smax.u32 s18, $0x1;
	s16 =	sadd.s32 s16, s19;
	s17 =	sadd.s32 $0x27000, s17  }
0x10: {  	s19 =	stileid.u32;
	s6 =	sor.u32 s7, s6;
	s7 =	sadd.s32 s31, s2  }
0x11: {  	s6 =	sshrl.u32 s6, $0x3;
	s8 =	sadd.s32 $0x2800, s7;
	s9 =	sadd.s32 $0x5000, s7  }
0x12: {  	s10 =	sadd.s32 $0x7800, s7;
	s11 =	sadd.s32 $0xA000, s7;
	s12 =	sadd.s32 $0xC800, s7  }
0x13: {  	s13 =	sadd.s32 $0xF000, s7;
	s14 =	sadd.s32 $0x11800, s7;
	s6 =	sadd.s32 s6, s5  }
0x14: {  	v0 =	vimm.f32 $0.0e+00;
	s5 =	sadd.s32 $0x26C00, s6;
	s6 =	sadd.s32 $0x16C00, s26;
	s26 =	simm.s32 $0x8F80  }
.LBB2_1:
0x15: {  	s0 =	simm.s32 $0x80  }
0x16: {  	[tilespmem:s3], [sflag:$0x2] =	stream.strided.gather [hbm4b:s5+s0], $0x2780, s20, s0, $0x38;
	[tilespmem:$0x1F000] =	vst v63  }
0x17: {  	_ =	swait.ge [sflag:s21], $0x2780  }
0x18: {  	[sflag:s21] =	ssyncset.done $0x0  }
0x19: {  	[sflag:s21] =	ssyncadd.s32 $0xFFFFD880  }
0x1a: {  	[tilespmem:s22], [sflag:$0x2] =	stream.linear.gather [hbm4b:s6+s3], $0x3E80, $0x38;
	[tilespmem:$0x1F000] =	vst v63  }
0x1b: {  	_ =	swait.ge [sflag:s21], $0x3E80  }
0x1c: {  	[sflag:s21] =	ssyncset.done $0x0  }
0x1d: {  	s30 =	simm.s32 $0x0;
	s31 =	simm.s32 $0x200;
	[sflag:s21] =	ssyncadd.s32 $0xFFFFC180  }
.LBB2_2:
0x1e: {  	p1 =	sne.s32 s31, $0x9E00;
	[tilespmem:s30+$0x67F0] =	vst v0  }
0x1f: {  	[tilespmem:s30+$0x6780] =	vst v0  }
0x20: {  	[tilespmem:s30+$0x6790] =	vst v0  }
.Ltmp0:
0x21: {  	[tilespmem:s30+$0x67A0] =	vst v0;
	(pc) =	sbr.rel @p1 .LBB2_2-.Ltmp0, $4  }
0x22: {  	[tilespmem:s30+$0x67B0] =	vst v0  }
0x23: {  	[tilespmem:s30+$0x67C0] =	vst v0  }
0x24: {  	[tilespmem:s30+$0x67D0] =	vst v0  }
0x25: {  	[tilespmem:s30+$0x67E0] =	vst v0;
	s30 =	sshra.s32 s31, $0x2;
	s31 =	sadd.s32 $0x200, s31  }
0x26: {  	[tilespmem:s30+$0x67F0] =	vst v0  }
0x27: {  	[tilespmem:s30+$0x6780] =	vst v0  }
0x28: {  	[tilespmem:s30+$0x6790] =	vst v0  }
0x29: {  	[tilespmem:s30+$0x67A0] =	vst v0  }
0x2a: {  	[tilespmem:s30+$0x67B0] =	vst v0  }
0x2b: {  	[tilespmem:s30+$0x67C0] =	vst v0  }
0x2c: {  	[tilespmem:s30+$0x67D0] =	vst v0  }
0x2d: {  	[tilespmem:s30+$0x67E0] =	vst v0  }
0x2e: {  	[spmem:s7] =	stream.linear.scatter [tilespmem:s23], [sflag:$0x2], $0x2800, $0x38;
	[tilespmem:$0x1F000] =	vst v63  }
0x2f: {  	_ =	swait.ge [sflag:s21], $0x2800  }
0x30: {  	[sflag:s21] =	ssyncset.done $0x0  }
0x31: {  	[sflag:s21] =	ssyncadd.s32 $0xFFFFD800  }
0x32: {  	[spmem:s8] =	stream.linear.scatter [tilespmem:s23], [sflag:$0x2], $0x2800, $0x38;
	[tilespmem:$0x1F000] =	vst v63  }
0x33: {  	_ =	swait.ge [sflag:s21], $0x2800  }
0x34: {  	[sflag:s21] =	ssyncset.done $0x0  }
0x35: {  	[sflag:s21] =	ssyncadd.s32 $0xFFFFD800  }
0x36: {  	[spmem:s9] =	stream.linear.scatter [tilespmem:s23], [sflag:$0x2], $0x2800, $0x38;
	[tilespmem:$0x1F000] =	vst v63  }
0x37: {  	_ =	swait.ge [sflag:s21], $0x2800  }
0x38: {  	[sflag:s21] =	ssyncset.done $0x0  }
0x39: {  	[sflag:s21] =	ssyncadd.s32 $0xFFFFD800  }
0x3a: {  	[spmem:s10] =	stream.linear.scatter [tilespmem:s23], [sflag:$0x2], $0x2800, $0x38;
	[tilespmem:$0x1F000] =	vst v63  }
0x3b: {  	_ =	swait.ge [sflag:s21], $0x2800  }
0x3c: {  	[sflag:s21] =	ssyncset.done $0x0  }
0x3d: {  	[sflag:s21] =	ssyncadd.s32 $0xFFFFD800  }
0x3e: {  	[spmem:s11] =	stream.linear.scatter [tilespmem:s23], [sflag:$0x2], $0x2800, $0x38;
	[tilespmem:$0x1F000] =	vst v63  }
0x3f: {  	_ =	swait.ge [sflag:s21], $0x2800  }
0x40: {  	[sflag:s21] =	ssyncset.done $0x0  }
0x41: {  	[sflag:s21] =	ssyncadd.s32 $0xFFFFD800  }
0x42: {  	[spmem:s12] =	stream.linear.scatter [tilespmem:s23], [sflag:$0x2], $0x2800, $0x38;
	[tilespmem:$0x1F000] =	vst v63  }
0x43: {  	_ =	swait.ge [sflag:s21], $0x2800  }
0x44: {  	[sflag:s21] =	ssyncset.done $0x0  }
0x45: {  	[sflag:s21] =	ssyncadd.s32 $0xFFFFD800  }
0x46: {  	[spmem:s13] =	stream.linear.scatter [tilespmem:s23], [sflag:$0x2], $0x2800, $0x38;
	[tilespmem:$0x1F000] =	vst v63  }
0x47: {  	_ =	swait.ge [sflag:s21], $0x2800  }
0x48: {  	[sflag:s21] =	ssyncset.done $0x0  }
0x49: {  	[sflag:s21] =	ssyncadd.s32 $0xFFFFD800  }
0x4a: {  	[spmem:s14] =	stream.linear.scatter [tilespmem:s23], [sflag:$0x2], $0x2000, $0x38;
	[tilespmem:$0x1F000] =	vst v63  }
0x4b: {  	_ =	swait.ge [sflag:s21], $0x2000  }
0x4c: {  	[sflag:s21] =	ssyncset.done $0x0  }
0x4d: {  	s30 =	simm.s32 @!p0 $0x6780;
	[sflag:s21] =	ssyncadd.s32 $0xFFFFE000  }
0x4e: {  	[spmem:s15] =	stream.linear.scatter @!p0 [tilespmem:s30], [sflag:$0x2], $0x800, $0x38;
	[tilespmem:$0x1F000] =	vst v63  }
0x4f: {  	s30 =	simm.s32 @!p0 $0x2  }
0x50: {  	_ =	swait.ge @!p0 [sflag:s30], $0x800  }
0x51: {  	[sflag:s30] =	ssyncset.done @!p0 $0x0  }
0x52: {  	[sflag:s30] =	ssyncadd.s32 @!p0 $0xFFFFF800  }
0x53: {  	s30 =	simm.s32 $0x0;
	[bflag:$0x0] =	sbarrier.arrive $0xFFFF  }
0x54: {  	[tilespmem:s23], [sflag:$0x1] =	stream.indirect.gather [hbm4b:s4+s24], $0x80, s30, s24, $0xb8;
	[tilespmem:$0x1F000] =	vst v63  }
0x55: {  	_ =	swait.ge [sflag:s25], $0x2800  }
0x56: {  	[sflag:s25] =	ssyncset.done $0x0  }
0x57: {  	s30 =	simm.s32 $0x50;
	[sflag:s25] =	ssyncadd.s32 $0xFFFFD800  }
0x58: {  	[tilespmem:s26], [sflag:$0x1] =	stream.indirect.gather [hbm4b:s4+s24], $0x80, s30, s24, $0xb8;
	[tilespmem:$0x1F000] =	vst v63  }
0x59: {  	s30 =	simm.s32 $0x2780  }
0x5a: {  	[spmem:s2] =	stream.indirect.scatter.add.f32 [tilespmem:s23], [sflag:$0x2], $0x80, s30, s24, $0xb8;
	[tilespmem:$0x1F000] =	vst v63  }
0x5b: {  	_ =	swait.ge [sflag:s21], $0x2800  }
0x5c: {  	[sflag:s21] =	ssyncset.done $0x0  }
0x5d: {  	s30 =	simm.s32 $0xA0;
	[sflag:s21] =	ssyncadd.s32 $0xFFFFD800  }
0x5e: {  	[tilespmem:s23], [sflag:$0x1] =	stream.indirect.gather [hbm4b:s4+s24], $0x80, s30, s24, $0xb8;
	[tilespmem:$0x1F000] =	vst v63  }
0x5f: {  	_ =	swait.ge [sflag:s25], $0x2800  }
0x60: {  	[sflag:s25] =	ssyncset.done $0x0  }
0x61: {  	s31 =	simm.s32 $0x2800;
	[sflag:s25] =	ssyncadd.s32 $0xFFFFD800  }
0x62: {  	[spmem:s2] =	stream.indirect.scatter.add.f32 [tilespmem:s26], [sflag:$0x2], $0x80, s31, s24, $0xb8;
	[tilespmem:$0x1F000] =	vst v63  }
0x63: {  	_ =	swait.ge [sflag:s21], $0x2800  }
0x64: {  	s31 =	simm.s32 $0x400;
	[sflag:s21] =	ssyncset.done $0x0  }
.LBB2_4:
0x65: {  	p1 =	sne.s32 s31, $0xF400;
	[sflag:s21] =	ssyncadd.s32 $0xFFFFD800;
	s30 =	sadd.s32 $0xA0, s30  }
0x66: {  	s1 =	smov.u32 s31;
	s31 =	sadd.s32 $0x400, s31;
	_ =	swait.ge [sflag:s25], $0x2800  }
0x67: {  	[sflag:s25] =	ssyncset.done $0x0  }
0x68: {  	s0 =	sadd.s32 $0xFFFFFFB0, s30;
	s1 =	sshra.s32 s1, $0x2;
	[sflag:s25] =	ssyncadd.s32 $0xFFFFD800  }
0x69: {  	[tilespmem:s26], [sflag:$0x1] =	stream.indirect.gather [hbm4b:s4+s24], $0x80, s0, s24, $0xb8;
	[tilespmem:$0x1F000] =	vst v63  }
0x6a: {  	s0 =	sadd.s32 $0x2780, s1  }
0x6b: {  	[spmem:s2] =	stream.indirect.scatter.add.f32 [tilespmem:s23], [sflag:$0x2], $0x80, s0, s24, $0xb8;
	[tilespmem:$0x1F000] =	vst v63  }
0x6c: {  	_ =	swait.ge [sflag:s21], $0x2800  }
0x6d: {  	[sflag:s21] =	ssyncset.done $0x0  }
0x6e: {  	[sflag:s21] =	ssyncadd.s32 $0xFFFFD800  }
0x6f: {  	[tilespmem:s23], [sflag:$0x1] =	stream.indirect.gather [hbm4b:s4+s24], $0x80, s30, s24, $0xb8;
	[tilespmem:$0x1F000] =	vst v63  }
0x70: {  	_ =	swait.ge [sflag:s25], $0x2800  }
.Ltmp1:
0x71: {  	[sflag:s25] =	ssyncset.done $0x0;
	(pc) =	sbr.rel @p1 .LBB2_4-.Ltmp1, $4  }
0x72: {  	s0 =	sadd.s32 $0x2800, s1;
	[sflag:s25] =	ssyncadd.s32 $0xFFFFD800  }
0x73: {  	[spmem:s2] =	stream.indirect.scatter.add.f32 [tilespmem:s26], [sflag:$0x2], $0x80, s0, s24, $0xb8;
	[tilespmem:$0x1F000] =	vst v63  }
0x74: {  	_ =	swait.ge [sflag:s21], $0x2800  }
0x75: {  	[sflag:s21] =	ssyncset.done $0x0  }
0x76: {  	[sflag:s21] =	ssyncadd.s32 $0xFFFFD800  }
0x77: {  	_ =	swait.ge [sflag:s25], $0x2800  }
0x78: {  	[sflag:s25] =	ssyncset.done $0x0  }
0x79: {  	[sflag:s25] =	ssyncadd.s32 $0xFFFFD800  }
0x7a: {  	[spmem:s2] =	stream.indirect.scatter.add.f32 [tilespmem:s23], [sflag:$0x2], $0x80, s28, s24, $0xb8;
	[tilespmem:$0x1F000] =	vst v63  }
0x7b: {  	_ =	swait.ge [sflag:s21], $0x2800  }
0x7c: {  	[sflag:s21] =	ssyncset.done $0x0  }
0x7d: {  	s0 =	sshll.u32 s19, $0x6;
	[sflag:s21] =	ssyncadd.s32 $0xFFFFD800  }
0x7e: {  	s1 =	sshrl.u32 s7, $0x3;
	s0 =	sor.u32 $0x1C02, s0;
	[bflag:$0x0] =	sbarrier.arrive $0xFFFF  }
0x7f: {  	[hbm:s16], [sflag:s0] =	dma.local [spmem:s1], $0x2700  }
0x80: {  	_ =	swait.ge [sflag:s21], $0x2700  }
0x81: {  	s29 =	sadd.s32 $0x1, s29;
	[sflag:s21] =	ssyncset.done $0x0  }
0x82: {  	p1 =	sne.s32 s29, s18;
	s1 =	sshrl.u32 @!p0 s15, $0x3;
	[sflag:s21] =	ssyncadd.s32 $0xFFFFD900  }
0x83: {  	[hbm:s17], [sflag:s0] =	dma.local @!p0 [spmem:s1], $0x100  }
.Ltmp2:
0x84: {  	_ = 	snop;
	(pc) =	sbr.rel @p1 .LBB2_1-.Ltmp2, $4  }
0x85: {  	s0 =	simm.s32 @!p0 $0x2  }
0x86: {  	_ =	swait.ge @!p0 [sflag:s0], $0x100  }
0x87: {  	[sflag:s0] =	ssyncset.done @!p0 $0x0  }
0x88: {  	[sflag:s0] =	ssyncadd.s32 @!p0 $0xFFFFFF00  }
0x89: {  	_ =	sfence.sel $0x180000  }
0x8a: {  	[bflag:$0x0] =	sbarrier.arrive $0xFFFF  }
0x8b: {  	_ =	strace $0x9000004D  }
0x8c: {  	[bflag:$0x2] =	sbarrier.arrive $0xFFFF  }
0x8d: {  	p0 =	sne.s32 s19, $0x0;
	s0 =	rddreg [dreg:$0x2]  }
0x8e: {  	s0 =	sadd.s32 @!p0 $0x100000, s0  }
0x8f: {  	[sflag:s0] =	ssyncadd.tile.s32 @!p0 $0x1;
	_ =	shalt  }
.Lfunc_end2:
_tile_overlayer_lowered:
.L_overlay_start_2:
0x90: {  	(tag) =	ssettag $0x2  }
0x91: {  	s0 =	rddreg [dreg:$0x0];
	s2 =	stileid.u32  }
0x92: {  	s1 =	rddreg [dreg:$0x1];
	p0 =	sne.s32 s2, $0x0  }
0x93: {  	s3 =	rddreg [dreg:$0x2];
	[bflag:$0x3] =	sbarrier.arrive $0xFFFF;
	s2 =	simm.s32 @!p0 $0x1C02  }
0x94: {  	[timem:s3], [sflag:s2] =	dma.local @!p0 [hbm:s0], s1  }
0x95: {  	s0 =	simm.s32 @!p0 $0x2  }
0x96: {  	_ =	swait.ge @!p0 [sflag:s0], s1  }
0x97: {  	s1 =	ssub.s32 @!p0 $0x0, s1;
	[sflag:s0] =	ssyncset.done @!p0 $0x0  }
0x98: {  	[sflag:s0] =	ssyncadd.s32 @!p0 s1  }
0x99: {  	[bflag:$0x3] =	sbarrier.arrive $0xFFFF  }
0x9a: {  	_ =	shalt  }

// kernel: kernel.20.cloned.1.call-start
scs
__scs_entry_jumppad:
0x0: {  	(pc) =	sbr.rel $0x88, $3  }
0x1: {  	(tag) =	ssettag $0x0;
	lr =	simm.s32 $0x1  }
0x2: {  	[smem:$0x3F8D] =	sst lr;
	_ =	strace $0xD0000000  }
0x3: {  	_ = 	snop  }
0x4: {  	_ = 	snop  }
0x5: {  	_ = 	snop  }
0x6: {  	_ = 	snop  }
0x7: {  	_ = 	snop  }
__scs_overlays_trampoline_lowered:
0x8: {  	[smem:$0x3F9C] =	sst s0  }
0x9: {  	[smem:$0x3F9D] =	sst s1  }
0xa: {  	[smem:$0x3F9E] =	sst s2  }
0xb: {  	[smem:$0x3F9F] =	sst s3  }
0xc: {  	[smem:$0x3FA0] =	sst s4  }
0xd: {  	[smem:$0x3FA1] =	sst s5  }
0xe: {  	[smem:$0x3FA2] =	sst s6  }
0xf: {  	[smem:$0x3FA3] =	sst s7  }
0x10: {  	[smem:$0x3FA4] =	sst s8  }
0x11: {  	[smem:$0x3FA5] =	sst s9;
	s0 =	simm.s32 @!p0 $0x0  }
0x12: {  	s1 =	sld [smem:$0x3F8B];
	s0 =	simm.s32 @p0 $0x1  }
0x13: {  	[smem:$0x3FA6] =	sst s0;
	s0 =	simm.s32 @!p1 $0x0  }
0x14: {  	s2 =	sld [smem:$0x3F8A];
	s0 =	simm.s32 @p1 $0x1  }
0x15: {  	[smem:$0x3FA7] =	sst s0;
	s0 =	simm.s32 @!p2 $0x0  }
0x16: {  	s3 =	sld [smem:$0x3FDB];
	s0 =	simm.s32 @p2 $0x1  }
0x17: {  	s4 =	simm.s32 $0x1BF5;
	[smem:$0x3FA9] =	sst s0  }
0x18: {  	s0 =	sld [smem:$0x3F8C];
	_ =	swait.ge [sflag:s4], $0x0  }
0x19: {  	s7 =	sld [smem:$0x3F8D]  }
0x1a: {  	s8 =	sadd.s32 $0xFFFFE003, lr  }
0x1b: {  	s9 =	sadd.s32 $0xFFFFFEF7, lr;
	s5 =	simm.s32 $0xFFFFFFFF;
	p2 =	slt.u32 s8, $0xFFFFF086  }
0x1c: {  	p1 =	slt.u32 s9, $0xF7A;
	s5 =	simm.s32 @!p2 $0x0  }
0x1d: {  	s5 =	simm.s32 @p1 $0x1;
	p0 =	seq.s32 s7, s2  }
0x1e: {  	s7 =	smul.u32 @!p0 $0xF7A, s2;
	p2 =	seq.s32 @!p0 s5, $0x0  }
0x1f: {  	s9 =	smul.u32 $0xF7A, s1;
	s8 =	simm.s32 @!p0 $0x1BF5;
	p2 =	por !p2, p0  }
0x20: {  	[sflag:s8] =	ssyncset.s32 @!p0 $0xFFFFF086;
	s6 =	sadd.s32 @!p0 s3, s7;
	s7 =	simm.s32 @!p0 $0x108  }
0x21: {  	s3 =	sadd.s32 s3, s9;
	s6 =	sadd.s32 @!p0 $0x88, s6;
	s7 =	simm.s32 @p2 $0x1082  }
0x22: {  	[simem:s7], [sflag:s8] =	dma.local @!p0 [hbm:s6], $0xF7A  }
0x23: {  	s9 =	sor.u32 $0xD0000000, s2;
	s6 =	simm.s32 $0x108;
	_ =	swait.ge @!p0 [sflag:s8], $0x0  }
0x24: {  	s3 =	sadd.s32 $0x88, s3;
	s6 =	simm.s32 @!p1 $0x1082;
	[sflag:s4] =	ssyncset.s32 $0xFFFFF086  }
0x25: {  	[simem:s6], [sflag:s4] =	dma.local [hbm:s3], $0xF7A  }
0x26: {  	[smem:$0x3F8D] =	sst s1;
	(tag) =	ssettag s2;
	_ =	strace s9  }
0x27: {  	s1 =	sld [smem:$0x3F9D]  }
0x28: {  	s2 =	sld [smem:$0x3F9E]  }
0x29: {  	s4 =	sld [smem:$0x3FA0]  }
0x2a: {  	p0 =	seq.s32 s5, $0x0;
	s5 =	sld [smem:$0x3FA1]  }
0x2b: {  	s6 =	sld [smem:$0x3FA2]  }
0x2c: {  	s7 =	sld [smem:$0x3FA3]  }
0x2d: {  	s3 =	simm.s32 $0x108;
	s8 =	sld [smem:$0x3FA4]  }
0x2e: {  	s3 =	simm.s32 @!p0 $0x1082;
	s9 =	sld [smem:$0x3FA5]  }
0x2f: {  	lr =	sadd.s32 s0, s3;
	s0 =	sld [smem:$0x3F9C]  }
0x30: {  	s3 =	sld [smem:$0x3F9F]  }
0x31: {  	[smem:$0x3FA8] =	sst s10  }
0x32: {  	s10 =	sld [smem:$0x3FA6];
	_ =	sdelay $0x3  }
0x33: {  	p0 =	seq.s32 s10, $0x1;
	s10 =	sld [smem:$0x3FA8];
	_ =	sdelay $0x3  }
0x34: {  	[smem:$0x3FA8] =	sst s10  }
0x35: {  	s10 =	sld [smem:$0x3FA7];
	_ =	sdelay $0x3  }
0x36: {  	p1 =	seq.s32 s10, $0x1;
	s10 =	sld [smem:$0x3FA8];
	_ =	sdelay $0x3  }
0x37: {  	[smem:$0x3FA8] =	sst s10  }
0x38: {  	s10 =	sld [smem:$0x3FA9]  }
0x39: {  	_ = 	snop;
	(pc) =	sbr.ind lr, $3  }
0x3a: {  	_ = 	snop  }
0x3b: {  	_ = 	snop  }
0x3c: {  	p2 =	seq.s32 s10, $0x1;
	s10 =	sld [smem:$0x3FA8]  }
0x3d: {  	_ =	shalt  }
0x3e: {  	_ =	shalt  }
0x3f: {  	_ =	shalt  }
0x40: {  	_ =	shalt  }
0x41: {  	_ =	shalt  }
0x42: {  	_ =	shalt  }
0x43: {  	_ =	shalt  }
0x44: {  	_ =	shalt  }
0x45: {  	_ =	shalt  }
0x46: {  	_ =	shalt  }
0x47: {  	_ =	shalt  }
0x48: {  	_ =	shalt  }
0x49: {  	_ =	shalt  }
0x4a: {  	_ =	shalt  }
0x4b: {  	_ =	shalt  }
0x4c: {  	_ =	shalt  }
0x4d: {  	_ =	shalt  }
0x4e: {  	_ =	shalt  }
0x4f: {  	_ =	shalt  }
0x50: {  	_ =	shalt  }
0x51: {  	_ =	shalt  }
0x52: {  	_ =	shalt  }
0x53: {  	_ =	shalt  }
0x54: {  	_ =	shalt  }
0x55: {  	_ =	shalt  }
0x56: {  	_ =	shalt  }
0x57: {  	_ =	shalt  }
0x58: {  	_ =	shalt  }
0x59: {  	_ =	shalt  }
0x5a: {  	_ =	shalt  }
0x5b: {  	_ =	shalt  }
0x5c: {  	_ =	shalt  }
0x5d: {  	_ =	shalt  }
0x5e: {  	_ =	shalt  }
0x5f: {  	_ =	shalt  }
0x60: {  	_ =	shalt  }
0x61: {  	_ =	shalt  }
0x62: {  	_ =	shalt  }
0x63: {  	_ =	shalt  }
0x64: {  	_ =	shalt  }
0x65: {  	_ =	shalt  }
0x66: {  	_ =	shalt  }
0x67: {  	_ =	shalt  }
0x68: {  	_ =	shalt  }
0x69: {  	_ =	shalt  }
0x6a: {  	_ =	shalt  }
0x6b: {  	_ =	shalt  }
0x6c: {  	_ =	shalt  }
0x6d: {  	_ =	shalt  }
0x6e: {  	_ =	shalt  }
0x6f: {  	_ =	shalt  }
0x70: {  	_ =	shalt  }
0x71: {  	_ =	shalt  }
0x72: {  	_ =	shalt  }
0x73: {  	_ =	shalt  }
0x74: {  	_ =	shalt  }
0x75: {  	_ =	shalt  }
0x76: {  	_ =	shalt  }
0x77: {  	_ =	shalt  }
0x78: {  	_ =	shalt  }
0x79: {  	_ =	shalt  }
0x7a: {  	_ =	shalt  }
0x7b: {  	_ =	shalt  }
0x7c: {  	_ =	shalt  }
0x7d: {  	_ =	shalt  }
0x7e: {  	_ =	shalt  }
0x7f: {  	_ =	shalt  }
0x80: {  	_ =	shalt  }
0x81: {  	_ =	shalt  }
0x82: {  	_ =	shalt  }
0x83: {  	_ =	shalt  }
0x84: {  	_ =	shalt  }
0x85: {  	_ =	shalt  }
0x86: {  	_ =	shalt  }
0x87: {  	_ =	shalt  }
.Lfunc_end0:
.L_simem_size_0:
called_computation.3_lowered:
.L_overlay_start_0:
0x88: {  	s2 =	sld [smem:$0x3FD9]  }
0x89: {  	s3 =	sld [smem:$0x3FFE];
	_ =	sdelay $0x1  }
0x8a: {  	s1 =	srdreg.scid  }
0x8b: {  	s0 =	sand.u32 $0x1, s1  }
0x8c: {  	s16 =	sshll.u32 s0, $0xA;
	s2 =	sadd.s32 s3, s2  }
0x8d: {  	s2 =	sadd.s32 s2, s16  }
0x8e: {  	[smem:$0x3FB4] =	sst s2  }
0x8f: {  	_ = 	snop  }
0x90: {  	(tm) =	ssettm $0x1  }
0x91: {  	s17 =	sld [smem:$0x3FFB];
	_ =	sdelay $0x3  }
0x92: {  	_ =	strace s17  }
0x93: {  	s2 =	sld [smem:$0x3FFC];
	_ =	sdelay $0x3  }
0x94: {  	_ =	strace s2  }
0x95: {  	s2 =	sld [smem:$0x3FFD];
	_ =	sdelay $0x3  }
0x96: {  	_ =	strace s2  }
0x97: {  	_ =	strace $0x8FFFFFFF  }
0x98: {  	s18 =	sld [smem:$0x3FDB];
	_ =	sdelay $0x1  }
0x99: {  	s19 =	simm.s32 $_scs_section_size  }
0x9a: {  	s4 =	simm.s32 $_size__tile_overlayer_lowered;
	s5 =	simm.s32 $_tile_overlayer_lowered  }
0x9b: {  	s22 =	simm.s32 $0x1BFF;
	s21 =	sshll.u32 s5, $0x1;
	s2 =	sadd.s32 s19, s18  }
0x9c: {  	s6 =	simm.s32 $0x0;
	s20 =	sshll.u32 s4, $0x1;
	s4 =	sadd.s32 s21, s2  }
0x9d: {  	[timem:s6], [sflag:s22] =	dma.local [hbm:s4], s20  }
0x9e: {  	_ =	swait.ge [sflag:s22], s20  }
0x9f: {  	s3 =	ssub.s32 $0x0, s20;
	[sflag:s22] =	ssyncset.done $0x0  }
0xa0: {  	[sflag:s22] =	ssyncadd.s32 s3;
	_ =	sdelay $0x1  }
0xa1: {  	s23 =	simm.s32 $0x1B8B  }
0xa2: {  	_ =	swait.ge [sflag:s23], $0x1  }
0xa3: {  	[sflag:s23] =	ssyncset.done $0x0  }
0xa4: {  	s25 =	simm.s32 $0x1B8E;
	s24 =	sld [smem:$0x3FFE];
	[sflag:s23] =	ssyncadd.s32 $0xFFFFFFFF  }
0xa5: {  	s26 =	simm.s32 $execute0_lowered;
	[smem:$0x3FD2] =	sst s25  }
0xa6: {  	s4 =	sshll.u32 s26, $0x1;
	_ =	strace $0x8000004F;
	[dreg:$0x1] =	wrdreg $0xFFFFFFFF  }
0xa7: {  	s28 =	simm.s32 $_size_execute0_lowered;
	s2 =	sadd.s32 s2, s4;
	[dreg:$0x0] =	wrdreg $0x0  }
0xa8: {  	s4 =	sshll.u32 s28, $0x1;
	[dreg:$0x2] =	wrdreg s2  }
0xa9: {  	[dreg:$0x3] =	wrdreg s4  }
0xaa: {  	[dreg:$0x4] =	wrdreg $0xC0  }
0xab: {  	_ =	task [dreg:s6], $0x5FFFF  }
0xac: {  	[dreg:$0x1] =	wrdreg $0xFFFFFFFF  }
0xad: {  	[dreg:$0x0] =	wrdreg $0x60  }
0xae: {  	[dreg:$0x2] =	wrdreg s24  }
0xaf: {  	[dreg:$0x3] =	wrdreg $0xB7800  }
0xb0: {  	[dreg:$0x4] =	wrdreg $0x9  }
0xb1: {  	_ =	task.clear_ibuf [dreg:s6], $0x5FFFF;
	_ =	strace $0x9000004F  }
0xb2: {  	s29 =	simm.s32 $0x9;
	_ =	strace $0x80000051  }
0xb3: {  	_ =	swait.ge [sflag:s29], $0x1  }
0xb4: {  	[sflag:s29] =	ssyncadd.s32 $0xFFFFFFFF  }
0xb5: {  	_ =	strace $0x90000051  }
0xb6: {  	_ =	sfence  }
0xb7: {  	s30 =	sld [smem:$0x0];
	_ =	sdelay $0x2  }
0xb8: {  	s31 =	sshll.u32 s1, $0xD;
	s1 =	sshrl.u32 s1, $0x2  }
0xb9: {  	s3 =	sand.u32 $0x4000, s31;
	s1 =	sadd.s32 s1, s30  }
0xba: {  	s0 =	sor.u32 s3, s0;
	s1 =	sshll.u32 s1, $0x11  }
0xbb: {  	s0 =	sor.u32 s1, s0  }
0xbc: {  	s0 =	sadd.s32 $0x8F2B, s0  }
0xbd: {  	[sflag:s0] =	ssyncadd.remote.s32 $0x1  }
0xbe: {  	_ =	sfence.sel $0xFFFF  }
0xbf: {  	[dreg:$0x0] =	wrdreg $0xFFFFFFFF;
	(pc) =	sbr.abs _section_cstart, $3  }
0xc0: {  	[dreg:$0x1] =	wrdreg $0xFFFFFFFF  }
0xc1: {  	_ =	task.clear_ibuf [dreg:s6], $0x2FFFF;
	_ =	strace $0x9FFFFFFF  }
0xc2: {  	(tm) =	ssettm $0x7FFFFFFF  }
0xc3: {  	_ =	shalt  }
tec
execute0_lowered:
.L_overlay_start_1:
0x0: {  	(tag) =	ssettag $0x1  }
0x1: {  	s0 =	srdreg.scid  }
0x2: {  	s24 =	stileid.u32;
	s5 =	rddreg [dreg:$0x0]  }
0x3: {  	s2 =	rddreg [dreg:$0x1];
	s3 =	simm.s32 $0x0;
	s20 =	simm.s32 $0x400  }
0x4: {  	s21 =	simm.s32 $0x2;
	s22 =	simm.s32 $0x2780;
	s23 =	simm.s32 $0x6780  }
0x5: {  	s28 =	simm.s32 $0x6580;
	s29 =	simm.s32 $0x0;
	s8 =	sand.u32 $0x1, s0  }
0x6: {  	s25 =	sshll.u32 s24, $0x7;
	[smem:$0x7FF] =	sst s3;
	s10 =	smul.u32 $0x4E000, s24  }
0x7: {  	s16 =	sadd.s32 $0x61A00, s5;
	s15 =	smul.u32 $0x13800, s24;
	p0 =	sne.s32 s24, $0xF  }
0x8: {  	s1 =	sshll.u32 s8, $0x4;
	s7 =	sand.u32 $0x380, s25;
	_ =	strace $0x80000050  }
0x9: {  	s9 =	ssub.s32 $0x2, s8;
	s14 =	smul.u32 $0x138800, s8;
	s25 =	simm.s32 $0x1  }
0xa: {  	s4 =	sor.u32 s24, s1;
	s30 =	sshrl.u32 s9, $0x1;
	s31 =	sshrl.u32 s10, $0x2  }
0xb: {  	s24 =	simm.s32 $0x50;
	s1 =	sshrl.u32 s4, $0x3;
	s4 =	sshll.u32 s4, $0xB  }
0xc: {  	s18 =	ssub.s32 s9, s30;
	s15 =	sadd.s32 s15, s14;
	s17 =	sshrl.u32 s14, $0x3  }
0xd: {  	s6 =	smul.u32 $0x13C00, s1;
	s26 =	sadd.s32 s4, s5;
	s4 =	sadd.s32 $0x3A800, s5  }
0xe: {  	s19 =	sshrl.u32 s15, $0x3;
	s17 =	sadd.s32 s16, s17;
	s15 =	sadd.s32 $0x138000, s2  }
0xf: {  	s18 =	smax.u32 s18, $0x1;
	s16 =	sadd.s32 s16, s19;
	s17 =	sadd.s32 $0x27000, s17  }
0x10: {  	s19 =	stileid.u32;
	s6 =	sor.u32 s7, s6;
	s7 =	sadd.s32 s31, s2  }
0x11: {  	s6 =	sshrl.u32 s6, $0x3;
	s8 =	sadd.s32 $0x2800, s7;
	s9 =	sadd.s32 $0x5000, s7  }
0x12: {  	s10 =	sadd.s32 $0x7800, s7;
	s11 =	sadd.s32 $0xA000, s7;
	s12 =	sadd.s32 $0xC800, s7  }
0x13: {  	s13 =	sadd.s32 $0xF000, s7;
	s14 =	sadd.s32 $0x11800, s7;
	s6 =	sadd.s32 s6, s5  }
0x14: {  	v0 =	vimm.f32 $0.0e+00;
	s5 =	sadd.s32 $0x26C00, s6;
	s6 =	sadd.s32 $0x16C00, s26;
	s26 =	simm.s32 $0x8F80  }
.LBB2_1:
0x15: {  	s0 =	simm.s32 $0x80  }
0x16: {  	[tilespmem:s3], [sflag:$0x2] =	stream.strided.gather [hbm4b:s5+s0], $0x2780, s20, s0, $0x38;
	[tilespmem:$0x1F000] =	vst v63  }
0x17: {  	_ =	swait.ge [sflag:s21], $0x2780  }
0x18: {  	[sflag:s21] =	ssyncset.done $0x0  }
0x19: {  	[sflag:s21] =	ssyncadd.s32 $0xFFFFD880  }
0x1a: {  	[tilespmem:s22], [sflag:$0x2] =	stream.linear.gather [hbm4b:s6+s3], $0x3E80, $0x38;
	[tilespmem:$0x1F000] =	vst v63  }
0x1b: {  	_ =	swait.ge [sflag:s21], $0x3E80  }
0x1c: {  	[sflag:s21] =	ssyncset.done $0x0  }
0x1d: {  	s30 =	simm.s32 $0x0;
	s31 =	simm.s32 $0x200;
	[sflag:s21] =	ssyncadd.s32 $0xFFFFC180  }
.LBB2_2:
0x1e: {  	p1 =	sne.s32 s31, $0x9E00;
	[tilespmem:s30+$0x67F0] =	vst v0  }
0x1f: {  	[tilespmem:s30+$0x6780] =	vst v0  }
0x20: {  	[tilespmem:s30+$0x6790] =	vst v0  }
.Ltmp0:
0x21: {  	[tilespmem:s30+$0x67A0] =	vst v0;
	(pc) =	sbr.rel @p1 .LBB2_2-.Ltmp0, $4  }
0x22: {  	[tilespmem:s30+$0x67B0] =	vst v0  }
0x23: {  	[tilespmem:s30+$0x67C0] =	vst v0  }
0x24: {  	[tilespmem:s30+$0x67D0] =	vst v0  }
0x25: {  	[tilespmem:s30+$0x67E0] =	vst v0;
	s30 =	sshra.s32 s31, $0x2;
	s31 =	sadd.s32 $0x200, s31  }
0x26: {  	[tilespmem:s30+$0x67F0] =	vst v0  }
0x27: {  	[tilespmem:s30+$0x6780] =	vst v0  }
0x28: {  	[tilespmem:s30+$0x6790] =	vst v0  }
0x29: {  	[tilespmem:s30+$0x67A0] =	vst v0  }
0x2a: {  	[tilespmem:s30+$0x67B0] =	vst v0  }
0x2b: {  	[tilespmem:s30+$0x67C0] =	vst v0  }
0x2c: {  	[tilespmem:s30+$0x67D0] =	vst v0  }
0x2d: {  	[tilespmem:s30+$0x67E0] =	vst v0  }
0x2e: {  	[spmem:s7] =	stream.linear.scatter [tilespmem:s23], [sflag:$0x2], $0x2800, $0x38;
	[tilespmem:$0x1F000] =	vst v63  }
0x2f: {  	_ =	swait.ge [sflag:s21], $0x2800  }
0x30: {  	[sflag:s21] =	ssyncset.done $0x0  }
0x31: {  	[sflag:s21] =	ssyncadd.s32 $0xFFFFD800  }
0x32: {  	[spmem:s8] =	stream.linear.scatter [tilespmem:s23], [sflag:$0x2], $0x2800, $0x38;
	[tilespmem:$0x1F000] =	vst v63  }
0x33: {  	_ =	swait.ge [sflag:s21], $0x2800  }
0x34: {  	[sflag:s21] =	ssyncset.done $0x0  }
0x35: {  	[sflag:s21] =	ssyncadd.s32 $0xFFFFD800  }
0x36: {  	[spmem:s9] =	stream.linear.scatter [tilespmem:s23], [sflag:$0x2], $0x2800, $0x38;
	[tilespmem:$0x1F000] =	vst v63  }
0x37: {  	_ =	swait.ge [sflag:s21], $0x2800  }
0x38: {  	[sflag:s21] =	ssyncset.done $0x0  }
0x39: {  	[sflag:s21] =	ssyncadd.s32 $0xFFFFD800  }
0x3a: {  	[spmem:s10] =	stream.linear.scatter [tilespmem:s23], [sflag:$0x2], $0x2800, $0x38;
	[tilespmem:$0x1F000] =	vst v63  }
0x3b: {  	_ =	swait.ge [sflag:s21], $0x2800  }
0x3c: {  	[sflag:s21] =	ssyncset.done $0x0  }
0x3d: {  	[sflag:s21] =	ssyncadd.s32 $0xFFFFD800  }
0x3e: {  	[spmem:s11] =	stream.linear.scatter [tilespmem:s23], [sflag:$0x2], $0x2800, $0x38;
	[tilespmem:$0x1F000] =	vst v63  }
0x3f: {  	_ =	swait.ge [sflag:s21], $0x2800  }
0x40: {  	[sflag:s21] =	ssyncset.done $0x0  }
0x41: {  	[sflag:s21] =	ssyncadd.s32 $0xFFFFD800  }
0x42: {  	[spmem:s12] =	stream.linear.scatter [tilespmem:s23], [sflag:$0x2], $0x2800, $0x38;
	[tilespmem:$0x1F000] =	vst v63  }
0x43: {  	_ =	swait.ge [sflag:s21], $0x2800  }
0x44: {  	[sflag:s21] =	ssyncset.done $0x0  }
0x45: {  	[sflag:s21] =	ssyncadd.s32 $0xFFFFD800  }
0x46: {  	[spmem:s13] =	stream.linear.scatter [tilespmem:s23], [sflag:$0x2], $0x2800, $0x38;
	[tilespmem:$0x1F000] =	vst v63  }
0x47: {  	_ =	swait.ge [sflag:s21], $0x2800  }
0x48: {  	[sflag:s21] =	ssyncset.done $0x0  }
0x49: {  	[sflag:s21] =	ssyncadd.s32 $0xFFFFD800  }
0x4a: {  	[spmem:s14] =	stream.linear.scatter [tilespmem:s23], [sflag:$0x2], $0x2000, $0x38;
	[tilespmem:$0x1F000] =	vst v63  }
0x4b: {  	_ =	swait.ge [sflag:s21], $0x2000  }
0x4c: {  	[sflag:s21] =	ssyncset.done $0x0  }
0x4d: {  	s30 =	simm.s32 @!p0 $0x6780;
	[sflag:s21] =	ssyncadd.s32 $0xFFFFE000  }
0x4e: {  	[spmem:s15] =	stream.linear.scatter @!p0 [tilespmem:s30], [sflag:$0x2], $0x800, $0x38;
	[tilespmem:$0x1F000] =	vst v63  }
0x4f: {  	s30 =	simm.s32 @!p0 $0x2  }
0x50: {  	_ =	swait.ge @!p0 [sflag:s30], $0x800  }
0x51: {  	[sflag:s30] =	ssyncset.done @!p0 $0x0  }
0x52: {  	[sflag:s30] =	ssyncadd.s32 @!p0 $0xFFFFF800  }
0x53: {  	s30 =	simm.s32 $0x0;
	[bflag:$0x0] =	sbarrier.arrive $0xFFFF  }
0x54: {  	[tilespmem:s23], [sflag:$0x1] =	stream.indirect.gather [hbm4b:s4+s24], $0x80, s30, s24, $0xb8;
	[tilespmem:$0x1F000] =	vst v63  }
0x55: {  	_ =	swait.ge [sflag:s25], $0x2800  }
0x56: {  	[sflag:s25] =	ssyncset.done $0x0  }
0x57: {  	s30 =	simm.s32 $0x50;
	[sflag:s25] =	ssyncadd.s32 $0xFFFFD800  }
0x58: {  	[tilespmem:s26], [sflag:$0x1] =	stream.indirect.gather [hbm4b:s4+s24], $0x80, s30, s24, $0xb8;
	[tilespmem:$0x1F000] =	vst v63  }
0x59: {  	s30 =	simm.s32 $0x2780  }
0x5a: {  	[spmem:s2] =	stream.indirect.scatter.add.f32 [tilespmem:s23], [sflag:$0x2], $0x80, s30, s24, $0xb8;
	[tilespmem:$0x1F000] =	vst v63  }
0x5b: {  	_ =	swait.ge [sflag:s21], $0x2800  }
0x5c: {  	[sflag:s21] =	ssyncset.done $0x0  }
0x5d: {  	s30 =	simm.s32 $0xA0;
	[sflag:s21] =	ssyncadd.s32 $0xFFFFD800  }
0x5e: {  	[tilespmem:s23], [sflag:$0x1] =	stream.indirect.gather [hbm4b:s4+s24], $0x80, s30, s24, $0xb8;
	[tilespmem:$0x1F000] =	vst v63  }
0x5f: {  	_ =	swait.ge [sflag:s25], $0x2800  }
0x60: {  	[sflag:s25] =	ssyncset.done $0x0  }
0x61: {  	s31 =	simm.s32 $0x2800;
	[sflag:s25] =	ssyncadd.s32 $0xFFFFD800  }
0x62: {  	[spmem:s2] =	stream.indirect.scatter.add.f32 [tilespmem:s26], [sflag:$0x2], $0x80, s31, s24, $0xb8;
	[tilespmem:$0x1F000] =	vst v63  }
0x63: {  	_ =	swait.ge [sflag:s21], $0x2800  }
0x64: {  	s31 =	simm.s32 $0x400;
	[sflag:s21] =	ssyncset.done $0x0  }
.LBB2_4:
0x65: {  	p1 =	sne.s32 s31, $0xF400;
	[sflag:s21] =	ssyncadd.s32 $0xFFFFD800;
	s30 =	sadd.s32 $0xA0, s30  }
0x66: {  	s1 =	smov.u32 s31;
	s31 =	sadd.s32 $0x400, s31;
	_ =	swait.ge [sflag:s25], $0x2800  }
0x67: {  	[sflag:s25] =	ssyncset.done $0x0  }
0x68: {  	s0 =	sadd.s32 $0xFFFFFFB0, s30;
	s1 =	sshra.s32 s1, $0x2;
	[sflag:s25] =	ssyncadd.s32 $0xFFFFD800  }
0x69: {  	[tilespmem:s26], [sflag:$0x1] =	stream.indirect.gather [hbm4b:s4+s24], $0x80, s0, s24, $0xb8;
	[tilespmem:$0x1F000] =	vst v63  }
0x6a: {  	s0 =	sadd.s32 $0x2780, s1  }
0x6b: {  	[spmem:s2] =	stream.indirect.scatter.add.f32 [tilespmem:s23], [sflag:$0x2], $0x80, s0, s24, $0xb8;
	[tilespmem:$0x1F000] =	vst v63  }
0x6c: {  	_ =	swait.ge [sflag:s21], $0x2800  }
0x6d: {  	[sflag:s21] =	ssyncset.done $0x0  }
0x6e: {  	[sflag:s21] =	ssyncadd.s32 $0xFFFFD800  }
0x6f: {  	[tilespmem:s23], [sflag:$0x1] =	stream.indirect.gather [hbm4b:s4+s24], $0x80, s30, s24, $0xb8;
	[tilespmem:$0x1F000] =	vst v63  }
0x70: {  	_ =	swait.ge [sflag:s25], $0x2800  }
.Ltmp1:
0x71: {  	[sflag:s25] =	ssyncset.done $0x0;
	(pc) =	sbr.rel @p1 .LBB2_4-.Ltmp1, $4  }
0x72: {  	s0 =	sadd.s32 $0x2800, s1;
	[sflag:s25] =	ssyncadd.s32 $0xFFFFD800  }
0x73: {  	[spmem:s2] =	stream.indirect.scatter.add.f32 [tilespmem:s26], [sflag:$0x2], $0x80, s0, s24, $0xb8;
	[tilespmem:$0x1F000] =	vst v63  }
0x74: {  	_ =	swait.ge [sflag:s21], $0x2800  }
0x75: {  	[sflag:s21] =	ssyncset.done $0x0  }
0x76: {  	[sflag:s21] =	ssyncadd.s32 $0xFFFFD800  }
0x77: {  	_ =	swait.ge [sflag:s25], $0x2800  }
0x78: {  	[sflag:s25] =	ssyncset.done $0x0  }
0x79: {  	[sflag:s25] =	ssyncadd.s32 $0xFFFFD800  }
0x7a: {  	[spmem:s2] =	stream.indirect.scatter.add.f32 [tilespmem:s23], [sflag:$0x2], $0x80, s28, s24, $0xb8;
	[tilespmem:$0x1F000] =	vst v63  }
0x7b: {  	_ =	swait.ge [sflag:s21], $0x2800  }
0x7c: {  	[sflag:s21] =	ssyncset.done $0x0  }
0x7d: {  	s0 =	sshll.u32 s19, $0x6;
	[sflag:s21] =	ssyncadd.s32 $0xFFFFD800  }
0x7e: {  	s1 =	sshrl.u32 s7, $0x3;
	s0 =	sor.u32 $0x1C02, s0;
	[bflag:$0x0] =	sbarrier.arrive $0xFFFF  }
0x7f: {  	[hbm:s16], [sflag:s0] =	dma.local [spmem:s1], $0x2700  }
0x80: {  	_ =	swait.ge [sflag:s21], $0x2700  }
0x81: {  	s29 =	sadd.s32 $0x1, s29;
	[sflag:s21] =	ssyncset.done $0x0  }
0x82: {  	p1 =	sne.s32 s29, s18;
	s1 =	sshrl.u32 @!p0 s15, $0x3;
	[sflag:s21] =	ssyncadd.s32 $0xFFFFD900  }
0x83: {  	[hbm:s17], [sflag:s0] =	dma.local @!p0 [spmem:s1], $0x100  }
.Ltmp2:
0x84: {  	_ = 	snop;
	(pc) =	sbr.rel @p1 .LBB2_1-.Ltmp2, $4  }
0x85: {  	s0 =	simm.s32 @!p0 $0x2  }
0x86: {  	_ =	swait.ge @!p0 [sflag:s0], $0x100  }
0x87: {  	[sflag:s0] =	ssyncset.done @!p0 $0x0  }
0x88: {  	[sflag:s0] =	ssyncadd.s32 @!p0 $0xFFFFFF00  }
0x89: {  	_ =	sfence.sel $0x180000  }
0x8a: {  	[bflag:$0x0] =	sbarrier.arrive $0xFFFF  }
0x8b: {  	_ =	strace $0x90000050  }
0x8c: {  	[bflag:$0x2] =	sbarrier.arrive $0xFFFF  }
0x8d: {  	p0 =	sne.s32 s19, $0x0;
	s0 =	rddreg [dreg:$0x2]  }
0x8e: {  	s0 =	sadd.s32 @!p0 $0x100000, s0  }
0x8f: {  	[sflag:s0] =	ssyncadd.tile.s32 @!p0 $0x1;
	_ =	shalt  }
.Lfunc_end2:
_tile_overlayer_lowered:
.L_overlay_start_2:
0x90: {  	(tag) =	ssettag $0x2  }
0x91: {  	s0 =	rddreg [dreg:$0x0];
	s2 =	stileid.u32  }
0x92: {  	s1 =	rddreg [dreg:$0x1];
	p0 =	sne.s32 s2, $0x0  }
0x93: {  	s3 =	rddreg [dreg:$0x2];
	[bflag:$0x3] =	sbarrier.arrive $0xFFFF;
	s2 =	simm.s32 @!p0 $0x1C02  }
0x94: {  	[timem:s3], [sflag:s2] =	dma.local @!p0 [hbm:s0], s1  }
0x95: {  	s0 =	simm.s32 @!p0 $0x2  }
0x96: {  	_ =	swait.ge @!p0 [sflag:s0], s1  }
0x97: {  	s1 =	ssub.s32 @!p0 $0x0, s1;
	[sflag:s0] =	ssyncset.done @!p0 $0x0  }
0x98: {  	[sflag:s0] =	ssyncadd.s32 @!p0 s1  }
0x99: {  	[bflag:$0x3] =	sbarrier.arrive $0xFFFF  }
0x9a: {  	_ =	shalt  }

</sc_bundles>
